<compile_context>
chip_gen: v7x
topology: tpu7x:2x2x1
jax: 0.10.2.dev20260603
libtpu: 0.0.44.dev20260713+nightly
codegen_flags: <defaults>
</compile_context>

<pallas_src>
import functools

import jax
import jax.numpy as jnp
from jax import lax
from jax.experimental import pallas as pl
from jax.experimental.pallas import tpu as pltpu
from jax.experimental.pallas import tpu_sc as plsc

_N = 10000
_E = 20000
_NODE_IN = 16
_EDGE_IN = 4
_HID = 32
_G = 8

_NW = 32
_EP = 20480
_EW = _EP // _NW
_KC = _EW // 128
_NP = 10240
_NSUB = _NP // 16
_MW = 128
_AW = 48
_EB = 1024



def _sc_mesh():
    return plsc.VectorSubcoreMesh(core_axis_name="c", subcore_axis_name="s")


def _gather_body(table_hbm, idx3_hbm, out_hbm, idx_v, rows_v, sem):
    cid = lax.axis_index("c")
    sid = lax.axis_index("s")
    wid = sid * 2 + cid
    pltpu.sync_copy(idx3_hbm.at[wid], idx_v)
    cps = [
        pltpu.async_copy(table_hbm.at[idx_v.at[j]],
                         rows_v.at[pl.ds(j * 128, 128)], sem)
        for j in range(_KC)
    ]
    for c in cps:
        c.wait()
    pltpu.sync_copy(rows_v, out_hbm.at[pl.ds(wid * _EW, _EW)])


_GATHER_FN = None


def _sc_gather(table, idx3):
    global _GATHER_FN
    if _GATHER_FN is None:
        _GATHER_FN = pl.kernel(
            _gather_body,
            mesh=_sc_mesh(),
            out_type=jax.ShapeDtypeStruct((_EP, _MW), jnp.float32),
            scratch_types=[
                pltpu.VMEM((8, 128), jnp.int32),
                pltpu.VMEM((_EW, _MW), jnp.float32),
                pltpu.SemaphoreType.DMA,
            ],
            compiler_params=pltpu.CompilerParams(use_tc_tiling_on_sc=False),
        )
    return _GATHER_FN(table, idx3)


def _scatter_body(msg_hbm, idx3_hbm, zero_hbm, out_hbm, idx_v, msg_v, acc_sh):
    cid = lax.axis_index("c")
    sid = lax.axis_index("s")
    wid = sid * 2 + cid
    pltpu.sync_copy(idx3_hbm.at[wid], idx_v)
    pltpu.sync_copy(msg_hbm.at[pl.ds(wid * _EW, _EW), pl.ds(0, _AW)], msg_v)
    pltpu.sync_copy(zero_hbm.at[pl.ds(sid * _NSUB, _NSUB)],
                    acc_sh.at[pl.ds(sid * _NSUB, _NSUB)])
    plsc.subcore_barrier()
    for j in range(_KC):
        pltpu.sync_copy(msg_v.at[pl.ds(j * 128, 128)],
                        acc_sh.at[idx_v.at[j]], add=True)
    plsc.subcore_barrier()
    off = cid * _NP + sid * _NSUB
    pltpu.sync_copy(acc_sh.at[pl.ds(sid * _NSUB, _NSUB)],
                    out_hbm.at[pl.ds(off, _NSUB), pl.ds(0, _AW)])


_SCATTER_FN = None


def _sc_scatter_add(msg, idx3, zero128):
    global _SCATTER_FN
    if _SCATTER_FN is None:
        _SCATTER_FN = pl.kernel(
            _scatter_body,
            mesh=_sc_mesh(),
            out_type=jax.ShapeDtypeStruct((2 * _NP, _MW), jnp.float32),
            scratch_types=[
                pltpu.VMEM((8, 128), jnp.int32),
                pltpu.VMEM((_EW, _AW), jnp.float32),
                pltpu.VMEM_SHARED((_NP, _AW), jnp.float32),
            ],
            compiler_params=pltpu.CompilerParams(use_tc_tiling_on_sc=False),
        )
    return _SCATTER_FN(msg, idx3, zero128)



def _dense_body(in_ch, ea_ref, wa_ref, ba_ref, wb_ref, bb_ref, hs_ref, out_ref):
    b = pl.program_id(0)
    eb = ea_ref.shape[0]
    h = wa_ref.shape[1]
    f32 = jnp.float32
    a = jnp.dot(ea_ref[...], wa_ref[...], preferred_element_type=f32) + ba_ref[...]
    r = jnp.maximum(a, 0.0)
    w = jnp.dot(r, wb_ref[...], preferred_element_type=f32) + bb_ref[...]
    kcol = lax.broadcasted_iota(jnp.int32, (in_ch, h), 1) // _HID
    irow = lax.broadcasted_iota(jnp.int32, (in_ch, h), 0)
    rmat = (kcol == irow).astype(f32)
    hmat = jnp.dot(hs_ref[:, :in_ch], rmat, preferred_element_type=f32)
    krow = lax.broadcasted_iota(jnp.int32, (h, _HID), 0) % _HID
    ocol = lax.broadcasted_iota(jnp.int32, (h, _HID), 1)
    smat = (krow == ocol).astype(f32)
    msg = jnp.dot(hmat * w, smat, preferred_element_type=f32)
    rows = b * eb + lax.broadcasted_iota(jnp.int32, (eb, 1), 0)
    valid = rows < _E
    out_ref[...] = jnp.concatenate(
        [jnp.where(valid, msg, 0.0), valid.astype(f32),
         jnp.zeros((eb, _MW - _HID - 1), f32)], axis=1)


def _tc_dense(ea, wa, ba, wb, bb, hs, in_ch):
    h = wa.shape[1]
    grid = (_EP // _EB,)
    return pl.pallas_call(
        functools.partial(_dense_body, in_ch),
        grid=grid,
        in_specs=[
            pl.BlockSpec((_EB, _EDGE_IN), lambda i: (i, 0)),
            pl.BlockSpec((_EDGE_IN, h), lambda i: (0, 0)),
            pl.BlockSpec((1, h), lambda i: (0, 0)),
            pl.BlockSpec((h, h), lambda i: (0, 0)),
            pl.BlockSpec((1, h), lambda i: (0, 0)),
            pl.BlockSpec((_EB, _MW), lambda i: (i, 0)),
        ],
        out_specs=pl.BlockSpec((_EB, _MW), lambda i: (i, 0)),
        out_shape=jax.ShapeDtypeStruct((_EP, _MW), jnp.float32),
    )(ea, wa, ba.reshape(1, h), wb, bb.reshape(1, h), hs)


def _agg_bn_relu(acc, hprev, root, bias, gamma, beta):
    f32 = jnp.float32
    sp = acc[0] + acc[1]
    s = sp[:, :_HID]
    cnt = sp[:, _HID:_HID + 1]
    inv = 1.0 / jnp.maximum(cnt, 1.0)
    pre = s * inv + jnp.dot(hprev, root, preferred_element_type=f32) + bias
    rows = lax.broadcasted_iota(jnp.int32, (pre.shape[0], 1), 0)
    mask = rows < _N
    pre_m = jnp.where(mask, pre, 0.0)
    mu = jnp.sum(pre_m, axis=0, keepdims=True) * (1.0 / _N)
    var = jnp.sum(jnp.where(mask, (pre - mu) ** 2, 0.0), axis=0,
                  keepdims=True) * (1.0 / _N)
    hn = gamma * (pre - mu) * lax.rsqrt(var + 1e-5) + beta
    return jnp.where(mask, jnp.maximum(hn, 0.0), 0.0)


def _combine_body(acc_ref, x_ref, root_ref, bias_ref, gamma_ref, beta_ref,
                  out_ref):
    h = _agg_bn_relu(acc_ref[...], x_ref[...], root_ref[...],
                     bias_ref[...], gamma_ref[...], beta_ref[...])
    out_ref[...] = jnp.concatenate(
        [h, jnp.zeros((h.shape[0], _MW - _HID), jnp.float32)], axis=1)


def _tc_combine(acc, hprev, root, bias, gamma, beta):
    nin = hprev.shape[1]
    return pl.pallas_call(
        _combine_body,
        grid=(1,),
        in_specs=[
            pl.BlockSpec((2, _NP, _MW), lambda i: (0, 0, 0)),
            pl.BlockSpec((_NP, nin), lambda i: (0, 0)),
            pl.BlockSpec((nin, _HID), lambda i: (0, 0)),
            pl.BlockSpec((1, _HID), lambda i: (0, 0)),
            pl.BlockSpec((1, _HID), lambda i: (0, 0)),
            pl.BlockSpec((1, _HID), lambda i: (0, 0)),
        ],
        out_specs=pl.BlockSpec((_NP, _MW), lambda i: (0, 0)),
        out_shape=jax.ShapeDtypeStruct((_NP, _MW), jnp.float32),
    )(acc, hprev, root, bias.reshape(1, -1), gamma.reshape(1, -1),
      beta.reshape(1, -1))


def _final_body(acc_ref, h1_ref, root_ref, bias_ref, gamma_ref, beta_ref,
                batch_ref, wc1_ref, bc1_ref, wc2_ref, bc2_ref, out_ref):
    f32 = jnp.float32
    h2 = _agg_bn_relu(acc_ref[...], h1_ref[:, :_HID], root_ref[...],
                      bias_ref[...], gamma_ref[...], beta_ref[...])
    gid = lax.broadcasted_iota(jnp.int32, (_NP, _G), 1)
    onehot = (batch_ref[...] == gid).astype(f32)
    seg = lax.dot_general(onehot, h2, (((0,), (0,)), ((), ())),
                          preferred_element_type=f32)
    ones = jnp.ones((_NP, 1), f32)
    cg = lax.dot_general(onehot, ones, (((0,), (0,)), ((), ())),
                         preferred_element_type=f32)
    pooled = seg * (1.0 / jnp.maximum(cg, 1.0))
    hc = jnp.maximum(
        jnp.dot(pooled, wc1_ref[...], preferred_element_type=f32)
        + bc1_ref[...], 0.0)
    out_ref[...] = (jnp.dot(hc, wc2_ref[...], preferred_element_type=f32)
                    + bc2_ref[...])


def _tc_final(acc, h1, root, bias, gamma, beta, batch2, wc1, bc1, wc2, bc2):
    return pl.pallas_call(
        _final_body,
        grid=(1,),
        in_specs=[
            pl.BlockSpec((2, _NP, _MW), lambda i: (0, 0, 0)),
            pl.BlockSpec((_NP, _MW), lambda i: (0, 0)),
            pl.BlockSpec((_HID, _HID), lambda i: (0, 0)),
            pl.BlockSpec((1, _HID), lambda i: (0, 0)),
            pl.BlockSpec((1, _HID), lambda i: (0, 0)),
            pl.BlockSpec((1, _HID), lambda i: (0, 0)),
            pl.BlockSpec((_NP, 1), lambda i: (0, 0)),
            pl.BlockSpec((_HID, 32), lambda i: (0, 0)),
            pl.BlockSpec((1, 32), lambda i: (0, 0)),
            pl.BlockSpec((32, 1), lambda i: (0, 0)),
            pl.BlockSpec((1, 1), lambda i: (0, 0)),
        ],
        out_specs=pl.BlockSpec((_G, 1), lambda i: (0, 0)),
        out_shape=jax.ShapeDtypeStruct((_G, 1), jnp.float32),
    )(acc, h1, root, bias.reshape(1, -1), gamma.reshape(1, -1),
      beta.reshape(1, -1), batch2, wc1, bc1.reshape(1, -1), wc2,
      bc2.reshape(1, 1))



def _idx3(v, pad):
    v = jnp.concatenate([v, jnp.zeros((pad,), jnp.int32)]).reshape(_NW, _KC, 128)
    return jnp.pad(v, ((0, 0), (0, 8 - _KC), (0, 0)))


def kernel(x, edge_index, edge_attr, batch, W1a, b1a, W1b, b1b, root1, bias1,
           gamma1, beta1, W2a, b2a, W2b, b2b, root2, bias2, gamma2, beta2,
           Wc1, bc1, Wc2, bc2):
    f32 = jnp.float32
    i32 = jnp.int32
    pe = _EP - _E
    pn = _NP - _N
    src3 = _idx3(edge_index[0], pe)
    dst3 = _idx3(edge_index[1], pe)
    x128 = jnp.pad(x, ((0, pn), (0, _MW - _NODE_IN)))
    x_p = jnp.concatenate([x, jnp.zeros((pn, _NODE_IN), f32)], axis=0)
    batch2 = jnp.concatenate([batch, jnp.full((pn,), _G, i32)]).reshape(_NP, 1)
    zero128 = jnp.zeros((_NP, _AW), f32)

    xs = _sc_gather(x128, src3)
    m1 = _tc_dense(edge_attr, W1a, b1a, W1b, b1b, xs, _NODE_IN)
    a1 = _sc_scatter_add(m1, dst3, zero128)
    h1 = _tc_combine(a1.reshape(2, _NP, _MW), x_p, root1, bias1, gamma1, beta1)

    h1s = _sc_gather(h1, src3)
    m2 = _tc_dense(edge_attr, W2a, b2a, W2b, b2b, h1s, _HID)
    a2 = _sc_scatter_add(m2, dst3, zero128)

    return _tc_final(a2.reshape(2, _NP, _MW), h1, root2, bias2, gamma2, beta2,
                     batch2, Wc1, bc1, Wc2, bc2)

# --- scband reference (transcript-rebuilt; emitter-appended) ---
"""Pipeline reference for scband-gnnbinary-classifier-63866163692196 (READ-ONLY COPY).

The authoritative reference and input builder live on the scoring server;
editing this copy changes nothing except your own understanding.
"""

import jax, jax.numpy as jnp
import numpy as np

N = 10000
E = 20000
NODE_IN = 16
EDGE_IN = 4
HID = 32
G = 8


def setup_inputs(seed: int = 0):
    key = jax.random.key(seed)
    ks = jax.random.split(key, 16)
    inp = {}
    inp["x"] = jax.random.normal(ks[0], (N, NODE_IN), dtype=jnp.float32)
    inp["edge_index"] = jax.random.randint(ks[1], (2, E), 0, N, dtype=jnp.int32)
    inp["edge_attr"] = jax.random.normal(ks[2], (E, EDGE_IN), dtype=jnp.float32)
    inp["batch"] = jnp.sort(jax.random.randint(ks[3], (N,), 0, G, dtype=jnp.int32))

    def lin(k, fi, fo):
        s = 1.0 / np.sqrt(fi)
        return jax.random.uniform(k, (fi, fo), minval=-s, maxval=s, dtype=jnp.float32)

    h1 = HID * NODE_IN
    h2 = HID * HID
    inp["W1a"] = lin(ks[4], EDGE_IN, h1)
    inp["b1a"] = jnp.zeros((h1,), jnp.float32)
    inp["W1b"] = lin(ks[5], h1, h1)
    inp["b1b"] = jnp.zeros((h1,), jnp.float32)
    inp["root1"] = lin(ks[6], NODE_IN, HID)
    inp["bias1"] = jnp.zeros((HID,), jnp.float32)
    inp["gamma1"] = jnp.ones((HID,), jnp.float32)
    inp["beta1"] = jnp.zeros((HID,), jnp.float32)
    inp["W2a"] = lin(ks[7], EDGE_IN, h2)
    inp["b2a"] = jnp.zeros((h2,), jnp.float32)
    inp["W2b"] = lin(ks[8], h2, h2)
    inp["b2b"] = jnp.zeros((h2,), jnp.float32)
    inp["root2"] = lin(ks[9], HID, HID)
    inp["bias2"] = jnp.zeros((HID,), jnp.float32)
    inp["gamma2"] = jnp.ones((HID,), jnp.float32)
    inp["beta2"] = jnp.zeros((HID,), jnp.float32)
    inp["Wc1"] = lin(ks[10], HID, 32)
    inp["bc1"] = jnp.zeros((32,), jnp.float32)
    inp["Wc2"] = lin(ks[11], 32, 1)
    inp["bc2"] = jnp.zeros((1,), jnp.float32)
    return inp


def reference(x, edge_index, edge_attr, batch, W1a, b1a, W1b, b1b, root1, bias1, gamma1, beta1, W2a, b2a, W2b, b2b, root2, bias2, gamma2, beta2, Wc1, bc1, Wc2, bc2):
    src = edge_index[0]
    dst = edge_index[1]
    ones_e = jnp.ones((E,), jnp.float32)

    def nnconv(h, Wa, ba, Wb, bb, root, bias, in_ch, out_ch):
        # edge MLP: Linear -> ReLU -> Linear, producing per-edge [in_ch, out_ch] weight
        w = jax.nn.relu(edge_attr @ Wa + ba) @ Wb + bb
        w = w.reshape(E, in_ch, out_ch)
        msg = jnp.einsum('ei,eio->eo', h[src], w)
        s = jax.ops.segment_sum(msg, dst, num_segments=N)
        cnt = jax.ops.segment_sum(ones_e, dst, num_segments=N)
        agg = s / jnp.maximum(cnt, 1.0)[:, None]  # aggr='mean'
        return agg + h @ root + bias  # root weight + bias (PyG NNConv defaults)

    def bn(h, g, b):
        m = jnp.mean(h, axis=0)
        v = jnp.var(h, axis=0)
        return g * (h - m) / jnp.sqrt(v + 1e-5) + b

    h = jax.nn.relu(bn(nnconv(x, W1a, b1a, W1b, b1b, root1, bias1, NODE_IN, HID), gamma1, beta1))
    h = jax.nn.relu(bn(nnconv(h, W2a, b2a, W2b, b2b, root2, bias2, HID, HID), gamma2, beta2))
    s = jax.ops.segment_sum(h, batch, num_segments=G)
    c = jax.ops.segment_sum(jnp.ones((N,), jnp.float32), batch, num_segments=G)
    pooled = s / jnp.maximum(c, 1.0)[:, None]  # global_mean_pool
    hc = jax.nn.relu(pooled @ Wc1 + bc1)  # dropout is identity in eval
    return hc @ Wc2 + bc2

if __name__ == "__main__":
    import jax
    _d = setup_inputs()
    print(jax.jit(kernel)(*tuple(_d.values())))

</pallas_src>

<mosaic_0001>
#map = affine_map<(d0, d1) -> (0, 0)>
#map1 = affine_map<(d0, d1) -> (0, 0, 0)>
module attributes {stable_mosaic.version = 14 : i64} {
  func.func @_scatter_body(%arg0: i32, %arg1: i32, %arg2: memref<20480x128xf32, #tpu.memory_space<hbm>>, %arg3: memref<32x8x128xi32, #tpu.memory_space<hbm>>, %arg4: memref<10240x48xf32, #tpu.memory_space<hbm>>, %arg5: memref<20480x128xf32, #tpu.memory_space<hbm>>, %arg6: memref<8x128xi32, #tpu.memory_space<vmem>>, %arg7: memref<640x48xf32, #tpu.memory_space<vmem>>, %arg8: memref<10240x48xf32, #tpu.memory_space<vmem_shared>>) attributes {dimension_semantics = [#tpu.dimension_semantics<core_parallel>, #tpu.dimension_semantics<subcore_parallel>], iteration_bounds = array<i64: 2, 16>, scalar_prefetch = 0 : i64, scratch_operands = 3 : i64, tpu.core_type = #tpu.core_type<sc_vector_subcore>, window_params = [{transform_indices = #map}, {transform_indices = #map1}, {transform_indices = #map}, {transform_indices = #map}]} {
    %mul3A = arith.constant 2 : i32
    %mul3A_0 = arith.muli %arg1, %mul3A : i32
    %add3A = arith.addi %mul3A_0, %arg0 : i32
    "tpu.region"() ({
      %run_scoped3A_19 = tpu.sem_alloc : memref<!tpu.dma_semaphore, #tpu.memory_space<semaphore_mem>>
      %dma_start3A = arith.constant 0 : i32
      %dma_start3A_20 = arith.constant 0 : i32
      %dma_start3A_21 = tpu.memref_slice %arg3[%add3A, %dma_start3A, %dma_start3A_20] : memref<32x8x128xi32, #tpu.memory_space<hbm>> -> memref<1x8x128xi32, #tpu.memory_space<hbm>>
      %dma_start3A_22 = tpu.memref_squeeze %dma_start3A_21 : memref<1x8x128xi32, #tpu.memory_space<hbm>> -> memref<8x128xi32, #tpu.memory_space<hbm>>
      %dma_start3A_23 = arith.constant 0 : i32
      %dma_start3A_24 = arith.constant 0 : i32
      %dma_start3A_25 = tpu.memref_slice %arg3[%add3A, %dma_start3A_23, %dma_start3A_24] : memref<32x8x128xi32, #tpu.memory_space<hbm>> -> memref<1x8x128xi32, #tpu.memory_space<hbm>>
      %dma_start3A_26 = tpu.memref_squeeze %dma_start3A_25 : memref<1x8x128xi32, #tpu.memory_space<hbm>> -> memref<8x128xi32, #tpu.memory_space<hbm>>
      tpu.enqueue_dma source(%dma_start3A_26 : memref<8x128xi32, #tpu.memory_space<hbm>>) target(%arg6 : memref<8x128xi32, #tpu.memory_space<vmem>>) target_semaphore(%run_scoped3A_19 : memref<!tpu.dma_semaphore, #tpu.memory_space<semaphore_mem>>)
      %dma_wait3A = arith.constant 0 : i32
      %dma_wait3A_27 = arith.constant 0 : i32
      %dma_wait3A_28 = tpu.memref_slice %arg3[%add3A, %dma_wait3A, %dma_wait3A_27] : memref<32x8x128xi32, #tpu.memory_space<hbm>> -> memref<1x8x128xi32, #tpu.memory_space<hbm>>
      %dma_wait3A_29 = tpu.memref_squeeze %dma_wait3A_28 : memref<1x8x128xi32, #tpu.memory_space<hbm>> -> memref<8x128xi32, #tpu.memory_space<hbm>>
      %dma_wait3A_30 = arith.constant 0 : i32
      %dma_wait3A_31 = arith.constant 0 : i32
      %dma_wait3A_32 = tpu.memref_slice %arg3[%add3A, %dma_wait3A_30, %dma_wait3A_31] : memref<32x8x128xi32, #tpu.memory_space<hbm>> -> memref<1x8x128xi32, #tpu.memory_space<hbm>>
      %dma_wait3A_33 = tpu.memref_squeeze %dma_wait3A_32 : memref<1x8x128xi32, #tpu.memory_space<hbm>> -> memref<8x128xi32, #tpu.memory_space<hbm>>
      tpu.wait_dma2 semaphore(%run_scoped3A_19 : memref<!tpu.dma_semaphore, #tpu.memory_space<semaphore_mem>>) src(%dma_wait3A_33 : memref<8x128xi32, #tpu.memory_space<hbm>>) dst(%arg6 : memref<8x128xi32, #tpu.memory_space<vmem>>)
      tpu.yield
    }) : () -> ()
    %mul3A_1 = arith.constant 640 : i32
    %mul3A_2 = arith.muli %add3A, %mul3A_1 : i32
    "tpu.region"() ({
      %run_scoped3A_19 = tpu.sem_alloc : memref<!tpu.dma_semaphore, #tpu.memory_space<semaphore_mem>>
      %dma_start3A = arith.constant 0 : i32
      %dma_start3A_20 = tpu.memref_slice %arg2[%mul3A_2, %dma_start3A] : memref<20480x128xf32, #tpu.memory_space<hbm>> -> memref<640x48xf32, #tpu.memory_space<hbm>>
      %dma_start3A_21 = arith.constant 0 : i32
      %dma_start3A_22 = tpu.memref_slice %arg2[%mul3A_2, %dma_start3A_21] : memref<20480x128xf32, #tpu.memory_space<hbm>> -> memref<640x48xf32, #tpu.memory_space<hbm>>
      tpu.enqueue_dma source(%dma_start3A_22 : memref<640x48xf32, #tpu.memory_space<hbm>>) target(%arg7 : memref<640x48xf32, #tpu.memory_space<vmem>>) target_semaphore(%run_scoped3A_19 : memref<!tpu.dma_semaphore, #tpu.memory_space<semaphore_mem>>)
      %dma_wait3A = arith.constant 0 : i32
      %dma_wait3A_23 = tpu.memref_slice %arg2[%mul3A_2, %dma_wait3A] : memref<20480x128xf32, #tpu.memory_space<hbm>> -> memref<640x48xf32, #tpu.memory_space<hbm>>
      %dma_wait3A_24 = arith.constant 0 : i32
      %dma_wait3A_25 = tpu.memref_slice %arg2[%mul3A_2, %dma_wait3A_24] : memref<20480x128xf32, #tpu.memory_space<hbm>> -> memref<640x48xf32, #tpu.memory_space<hbm>>
      tpu.wait_dma2 semaphore(%run_scoped3A_19 : memref<!tpu.dma_semaphore, #tpu.memory_space<semaphore_mem>>) src(%dma_wait3A_25 : memref<640x48xf32, #tpu.memory_space<hbm>>) dst(%arg7 : memref<640x48xf32, #tpu.memory_space<vmem>>)
      tpu.yield
    }) : () -> ()
    %mul3A_3 = arith.constant 640 : i32
    %mul3A_4 = arith.muli %arg1, %mul3A_3 : i32
    %mul3A_5 = arith.constant 640 : i32
    %mul3A_6 = arith.muli %arg1, %mul3A_5 : i32
    "tpu.region"() ({
      %run_scoped3A_19 = tpu.sem_alloc : memref<!tpu.dma_semaphore, #tpu.memory_space<semaphore_mem>>
      %dma_start3A = arith.constant 0 : i32
      %dma_start3A_20 = tpu.memref_slice %arg8[%mul3A_6, %dma_start3A] : memref<10240x48xf32, #tpu.memory_space<vmem_shared>> -> memref<640x48xf32, #tpu.memory_space<vmem_shared>>
      %dma_start3A_21 = arith.constant 0 : i32
      %dma_start3A_22 = tpu.memref_slice %arg4[%mul3A_4, %dma_start3A_21] : memref<10240x48xf32, #tpu.memory_space<hbm>> -> memref<640x48xf32, #tpu.memory_space<hbm>>
      tpu.enqueue_dma source(%dma_start3A_22 : memref<640x48xf32, #tpu.memory_space<hbm>>) target(%dma_start3A_20 : memref<640x48xf32, #tpu.memory_space<vmem_shared>>) target_semaphore(%run_scoped3A_19 : memref<!tpu.dma_semaphore, #tpu.memory_space<semaphore_mem>>)
      %dma_wait3A = arith.constant 0 : i32
      %dma_wait3A_23 = tpu.memref_slice %arg8[%mul3A_6, %dma_wait3A] : memref<10240x48xf32, #tpu.memory_space<vmem_shared>> -> memref<640x48xf32, #tpu.memory_space<vmem_shared>>
      %dma_wait3A_24 = arith.constant 0 : i32
      %dma_wait3A_25 = tpu.memref_slice %arg4[%mul3A_4, %dma_wait3A_24] : memref<10240x48xf32, #tpu.memory_space<hbm>> -> memref<640x48xf32, #tpu.memory_space<hbm>>
      tpu.wait_dma2 semaphore(%run_scoped3A_19 : memref<!tpu.dma_semaphore, #tpu.memory_space<semaphore_mem>>) src(%dma_wait3A_25 : memref<640x48xf32, #tpu.memory_space<hbm>>) dst(%dma_wait3A_23 : memref<640x48xf32, #tpu.memory_space<vmem_shared>>)
      tpu.yield
    }) : () -> ()
    %barrier3A = arith.constant 0 : index
    tpu.barrier barrier_id(%barrier3A)
    %run_scoped3A = arith.constant 0 : i32
    "tpu.region"() ({
      %run_scoped3A_19 = tpu.sem_alloc : memref<!tpu.dma_semaphore, #tpu.memory_space<semaphore_mem>>
      %dma_start3A = arith.constant 0 : i32
      %dma_start3A_20 = arith.constant 0 : i32
      %dma_start3A_21 = tpu.memref_slice %arg7[%dma_start3A, %dma_start3A_20] : memref<640x48xf32, #tpu.memory_space<vmem>> -> memref<128x48xf32, #tpu.memory_space<vmem>>
      %dma_start3A_22 = arith.constant 0 : i32
      %dma_start3A_23 = tpu.memref_slice %arg6[%run_scoped3A, %dma_start3A_22] : memref<8x128xi32, #tpu.memory_space<vmem>> -> memref<1x128xi32, #tpu.memory_space<vmem>>
      %dma_start3A_24 = tpu.memref_squeeze %dma_start3A_23 : memref<1x128xi32, #tpu.memory_space<vmem>> -> memref<128xi32, #tpu.memory_space<vmem>>
      %dma_start3A_25 = arith.constant 0 : i32
      %dma_start3A_26 = arith.constant 0 : i32
      %dma_start3A_27 = tpu.memref_slice %arg8[%dma_start3A_25, %dma_start3A_26] : memref<10240x48xf32, #tpu.memory_space<vmem_shared>> -> memref<10240x48xf32, #tpu.memory_space<vmem_shared>>
      tpu.enqueue_indirect_dma source(%dma_start3A_21 : memref<128x48xf32, #tpu.memory_space<vmem>>) target(%dma_start3A_27 : memref<10240x48xf32, #tpu.memory_space<vmem_shared>>) offsets(%dma_start3A_24 : memref<128xi32, #tpu.memory_space<vmem>>) semaphore(%run_scoped3A_19 : memref<!tpu.dma_semaphore, #tpu.memory_space<semaphore_mem>>) {add = true}
      %dma_wait3A = arith.constant 0 : i32
      %dma_wait3A_28 = arith.constant 0 : i32
      %dma_wait3A_29 = tpu.memref_slice %arg7[%dma_wait3A, %dma_wait3A_28] : memref<640x48xf32, #tpu.memory_space<vmem>> -> memref<128x48xf32, #tpu.memory_space<vmem>>
      %dma_wait3A_30 = arith.constant 0 : i32
      %dma_wait3A_31 = tpu.memref_slice %arg6[%run_scoped3A, %dma_wait3A_30] : memref<8x128xi32, #tpu.memory_space<vmem>> -> memref<1x128xi32, #tpu.memory_space<vmem>>
      %dma_wait3A_32 = tpu.memref_squeeze %dma_wait3A_31 : memref<1x128xi32, #tpu.memory_space<vmem>> -> memref<128xi32, #tpu.memory_space<vmem>>
      %dma_wait3A_33 = arith.constant 0 : i32
      %dma_wait3A_34 = arith.constant 0 : i32
      %dma_wait3A_35 = tpu.memref_slice %arg8[%dma_wait3A_33, %dma_wait3A_34] : memref<10240x48xf32, #tpu.memory_space<vmem_shared>> -> memref<10240x48xf32, #tpu.memory_space<vmem_shared>>
      tpu.wait_indirect_dma semaphore(%run_scoped3A_19 : memref<!tpu.dma_semaphore, #tpu.memory_space<semaphore_mem>>) src(%dma_wait3A_29 : memref<128x48xf32, #tpu.memory_space<vmem>>) dst(%dma_wait3A_35 : memref<10240x48xf32, #tpu.memory_space<vmem_shared>>)
      tpu.yield
    }) : () -> ()
    %run_scoped3A_7 = arith.constant 1 : i32
    "tpu.region"() ({
      %run_scoped3A_19 = tpu.sem_alloc : memref<!tpu.dma_semaphore, #tpu.memory_space<semaphore_mem>>
      %dma_start3A = arith.constant 128 : i32
      %dma_start3A_20 = arith.constant 0 : i32
      %dma_start3A_21 = tpu.memref_slice %arg7[%dma_start3A, %dma_start3A_20] : memref<640x48xf32, #tpu.memory_space<vmem>> -> memref<128x48xf32, #tpu.memory_space<vmem>>
      %dma_start3A_22 = arith.constant 0 : i32
      %dma_start3A_23 = tpu.memref_slice %arg6[%run_scoped3A_7, %dma_start3A_22] : memref<8x128xi32, #tpu.memory_space<vmem>> -> memref<1x128xi32, #tpu.memory_space<vmem>>
      %dma_start3A_24 = tpu.memref_squeeze %dma_start3A_23 : memref<1x128xi32, #tpu.memory_space<vmem>> -> memref<128xi32, #tpu.memory_space<vmem>>
      %dma_start3A_25 = arith.constant 0 : i32
      %dma_start3A_26 = arith.constant 0 : i32
      %dma_start3A_27 = tpu.memref_slice %arg8[%dma_start3A_25, %dma_start3A_26] : memref<10240x48xf32, #tpu.memory_space<vmem_shared>> -> memref<10240x48xf32, #tpu.memory_space<vmem_shared>>
      tpu.enqueue_indirect_dma source(%dma_start3A_21 : memref<128x48xf32, #tpu.memory_space<vmem>>) target(%dma_start3A_27 : memref<10240x48xf32, #tpu.memory_space<vmem_shared>>) offsets(%dma_start3A_24 : memref<128xi32, #tpu.memory_space<vmem>>) semaphore(%run_scoped3A_19 : memref<!tpu.dma_semaphore, #tpu.memory_space<semaphore_mem>>) {add = true}
      %dma_wait3A = arith.constant 128 : i32
      %dma_wait3A_28 = arith.constant 0 : i32
      %dma_wait3A_29 = tpu.memref_slice %arg7[%dma_wait3A, %dma_wait3A_28] : memref<640x48xf32, #tpu.memory_space<vmem>> -> memref<128x48xf32, #tpu.memory_space<vmem>>
      %dma_wait3A_30 = arith.constant 0 : i32
      %dma_wait3A_31 = tpu.memref_slice %arg6[%run_scoped3A_7, %dma_wait3A_30] : memref<8x128xi32, #tpu.memory_space<vmem>> -> memref<1x128xi32, #tpu.memory_space<vmem>>
      %dma_wait3A_32 = tpu.memref_squeeze %dma_wait3A_31 : memref<1x128xi32, #tpu.memory_space<vmem>> -> memref<128xi32, #tpu.memory_space<vmem>>
      %dma_wait3A_33 = arith.constant 0 : i32
      %dma_wait3A_34 = arith.constant 0 : i32
      %dma_wait3A_35 = tpu.memref_slice %arg8[%dma_wait3A_33, %dma_wait3A_34] : memref<10240x48xf32, #tpu.memory_space<vmem_shared>> -> memref<10240x48xf32, #tpu.memory_space<vmem_shared>>
      tpu.wait_indirect_dma semaphore(%run_scoped3A_19 : memref<!tpu.dma_semaphore, #tpu.memory_space<semaphore_mem>>) src(%dma_wait3A_29 : memref<128x48xf32, #tpu.memory_space<vmem>>) dst(%dma_wait3A_35 : memref<10240x48xf32, #tpu.memory_space<vmem_shared>>)
      tpu.yield
    }) : () -> ()
    %run_scoped3A_8 = arith.constant 2 : i32
    "tpu.region"() ({
      %run_scoped3A_19 = tpu.sem_alloc : memref<!tpu.dma_semaphore, #tpu.memory_space<semaphore_mem>>
      %dma_start3A = arith.constant 256 : i32
      %dma_start3A_20 = arith.constant 0 : i32
      %dma_start3A_21 = tpu.memref_slice %arg7[%dma_start3A, %dma_start3A_20] : memref<640x48xf32, #tpu.memory_space<vmem>> -> memref<128x48xf32, #tpu.memory_space<vmem>>
      %dma_start3A_22 = arith.constant 0 : i32
      %dma_start3A_23 = tpu.memref_slice %arg6[%run_scoped3A_8, %dma_start3A_22] : memref<8x128xi32, #tpu.memory_space<vmem>> -> memref<1x128xi32, #tpu.memory_space<vmem>>
      %dma_start3A_24 = tpu.memref_squeeze %dma_start3A_23 : memref<1x128xi32, #tpu.memory_space<vmem>> -> memref<128xi32, #tpu.memory_space<vmem>>
      %dma_start3A_25 = arith.constant 0 : i32
      %dma_start3A_26 = arith.constant 0 : i32
      %dma_start3A_27 = tpu.memref_slice %arg8[%dma_start3A_25, %dma_start3A_26] : memref<10240x48xf32, #tpu.memory_space<vmem_shared>> -> memref<10240x48xf32, #tpu.memory_space<vmem_shared>>
      tpu.enqueue_indirect_dma source(%dma_start3A_21 : memref<128x48xf32, #tpu.memory_space<vmem>>) target(%dma_start3A_27 : memref<10240x48xf32, #tpu.memory_space<vmem_shared>>) offsets(%dma_start3A_24 : memref<128xi32, #tpu.memory_space<vmem>>) semaphore(%run_scoped3A_19 : memref<!tpu.dma_semaphore, #tpu.memory_space<semaphore_mem>>) {add = true}
      %dma_wait3A = arith.constant 256 : i32
      %dma_wait3A_28 = arith.constant 0 : i32
      %dma_wait3A_29 = tpu.memref_slice %arg7[%dma_wait3A, %dma_wait3A_28] : memref<640x48xf32, #tpu.memory_space<vmem>> -> memref<128x48xf32, #tpu.memory_space<vmem>>
      %dma_wait3A_30 = arith.constant 0 : i32
      %dma_wait3A_31 = tpu.memref_slice %arg6[%run_scoped3A_8, %dma_wait3A_30] : memref<8x128xi32, #tpu.memory_space<vmem>> -> memref<1x128xi32, #tpu.memory_space<vmem>>
      %dma_wait3A_32 = tpu.memref_squeeze %dma_wait3A_31 : memref<1x128xi32, #tpu.memory_space<vmem>> -> memref<128xi32, #tpu.memory_space<vmem>>
      %dma_wait3A_33 = arith.constant 0 : i32
      %dma_wait3A_34 = arith.constant 0 : i32
      %dma_wait3A_35 = tpu.memref_slice %arg8[%dma_wait3A_33, %dma_wait3A_34] : memref<10240x48xf32, #tpu.memory_space<vmem_shared>> -> memref<10240x48xf32, #tpu.memory_space<vmem_shared>>
      tpu.wait_indirect_dma semaphore(%run_scoped3A_19 : memref<!tpu.dma_semaphore, #tpu.memory_space<semaphore_mem>>) src(%dma_wait3A_29 : memref<128x48xf32, #tpu.memory_space<vmem>>) dst(%dma_wait3A_35 : memref<10240x48xf32, #tpu.memory_space<vmem_shared>>)
      tpu.yield
    }) : () -> ()
    %run_scoped3A_9 = arith.constant 3 : i32
    "tpu.region"() ({
      %run_scoped3A_19 = tpu.sem_alloc : memref<!tpu.dma_semaphore, #tpu.memory_space<semaphore_mem>>
      %dma_start3A = arith.constant 384 : i32
      %dma_start3A_20 = arith.constant 0 : i32
      %dma_start3A_21 = tpu.memref_slice %arg7[%dma_start3A, %dma_start3A_20] : memref<640x48xf32, #tpu.memory_space<vmem>> -> memref<128x48xf32, #tpu.memory_space<vmem>>
      %dma_start3A_22 = arith.constant 0 : i32
      %dma_start3A_23 = tpu.memref_slice %arg6[%run_scoped3A_9, %dma_start3A_22] : memref<8x128xi32, #tpu.memory_space<vmem>> -> memref<1x128xi32, #tpu.memory_space<vmem>>
      %dma_start3A_24 = tpu.memref_squeeze %dma_start3A_23 : memref<1x128xi32, #tpu.memory_space<vmem>> -> memref<128xi32, #tpu.memory_space<vmem>>
      %dma_start3A_25 = arith.constant 0 : i32
      %dma_start3A_26 = arith.constant 0 : i32
      %dma_start3A_27 = tpu.memref_slice %arg8[%dma_start3A_25, %dma_start3A_26] : memref<10240x48xf32, #tpu.memory_space<vmem_shared>> -> memref<10240x48xf32, #tpu.memory_space<vmem_shared>>
      tpu.enqueue_indirect_dma source(%dma_start3A_21 : memref<128x48xf32, #tpu.memory_space<vmem>>) target(%dma_start3A_27 : memref<10240x48xf32, #tpu.memory_space<vmem_shared>>) offsets(%dma_start3A_24 : memref<128xi32, #tpu.memory_space<vmem>>) semaphore(%run_scoped3A_19 : memref<!tpu.dma_semaphore, #tpu.memory_space<semaphore_mem>>) {add = true}
      %dma_wait3A = arith.constant 384 : i32
      %dma_wait3A_28 = arith.constant 0 : i32
      %dma_wait3A_29 = tpu.memref_slice %arg7[%dma_wait3A, %dma_wait3A_28] : memref<640x48xf32, #tpu.memory_space<vmem>> -> memref<128x48xf32, #tpu.memory_space<vmem>>
      %dma_wait3A_30 = arith.constant 0 : i32
      %dma_wait3A_31 = tpu.memref_slice %arg6[%run_scoped3A_9, %dma_wait3A_30] : memref<8x128xi32, #tpu.memory_space<vmem>> -> memref<1x128xi32, #tpu.memory_space<vmem>>
      %dma_wait3A_32 = tpu.memref_squeeze %dma_wait3A_31 : memref<1x128xi32, #tpu.memory_space<vmem>> -> memref<128xi32, #tpu.memory_space<vmem>>
      %dma_wait3A_33 = arith.constant 0 : i32
      %dma_wait3A_34 = arith.constant 0 : i32
      %dma_wait3A_35 = tpu.memref_slice %arg8[%dma_wait3A_33, %dma_wait3A_34] : memref<10240x48xf32, #tpu.memory_space<vmem_shared>> -> memref<10240x48xf32, #tpu.memory_space<vmem_shared>>
      tpu.wait_indirect_dma semaphore(%run_scoped3A_19 : memref<!tpu.dma_semaphore, #tpu.memory_space<semaphore_mem>>) src(%dma_wait3A_29 : memref<128x48xf32, #tpu.memory_space<vmem>>) dst(%dma_wait3A_35 : memref<10240x48xf32, #tpu.memory_space<vmem_shared>>)
      tpu.yield
    }) : () -> ()
    %run_scoped3A_10 = arith.constant 4 : i32
    "tpu.region"() ({
      %run_scoped3A_19 = tpu.sem_alloc : memref<!tpu.dma_semaphore, #tpu.memory_space<semaphore_mem>>
      %dma_start3A = arith.constant 512 : i32
      %dma_start3A_20 = arith.constant 0 : i32
      %dma_start3A_21 = tpu.memref_slice %arg7[%dma_start3A, %dma_start3A_20] : memref<640x48xf32, #tpu.memory_space<vmem>> -> memref<128x48xf32, #tpu.memory_space<vmem>>
      %dma_start3A_22 = arith.constant 0 : i32
      %dma_start3A_23 = tpu.memref_slice %arg6[%run_scoped3A_10, %dma_start3A_22] : memref<8x128xi32, #tpu.memory_space<vmem>> -> memref<1x128xi32, #tpu.memory_space<vmem>>
      %dma_start3A_24 = tpu.memref_squeeze %dma_start3A_23 : memref<1x128xi32, #tpu.memory_space<vmem>> -> memref<128xi32, #tpu.memory_space<vmem>>
      %dma_start3A_25 = arith.constant 0 : i32
      %dma_start3A_26 = arith.constant 0 : i32
      %dma_start3A_27 = tpu.memref_slice %arg8[%dma_start3A_25, %dma_start3A_26] : memref<10240x48xf32, #tpu.memory_space<vmem_shared>> -> memref<10240x48xf32, #tpu.memory_space<vmem_shared>>
      tpu.enqueue_indirect_dma source(%dma_start3A_21 : memref<128x48xf32, #tpu.memory_space<vmem>>) target(%dma_start3A_27 : memref<10240x48xf32, #tpu.memory_space<vmem_shared>>) offsets(%dma_start3A_24 : memref<128xi32, #tpu.memory_space<vmem>>) semaphore(%run_scoped3A_19 : memref<!tpu.dma_semaphore, #tpu.memory_space<semaphore_mem>>) {add = true}
      %dma_wait3A = arith.constant 512 : i32
      %dma_wait3A_28 = arith.constant 0 : i32
      %dma_wait3A_29 = tpu.memref_slice %arg7[%dma_wait3A, %dma_wait3A_28] : memref<640x48xf32, #tpu.memory_space<vmem>> -> memref<128x48xf32, #tpu.memory_space<vmem>>
      %dma_wait3A_30 = arith.constant 0 : i32
      %dma_wait3A_31 = tpu.memref_slice %arg6[%run_scoped3A_10, %dma_wait3A_30] : memref<8x128xi32, #tpu.memory_space<vmem>> -> memref<1x128xi32, #tpu.memory_space<vmem>>
      %dma_wait3A_32 = tpu.memref_squeeze %dma_wait3A_31 : memref<1x128xi32, #tpu.memory_space<vmem>> -> memref<128xi32, #tpu.memory_space<vmem>>
      %dma_wait3A_33 = arith.constant 0 : i32
      %dma_wait3A_34 = arith.constant 0 : i32
      %dma_wait3A_35 = tpu.memref_slice %arg8[%dma_wait3A_33, %dma_wait3A_34] : memref<10240x48xf32, #tpu.memory_space<vmem_shared>> -> memref<10240x48xf32, #tpu.memory_space<vmem_shared>>
      tpu.wait_indirect_dma semaphore(%run_scoped3A_19 : memref<!tpu.dma_semaphore, #tpu.memory_space<semaphore_mem>>) src(%dma_wait3A_29 : memref<128x48xf32, #tpu.memory_space<vmem>>) dst(%dma_wait3A_35 : memref<10240x48xf32, #tpu.memory_space<vmem_shared>>)
      tpu.yield
    }) : () -> ()
    %barrier3A_11 = arith.constant 0 : index
    tpu.barrier barrier_id(%barrier3A_11)
    %mul3A_12 = arith.constant 10240 : i32
    %mul3A_13 = arith.muli %arg0, %mul3A_12 : i32
    %mul3A_14 = arith.constant 640 : i32
    %mul3A_15 = arith.muli %arg1, %mul3A_14 : i32
    %add3A_16 = arith.addi %mul3A_13, %mul3A_15 : i32
    %mul3A_17 = arith.constant 640 : i32
    %mul3A_18 = arith.muli %arg1, %mul3A_17 : i32
    "tpu.region"() ({
      %run_scoped3A_19 = tpu.sem_alloc : memref<!tpu.dma_semaphore, #tpu.memory_space<semaphore_mem>>
      %dma_start3A = arith.constant 0 : i32
      %dma_start3A_20 = tpu.memref_slice %arg5[%add3A_16, %dma_start3A] : memref<20480x128xf32, #tpu.memory_space<hbm>> -> memref<640x48xf32, #tpu.memory_space<hbm>>
      %dma_start3A_21 = arith.constant 0 : i32
      %dma_start3A_22 = tpu.memref_slice %arg8[%mul3A_18, %dma_start3A_21] : memref<10240x48xf32, #tpu.memory_space<vmem_shared>> -> memref<640x48xf32, #tpu.memory_space<vmem_shared>>
      tpu.enqueue_dma source(%dma_start3A_22 : memref<640x48xf32, #tpu.memory_space<vmem_shared>>) target(%dma_start3A_20 : memref<640x48xf32, #tpu.memory_space<hbm>>) target_semaphore(%run_scoped3A_19 : memref<!tpu.dma_semaphore, #tpu.memory_space<semaphore_mem>>)
      %dma_wait3A = arith.constant 0 : i32
      %dma_wait3A_23 = tpu.memref_slice %arg5[%add3A_16, %dma_wait3A] : memref<20480x128xf32, #tpu.memory_space<hbm>> -> memref<640x48xf32, #tpu.memory_space<hbm>>
      %dma_wait3A_24 = arith.constant 0 : i32
      %dma_wait3A_25 = tpu.memref_slice %arg8[%mul3A_18, %dma_wait3A_24] : memref<10240x48xf32, #tpu.memory_space<vmem_shared>> -> memref<640x48xf32, #tpu.memory_space<vmem_shared>>
      tpu.wait_dma2 semaphore(%run_scoped3A_19 : memref<!tpu.dma_semaphore, #tpu.memory_space<semaphore_mem>>) src(%dma_wait3A_25 : memref<640x48xf32, #tpu.memory_space<vmem_shared>>) dst(%dma_wait3A_23 : memref<640x48xf32, #tpu.memory_space<hbm>>)
      tpu.yield
    }) : () -> ()
    return
  }
}

#map = affine_map<(d0, d1) -> (0, 0)>
#map1 = affine_map<(d0, d1) -> (0, 0, 0)>
module attributes {stable_mosaic.version = 14 : i64} {
  func.func @_gather_body(%arg0: i32, %arg1: i32, %arg2: memref<10240x128xf32, #tpu.memory_space<hbm>>, %arg3: memref<32x8x128xi32, #tpu.memory_space<hbm>>, %arg4: memref<20480x128xf32, #tpu.memory_space<hbm>>, %arg5: memref<8x128xi32, #tpu.memory_space<vmem>>, %arg6: memref<640x128xf32, #tpu.memory_space<vmem>>, %arg7: memref<!tpu.dma_semaphore, #tpu.memory_space<semaphore_mem>>) attributes {dimension_semantics = [#tpu.dimension_semantics<core_parallel>, #tpu.dimension_semantics<subcore_parallel>], iteration_bounds = array<i64: 2, 16>, scalar_prefetch = 0 : i64, scratch_operands = 3 : i64, tpu.core_type = #tpu.core_type<sc_vector_subcore>, window_params = [{transform_indices = #map}, {transform_indices = #map1}, {transform_indices = #map}]} {
    %mul3A = arith.constant 2 : i32
    %mul3A_0 = arith.muli %arg1, %mul3A : i32
    %add3A = arith.addi %mul3A_0, %arg0 : i32
    "tpu.region"() ({
      %run_scoped3A = tpu.sem_alloc : memref<!tpu.dma_semaphore, #tpu.memory_space<semaphore_mem>>
      %dma_start3A_101 = arith.constant 0 : i32
      %dma_start3A_102 = arith.constant 0 : i32
      %dma_start3A_103 = tpu.memref_slice %arg3[%add3A, %dma_start3A_101, %dma_start3A_102] : memref<32x8x128xi32, #tpu.memory_space<hbm>> -> memref<1x8x128xi32, #tpu.memory_space<hbm>>
      %dma_start3A_104 = tpu.memref_squeeze %dma_start3A_103 : memref<1x8x128xi32, #tpu.memory_space<hbm>> -> memref<8x128xi32, #tpu.memory_space<hbm>>
      %dma_start3A_105 = arith.constant 0 : i32
      %dma_start3A_106 = arith.constant 0 : i32
      %dma_start3A_107 = tpu.memref_slice %arg3[%add3A, %dma_start3A_105, %dma_start3A_106] : memref<32x8x128xi32, #tpu.memory_space<hbm>> -> memref<1x8x128xi32, #tpu.memory_space<hbm>>
      %dma_start3A_108 = tpu.memref_squeeze %dma_start3A_107 : memref<1x8x128xi32, #tpu.memory_space<hbm>> -> memref<8x128xi32, #tpu.memory_space<hbm>>
      tpu.enqueue_dma source(%dma_start3A_108 : memref<8x128xi32, #tpu.memory_space<hbm>>) target(%arg5 : memref<8x128xi32, #tpu.memory_space<vmem>>) target_semaphore(%run_scoped3A : memref<!tpu.dma_semaphore, #tpu.memory_space<semaphore_mem>>)
      %dma_wait3A_109 = arith.constant 0 : i32
      %dma_wait3A_110 = arith.constant 0 : i32
      %dma_wait3A_111 = tpu.memref_slice %arg3[%add3A, %dma_wait3A_109, %dma_wait3A_110] : memref<32x8x128xi32, #tpu.memory_space<hbm>> -> memref<1x8x128xi32, #tpu.memory_space<hbm>>
      %dma_wait3A_112 = tpu.memref_squeeze %dma_wait3A_111 : memref<1x8x128xi32, #tpu.memory_space<hbm>> -> memref<8x128xi32, #tpu.memory_space<hbm>>
      %dma_wait3A_113 = arith.constant 0 : i32
      %dma_wait3A_114 = arith.constant 0 : i32
      %dma_wait3A_115 = tpu.memref_slice %arg3[%add3A, %dma_wait3A_113, %dma_wait3A_114] : memref<32x8x128xi32, #tpu.memory_space<hbm>> -> memref<1x8x128xi32, #tpu.memory_space<hbm>>
      %dma_wait3A_116 = tpu.memref_squeeze %dma_wait3A_115 : memref<1x8x128xi32, #tpu.memory_space<hbm>> -> memref<8x128xi32, #tpu.memory_space<hbm>>
      tpu.wait_dma2 semaphore(%run_scoped3A : memref<!tpu.dma_semaphore, #tpu.memory_space<semaphore_mem>>) src(%dma_wait3A_116 : memref<8x128xi32, #tpu.memory_space<hbm>>) dst(%arg5 : memref<8x128xi32, #tpu.memory_space<vmem>>)
      tpu.yield
    }) : () -> ()
    %dma_start3A = arith.constant 0 : i32
    %dma_start3A_1 = arith.constant 0 : i32
    %dma_start3A_2 = arith.constant 0 : i32
    %dma_start3A_3 = tpu.memref_slice %arg6[%dma_start3A_1, %dma_start3A_2] : memref<640x128xf32, #tpu.memory_space<vmem>> -> memref<128x128xf32, #tpu.memory_space<vmem>>
    %dma_start3A_4 = arith.constant 0 : i32
    %dma_start3A_5 = tpu.memref_slice %arg5[%dma_start3A, %dma_start3A_4] : memref<8x128xi32, #tpu.memory_space<vmem>> -> memref<1x128xi32, #tpu.memory_space<vmem>>
    %dma_start3A_6 = tpu.memref_squeeze %dma_start3A_5 : memref<1x128xi32, #tpu.memory_space<vmem>> -> memref<128xi32, #tpu.memory_space<vmem>>
    %dma_start3A_7 = arith.constant 0 : i32
    %dma_start3A_8 = arith.constant 0 : i32
    %dma_start3A_9 = tpu.memref_slice %arg2[%dma_start3A_7, %dma_start3A_8] : memref<10240x128xf32, #tpu.memory_space<hbm>> -> memref<10240x128xf32, #tpu.memory_space<hbm>>
    tpu.enqueue_indirect_dma source(%dma_start3A_9 : memref<10240x128xf32, #tpu.memory_space<hbm>>) target(%dma_start3A_3 : memref<128x128xf32, #tpu.memory_space<vmem>>) offsets(%dma_start3A_6 : memref<128xi32, #tpu.memory_space<vmem>>) semaphore(%arg7 : memref<!tpu.dma_semaphore, #tpu.memory_space<semaphore_mem>>)
    %dma_start3A_10 = arith.constant 1 : i32
    %dma_start3A_11 = arith.constant 128 : i32
    %dma_start3A_12 = arith.constant 0 : i32
    %dma_start3A_13 = tpu.memref_slice %arg6[%dma_start3A_11, %dma_start3A_12] : memref<640x128xf32, #tpu.memory_space<vmem>> -> memref<128x128xf32, #tpu.memory_space<vmem>>
    %dma_start3A_14 = arith.constant 0 : i32
    %dma_start3A_15 = tpu.memref_slice %arg5[%dma_start3A_10, %dma_start3A_14] : memref<8x128xi32, #tpu.memory_space<vmem>> -> memref<1x128xi32, #tpu.memory_space<vmem>>
    %dma_start3A_16 = tpu.memref_squeeze %dma_start3A_15 : memref<1x128xi32, #tpu.memory_space<vmem>> -> memref<128xi32, #tpu.memory_space<vmem>>
    %dma_start3A_17 = arith.constant 0 : i32
    %dma_start3A_18 = arith.constant 0 : i32
    %dma_start3A_19 = tpu.memref_slice %arg2[%dma_start3A_17, %dma_start3A_18] : memref<10240x128xf32, #tpu.memory_space<hbm>> -> memref<10240x128xf32, #tpu.memory_space<hbm>>
    tpu.enqueue_indirect_dma source(%dma_start3A_19 : memref<10240x128xf32, #tpu.memory_space<hbm>>) target(%dma_start3A_13 : memref<128x128xf32, #tpu.memory_space<vmem>>) offsets(%dma_start3A_16 : memref<128xi32, #tpu.memory_space<vmem>>) semaphore(%arg7 : memref<!tpu.dma_semaphore, #tpu.memory_space<semaphore_mem>>)
    %dma_start3A_20 = arith.constant 2 : i32
    %dma_start3A_21 = arith.constant 256 : i32
    %dma_start3A_22 = arith.constant 0 : i32
    %dma_start3A_23 = tpu.memref_slice %arg6[%dma_start3A_21, %dma_start3A_22] : memref<640x128xf32, #tpu.memory_space<vmem>> -> memref<128x128xf32, #tpu.memory_space<vmem>>
    %dma_start3A_24 = arith.constant 0 : i32
    %dma_start3A_25 = tpu.memref_slice %arg5[%dma_start3A_20, %dma_start3A_24] : memref<8x128xi32, #tpu.memory_space<vmem>> -> memref<1x128xi32, #tpu.memory_space<vmem>>
    %dma_start3A_26 = tpu.memref_squeeze %dma_start3A_25 : memref<1x128xi32, #tpu.memory_space<vmem>> -> memref<128xi32, #tpu.memory_space<vmem>>
    %dma_start3A_27 = arith.constant 0 : i32
    %dma_start3A_28 = arith.constant 0 : i32
    %dma_start3A_29 = tpu.memref_slice %arg2[%dma_start3A_27, %dma_start3A_28] : memref<10240x128xf32, #tpu.memory_space<hbm>> -> memref<10240x128xf32, #tpu.memory_space<hbm>>
    tpu.enqueue_indirect_dma source(%dma_start3A_29 : memref<10240x128xf32, #tpu.memory_space<hbm>>) target(%dma_start3A_23 : memref<128x128xf32, #tpu.memory_space<vmem>>) offsets(%dma_start3A_26 : memref<128xi32, #tpu.memory_space<vmem>>) semaphore(%arg7 : memref<!tpu.dma_semaphore, #tpu.memory_space<semaphore_mem>>)
    %dma_start3A_30 = arith.constant 3 : i32
    %dma_start3A_31 = arith.constant 384 : i32
    %dma_start3A_32 = arith.constant 0 : i32
    %dma_start3A_33 = tpu.memref_slice %arg6[%dma_start3A_31, %dma_start3A_32] : memref<640x128xf32, #tpu.memory_space<vmem>> -> memref<128x128xf32, #tpu.memory_space<vmem>>
    %dma_start3A_34 = arith.constant 0 : i32
    %dma_start3A_35 = tpu.memref_slice %arg5[%dma_start3A_30, %dma_start3A_34] : memref<8x128xi32, #tpu.memory_space<vmem>> -> memref<1x128xi32, #tpu.memory_space<vmem>>
    %dma_start3A_36 = tpu.memref_squeeze %dma_start3A_35 : memref<1x128xi32, #tpu.memory_space<vmem>> -> memref<128xi32, #tpu.memory_space<vmem>>
    %dma_start3A_37 = arith.constant 0 : i32
    %dma_start3A_38 = arith.constant 0 : i32
    %dma_start3A_39 = tpu.memref_slice %arg2[%dma_start3A_37, %dma_start3A_38] : memref<10240x128xf32, #tpu.memory_space<hbm>> -> memref<10240x128xf32, #tpu.memory_space<hbm>>
    tpu.enqueue_indirect_dma source(%dma_start3A_39 : memref<10240x128xf32, #tpu.memory_space<hbm>>) target(%dma_start3A_33 : memref<128x128xf32, #tpu.memory_space<vmem>>) offsets(%dma_start3A_36 : memref<128xi32, #tpu.memory_space<vmem>>) semaphore(%arg7 : memref<!tpu.dma_semaphore, #tpu.memory_space<semaphore_mem>>)
    %dma_start3A_40 = arith.constant 4 : i32
    %dma_start3A_41 = arith.constant 512 : i32
    %dma_start3A_42 = arith.constant 0 : i32
    %dma_start3A_43 = tpu.memref_slice %arg6[%dma_start3A_41, %dma_start3A_42] : memref<640x128xf32, #tpu.memory_space<vmem>> -> memref<128x128xf32, #tpu.memory_space<vmem>>
    %dma_start3A_44 = arith.constant 0 : i32
    %dma_start3A_45 = tpu.memref_slice %arg5[%dma_start3A_40, %dma_start3A_44] : memref<8x128xi32, #tpu.memory_space<vmem>> -> memref<1x128xi32, #tpu.memory_space<vmem>>
    %dma_start3A_46 = tpu.memref_squeeze %dma_start3A_45 : memref<1x128xi32, #tpu.memory_space<vmem>> -> memref<128xi32, #tpu.memory_space<vmem>>
    %dma_start3A_47 = arith.constant 0 : i32
    %dma_start3A_48 = arith.constant 0 : i32
    %dma_start3A_49 = tpu.memref_slice %arg2[%dma_start3A_47, %dma_start3A_48] : memref<10240x128xf32, #tpu.memory_space<hbm>> -> memref<10240x128xf32, #tpu.memory_space<hbm>>
    tpu.enqueue_indirect_dma source(%dma_start3A_49 : memref<10240x128xf32, #tpu.memory_space<hbm>>) target(%dma_start3A_43 : memref<128x128xf32, #tpu.memory_space<vmem>>) offsets(%dma_start3A_46 : memref<128xi32, #tpu.memory_space<vmem>>) semaphore(%arg7 : memref<!tpu.dma_semaphore, #tpu.memory_space<semaphore_mem>>)
    %dma_wait3A = arith.constant 0 : i32
    %dma_wait3A_50 = arith.constant 0 : i32
    %dma_wait3A_51 = arith.constant 0 : i32
    %dma_wait3A_52 = tpu.memref_slice %arg6[%dma_wait3A_50, %dma_wait3A_51] : memref<640x128xf32, #tpu.memory_space<vmem>> -> memref<128x128xf32, #tpu.memory_space<vmem>>
    %dma_wait3A_53 = arith.constant 0 : i32
    %dma_wait3A_54 = tpu.memref_slice %arg5[%dma_wait3A, %dma_wait3A_53] : memref<8x128xi32, #tpu.memory_space<vmem>> -> memref<1x128xi32, #tpu.memory_space<vmem>>
    %dma_wait3A_55 = tpu.memref_squeeze %dma_wait3A_54 : memref<1x128xi32, #tpu.memory_space<vmem>> -> memref<128xi32, #tpu.memory_space<vmem>>
    %dma_wait3A_56 = arith.constant 0 : i32
    %dma_wait3A_57 = arith.constant 0 : i32
    %dma_wait3A_58 = tpu.memref_slice %arg2[%dma_wait3A_56, %dma_wait3A_57] : memref<10240x128xf32, #tpu.memory_space<hbm>> -> memref<10240x128xf32, #tpu.memory_space<hbm>>
    tpu.wait_indirect_dma semaphore(%arg7 : memref<!tpu.dma_semaphore, #tpu.memory_space<semaphore_mem>>) src(%dma_wait3A_58 : memref<10240x128xf32, #tpu.memory_space<hbm>>) dst(%dma_wait3A_52 : memref<128x128xf32, #tpu.memory_space<vmem>>)
    %dma_wait3A_59 = arith.constant 1 : i32
    %dma_wait3A_60 = arith.constant 128 : i32
    %dma_wait3A_61 = arith.constant 0 : i32
    %dma_wait3A_62 = tpu.memref_slice %arg6[%dma_wait3A_60, %dma_wait3A_61] : memref<640x128xf32, #tpu.memory_space<vmem>> -> memref<128x128xf32, #tpu.memory_space<vmem>>
    %dma_wait3A_63 = arith.constant 0 : i32
    %dma_wait3A_64 = tpu.memref_slice %arg5[%dma_wait3A_59, %dma_wait3A_63] : memref<8x128xi32, #tpu.memory_space<vmem>> -> memref<1x128xi32, #tpu.memory_space<vmem>>
    %dma_wait3A_65 = tpu.memref_squeeze %dma_wait3A_64 : memref<1x128xi32, #tpu.memory_space<vmem>> -> memref<128xi32, #tpu.memory_space<vmem>>
    %dma_wait3A_66 = arith.constant 0 : i32
    %dma_wait3A_67 = arith.constant 0 : i32
    %dma_wait3A_68 = tpu.memref_slice %arg2[%dma_wait3A_66, %dma_wait3A_67] : memref<10240x128xf32, #tpu.memory_space<hbm>> -> memref<10240x128xf32, #tpu.memory_space<hbm>>
    tpu.wait_indirect_dma semaphore(%arg7 : memref<!tpu.dma_semaphore, #tpu.memory_space<semaphore_mem>>) src(%dma_wait3A_68 : memref<10240x128xf32, #tpu.memory_space<hbm>>) dst(%dma_wait3A_62 : memref<128x128xf32, #tpu.memory_space<vmem>>)
    %dma_wait3A_69 = arith.constant 2 : i32
    %dma_wait3A_70 = arith.constant 256 : i32
    %dma_wait3A_71 = arith.constant 0 : i32
    %dma_wait3A_72 = tpu.memref_slice %arg6[%dma_wait3A_70, %dma_wait3A_71] : memref<640x128xf32, #tpu.memory_space<vmem>> -> memref<128x128xf32, #tpu.memory_space<vmem>>
    %dma_wait3A_73 = arith.constant 0 : i32
    %dma_wait3A_74 = tpu.memref_slice %arg5[%dma_wait3A_69, %dma_wait3A_73] : memref<8x128xi32, #tpu.memory_space<vmem>> -> memref<1x128xi32, #tpu.memory_space<vmem>>
    %dma_wait3A_75 = tpu.memref_squeeze %dma_wait3A_74 : memref<1x128xi32, #tpu.memory_space<vmem>> -> memref<128xi32, #tpu.memory_space<vmem>>
    %dma_wait3A_76 = arith.constant 0 : i32
    %dma_wait3A_77 = arith.constant 0 : i32
    %dma_wait3A_78 = tpu.memref_slice %arg2[%dma_wait3A_76, %dma_wait3A_77] : memref<10240x128xf32, #tpu.memory_space<hbm>> -> memref<10240x128xf32, #tpu.memory_space<hbm>>
    tpu.wait_indirect_dma semaphore(%arg7 : memref<!tpu.dma_semaphore, #tpu.memory_space<semaphore_mem>>) src(%dma_wait3A_78 : memref<10240x128xf32, #tpu.memory_space<hbm>>) dst(%dma_wait3A_72 : memref<128x128xf32, #tpu.memory_space<vmem>>)
    %dma_wait3A_79 = arith.constant 3 : i32
    %dma_wait3A_80 = arith.constant 384 : i32
    %dma_wait3A_81 = arith.constant 0 : i32
    %dma_wait3A_82 = tpu.memref_slice %arg6[%dma_wait3A_80, %dma_wait3A_81] : memref<640x128xf32, #tpu.memory_space<vmem>> -> memref<128x128xf32, #tpu.memory_space<vmem>>
    %dma_wait3A_83 = arith.constant 0 : i32
    %dma_wait3A_84 = tpu.memref_slice %arg5[%dma_wait3A_79, %dma_wait3A_83] : memref<8x128xi32, #tpu.memory_space<vmem>> -> memref<1x128xi32, #tpu.memory_space<vmem>>
    %dma_wait3A_85 = tpu.memref_squeeze %dma_wait3A_84 : memref<1x128xi32, #tpu.memory_space<vmem>> -> memref<128xi32, #tpu.memory_space<vmem>>
    %dma_wait3A_86 = arith.constant 0 : i32
    %dma_wait3A_87 = arith.constant 0 : i32
    %dma_wait3A_88 = tpu.memref_slice %arg2[%dma_wait3A_86, %dma_wait3A_87] : memref<10240x128xf32, #tpu.memory_space<hbm>> -> memref<10240x128xf32, #tpu.memory_space<hbm>>
    tpu.wait_indirect_dma semaphore(%arg7 : memref<!tpu.dma_semaphore, #tpu.memory_space<semaphore_mem>>) src(%dma_wait3A_88 : memref<10240x128xf32, #tpu.memory_space<hbm>>) dst(%dma_wait3A_82 : memref<128x128xf32, #tpu.memory_space<vmem>>)
    %dma_wait3A_89 = arith.constant 4 : i32
    %dma_wait3A_90 = arith.constant 512 : i32
    %dma_wait3A_91 = arith.constant 0 : i32
    %dma_wait3A_92 = tpu.memref_slice %arg6[%dma_wait3A_90, %dma_wait3A_91] : memref<640x128xf32, #tpu.memory_space<vmem>> -> memref<128x128xf32, #tpu.memory_space<vmem>>
    %dma_wait3A_93 = arith.constant 0 : i32
    %dma_wait3A_94 = tpu.memref_slice %arg5[%dma_wait3A_89, %dma_wait3A_93] : memref<8x128xi32, #tpu.memory_space<vmem>> -> memref<1x128xi32, #tpu.memory_space<vmem>>
    %dma_wait3A_95 = tpu.memref_squeeze %dma_wait3A_94 : memref<1x128xi32, #tpu.memory_space<vmem>> -> memref<128xi32, #tpu.memory_space<vmem>>
    %dma_wait3A_96 = arith.constant 0 : i32
    %dma_wait3A_97 = arith.constant 0 : i32
    %dma_wait3A_98 = tpu.memref_slice %arg2[%dma_wait3A_96, %dma_wait3A_97] : memref<10240x128xf32, #tpu.memory_space<hbm>> -> memref<10240x128xf32, #tpu.memory_space<hbm>>
    tpu.wait_indirect_dma semaphore(%arg7 : memref<!tpu.dma_semaphore, #tpu.memory_space<semaphore_mem>>) src(%dma_wait3A_98 : memref<10240x128xf32, #tpu.memory_space<hbm>>) dst(%dma_wait3A_92 : memref<128x128xf32, #tpu.memory_space<vmem>>)
    %mul3A_99 = arith.constant 640 : i32
    %mul3A_100 = arith.muli %add3A, %mul3A_99 : i32
    "tpu.region"() ({
      %run_scoped3A = tpu.sem_alloc : memref<!tpu.dma_semaphore, #tpu.memory_space<semaphore_mem>>
      %dma_start3A_101 = arith.constant 0 : i32
      %dma_start3A_102 = tpu.memref_slice %arg4[%mul3A_100, %dma_start3A_101] : memref<20480x128xf32, #tpu.memory_space<hbm>> -> memref<640x128xf32, #tpu.memory_space<hbm>>
      %dma_start3A_103 = arith.constant 0 : i32
      %dma_start3A_104 = tpu.memref_slice %arg4[%mul3A_100, %dma_start3A_103] : memref<20480x128xf32, #tpu.memory_space<hbm>> -> memref<640x128xf32, #tpu.memory_space<hbm>>
      tpu.enqueue_dma source(%arg6 : memref<640x128xf32, #tpu.memory_space<vmem>>) target(%dma_start3A_104 : memref<640x128xf32, #tpu.memory_space<hbm>>) target_semaphore(%run_scoped3A : memref<!tpu.dma_semaphore, #tpu.memory_space<semaphore_mem>>)
      %dma_wait3A_105 = arith.constant 0 : i32
      %dma_wait3A_106 = tpu.memref_slice %arg4[%mul3A_100, %dma_wait3A_105] : memref<20480x128xf32, #tpu.memory_space<hbm>> -> memref<640x128xf32, #tpu.memory_space<hbm>>
      %dma_wait3A_107 = arith.constant 0 : i32
      %dma_wait3A_108 = tpu.memref_slice %arg4[%mul3A_100, %dma_wait3A_107] : memref<20480x128xf32, #tpu.memory_space<hbm>> -> memref<640x128xf32, #tpu.memory_space<hbm>>
      tpu.wait_dma2 semaphore(%run_scoped3A : memref<!tpu.dma_semaphore, #tpu.memory_space<semaphore_mem>>) src(%arg6 : memref<640x128xf32, #tpu.memory_space<vmem>>) dst(%dma_wait3A_108 : memref<640x128xf32, #tpu.memory_space<hbm>>)
      tpu.yield
    }) : () -> ()
    return
  }
}

#map = affine_map<(d0, d1) -> (0, 0)>
#map1 = affine_map<(d0, d1) -> (0, 0, 0)>
module attributes {stable_mosaic.version = 14 : i64} {
  func.func @_scatter_body(%arg0: i32, %arg1: i32, %arg2: memref<20480x128xf32, #tpu.memory_space<hbm>>, %arg3: memref<32x8x128xi32, #tpu.memory_space<hbm>>, %arg4: memref<10240x48xf32, #tpu.memory_space<hbm>>, %arg5: memref<20480x128xf32, #tpu.memory_space<hbm>>, %arg6: memref<8x128xi32, #tpu.memory_space<vmem>>, %arg7: memref<640x48xf32, #tpu.memory_space<vmem>>, %arg8: memref<10240x48xf32, #tpu.memory_space<vmem_shared>>) attributes {dimension_semantics = [#tpu.dimension_semantics<core_parallel>, #tpu.dimension_semantics<subcore_parallel>], iteration_bounds = array<i64: 2, 16>, scalar_prefetch = 0 : i64, scratch_operands = 3 : i64, tpu.core_type = #tpu.core_type<sc_vector_subcore>, window_params = [{transform_indices = #map}, {transform_indices = #map1}, {transform_indices = #map}, {transform_indices = #map}]} {
    %mul3A = arith.constant 2 : i32
    %mul3A_0 = arith.muli %arg1, %mul3A : i32
    %add3A = arith.addi %mul3A_0, %arg0 : i32
    "tpu.region"() ({
      %run_scoped3A_19 = tpu.sem_alloc : memref<!tpu.dma_semaphore, #tpu.memory_space<semaphore_mem>>
      %dma_start3A = arith.constant 0 : i32
      %dma_start3A_20 = arith.constant 0 : i32
      %dma_start3A_21 = tpu.memref_slice %arg3[%add3A, %dma_start3A, %dma_start3A_20] : memref<32x8x128xi32, #tpu.memory_space<hbm>> -> memref<1x8x128xi32, #tpu.memory_space<hbm>>
      %dma_start3A_22 = tpu.memref_squeeze %dma_start3A_21 : memref<1x8x128xi32, #tpu.memory_space<hbm>> -> memref<8x128xi32, #tpu.memory_space<hbm>>
      %dma_start3A_23 = arith.constant 0 : i32
      %dma_start3A_24 = arith.constant 0 : i32
      %dma_start3A_25 = tpu.memref_slice %arg3[%add3A, %dma_start3A_23, %dma_start3A_24] : memref<32x8x128xi32, #tpu.memory_space<hbm>> -> memref<1x8x128xi32, #tpu.memory_space<hbm>>
      %dma_start3A_26 = tpu.memref_squeeze %dma_start3A_25 : memref<1x8x128xi32, #tpu.memory_space<hbm>> -> memref<8x128xi32, #tpu.memory_space<hbm>>
      tpu.enqueue_dma source(%dma_start3A_26 : memref<8x128xi32, #tpu.memory_space<hbm>>) target(%arg6 : memref<8x128xi32, #tpu.memory_space<vmem>>) target_semaphore(%run_scoped3A_19 : memref<!tpu.dma_semaphore, #tpu.memory_space<semaphore_mem>>)
      %dma_wait3A = arith.constant 0 : i32
      %dma_wait3A_27 = arith.constant 0 : i32
      %dma_wait3A_28 = tpu.memref_slice %arg3[%add3A, %dma_wait3A, %dma_wait3A_27] : memref<32x8x128xi32, #tpu.memory_space<hbm>> -> memref<1x8x128xi32, #tpu.memory_space<hbm>>
      %dma_wait3A_29 = tpu.memref_squeeze %dma_wait3A_28 : memref<1x8x128xi32, #tpu.memory_space<hbm>> -> memref<8x128xi32, #tpu.memory_space<hbm>>
      %dma_wait3A_30 = arith.constant 0 : i32
      %dma_wait3A_31 = arith.constant 0 : i32
      %dma_wait3A_32 = tpu.memref_slice %arg3[%add3A, %dma_wait3A_30, %dma_wait3A_31] : memref<32x8x128xi32, #tpu.memory_space<hbm>> -> memref<1x8x128xi32, #tpu.memory_space<hbm>>
      %dma_wait3A_33 = tpu.memref_squeeze %dma_wait3A_32 : memref<1x8x128xi32, #tpu.memory_space<hbm>> -> memref<8x128xi32, #tpu.memory_space<hbm>>
      tpu.wait_dma2 semaphore(%run_scoped3A_19 : memref<!tpu.dma_semaphore, #tpu.memory_space<semaphore_mem>>) src(%dma_wait3A_33 : memref<8x128xi32, #tpu.memory_space<hbm>>) dst(%arg6 : memref<8x128xi32, #tpu.memory_space<vmem>>)
      tpu.yield
    }) : () -> ()
    %mul3A_1 = arith.constant 640 : i32
    %mul3A_2 = arith.muli %add3A, %mul3A_1 : i32
    "tpu.region"() ({
      %run_scoped3A_19 = tpu.sem_alloc : memref<!tpu.dma_semaphore, #tpu.memory_space<semaphore_mem>>
      %dma_start3A = arith.constant 0 : i32
      %dma_start3A_20 = tpu.memref_slice %arg2[%mul3A_2, %dma_start3A] : memref<20480x128xf32, #tpu.memory_space<hbm>> -> memref<640x48xf32, #tpu.memory_space<hbm>>
      %dma_start3A_21 = arith.constant 0 : i32
      %dma_start3A_22 = tpu.memref_slice %arg2[%mul3A_2, %dma_start3A_21] : memref<20480x128xf32, #tpu.memory_space<hbm>> -> memref<640x48xf32, #tpu.memory_space<hbm>>
      tpu.enqueue_dma source(%dma_start3A_22 : memref<640x48xf32, #tpu.memory_space<hbm>>) target(%arg7 : memref<640x48xf32, #tpu.memory_space<vmem>>) target_semaphore(%run_scoped3A_19 : memref<!tpu.dma_semaphore, #tpu.memory_space<semaphore_mem>>)
      %dma_wait3A = arith.constant 0 : i32
      %dma_wait3A_23 = tpu.memref_slice %arg2[%mul3A_2, %dma_wait3A] : memref<20480x128xf32, #tpu.memory_space<hbm>> -> memref<640x48xf32, #tpu.memory_space<hbm>>
      %dma_wait3A_24 = arith.constant 0 : i32
      %dma_wait3A_25 = tpu.memref_slice %arg2[%mul3A_2, %dma_wait3A_24] : memref<20480x128xf32, #tpu.memory_space<hbm>> -> memref<640x48xf32, #tpu.memory_space<hbm>>
      tpu.wait_dma2 semaphore(%run_scoped3A_19 : memref<!tpu.dma_semaphore, #tpu.memory_space<semaphore_mem>>) src(%dma_wait3A_25 : memref<640x48xf32, #tpu.memory_space<hbm>>) dst(%arg7 : memref<640x48xf32, #tpu.memory_space<vmem>>)
      tpu.yield
    }) : () -> ()
    %mul3A_3 = arith.constant 640 : i32
    %mul3A_4 = arith.muli %arg1, %mul3A_3 : i32
    %mul3A_5 = arith.constant 640 : i32
    %mul3A_6 = arith.muli %arg1, %mul3A_5 : i32
    "tpu.region"() ({
      %run_scoped3A_19 = tpu.sem_alloc : memref<!tpu.dma_semaphore, #tpu.memory_space<semaphore_mem>>
      %dma_start3A = arith.constant 0 : i32
      %dma_start3A_20 = tpu.memref_slice %arg8[%mul3A_6, %dma_start3A] : memref<10240x48xf32, #tpu.memory_space<vmem_shared>> -> memref<640x48xf32, #tpu.memory_space<vmem_shared>>
      %dma_start3A_21 = arith.constant 0 : i32
      %dma_start3A_22 = tpu.memref_slice %arg4[%mul3A_4, %dma_start3A_21] : memref<10240x48xf32, #tpu.memory_space<hbm>> -> memref<640x48xf32, #tpu.memory_space<hbm>>
      tpu.enqueue_dma source(%dma_start3A_22 : memref<640x48xf32, #tpu.memory_space<hbm>>) target(%dma_start3A_20 : memref<640x48xf32, #tpu.memory_space<vmem_shared>>) target_semaphore(%run_scoped3A_19 : memref<!tpu.dma_semaphore, #tpu.memory_space<semaphore_mem>>)
      %dma_wait3A = arith.constant 0 : i32
      %dma_wait3A_23 = tpu.memref_slice %arg8[%mul3A_6, %dma_wait3A] : memref<10240x48xf32, #tpu.memory_space<vmem_shared>> -> memref<640x48xf32, #tpu.memory_space<vmem_shared>>
      %dma_wait3A_24 = arith.constant 0 : i32
      %dma_wait3A_25 = tpu.memref_slice %arg4[%mul3A_4, %dma_wait3A_24] : memref<10240x48xf32, #tpu.memory_space<hbm>> -> memref<640x48xf32, #tpu.memory_space<hbm>>
      tpu.wait_dma2 semaphore(%run_scoped3A_19 : memref<!tpu.dma_semaphore, #tpu.memory_space<semaphore_mem>>) src(%dma_wait3A_25 : memref<640x48xf32, #tpu.memory_space<hbm>>) dst(%dma_wait3A_23 : memref<640x48xf32, #tpu.memory_space<vmem_shared>>)
      tpu.yield
    }) : () -> ()
    %barrier3A = arith.constant 0 : index
    tpu.barrier barrier_id(%barrier3A)
    %run_scoped3A = arith.constant 0 : i32
    "tpu.region"() ({
      %run_scoped3A_19 = tpu.sem_alloc : memref<!tpu.dma_semaphore, #tpu.memory_space<semaphore_mem>>
      %dma_start3A = arith.constant 0 : i32
      %dma_start3A_20 = arith.constant 0 : i32
      %dma_start3A_21 = tpu.memref_slice %arg7[%dma_start3A, %dma_start3A_20] : memref<640x48xf32, #tpu.memory_space<vmem>> -> memref<128x48xf32, #tpu.memory_space<vmem>>
      %dma_start3A_22 = arith.constant 0 : i32
      %dma_start3A_23 = tpu.memref_slice %arg6[%run_scoped3A, %dma_start3A_22] : memref<8x128xi32, #tpu.memory_space<vmem>> -> memref<1x128xi32, #tpu.memory_space<vmem>>
      %dma_start3A_24 = tpu.memref_squeeze %dma_start3A_23 : memref<1x128xi32, #tpu.memory_space<vmem>> -> memref<128xi32, #tpu.memory_space<vmem>>
      %dma_start3A_25 = arith.constant 0 : i32
      %dma_start3A_26 = arith.constant 0 : i32
      %dma_start3A_27 = tpu.memref_slice %arg8[%dma_start3A_25, %dma_start3A_26] : memref<10240x48xf32, #tpu.memory_space<vmem_shared>> -> memref<10240x48xf32, #tpu.memory_space<vmem_shared>>
      tpu.enqueue_indirect_dma source(%dma_start3A_21 : memref<128x48xf32, #tpu.memory_space<vmem>>) target(%dma_start3A_27 : memref<10240x48xf32, #tpu.memory_space<vmem_shared>>) offsets(%dma_start3A_24 : memref<128xi32, #tpu.memory_space<vmem>>) semaphore(%run_scoped3A_19 : memref<!tpu.dma_semaphore, #tpu.memory_space<semaphore_mem>>) {add = true}
      %dma_wait3A = arith.constant 0 : i32
      %dma_wait3A_28 = arith.constant 0 : i32
      %dma_wait3A_29 = tpu.memref_slice %arg7[%dma_wait3A, %dma_wait3A_28] : memref<640x48xf32, #tpu.memory_space<vmem>> -> memref<128x48xf32, #tpu.memory_space<vmem>>
      %dma_wait3A_30 = arith.constant 0 : i32
      %dma_wait3A_31 = tpu.memref_slice %arg6[%run_scoped3A, %dma_wait3A_30] : memref<8x128xi32, #tpu.memory_space<vmem>> -> memref<1x128xi32, #tpu.memory_space<vmem>>
      %dma_wait3A_32 = tpu.memref_squeeze %dma_wait3A_31 : memref<1x128xi32, #tpu.memory_space<vmem>> -> memref<128xi32, #tpu.memory_space<vmem>>
      %dma_wait3A_33 = arith.constant 0 : i32
      %dma_wait3A_34 = arith.constant 0 : i32
      %dma_wait3A_35 = tpu.memref_slice %arg8[%dma_wait3A_33, %dma_wait3A_34] : memref<10240x48xf32, #tpu.memory_space<vmem_shared>> -> memref<10240x48xf32, #tpu.memory_space<vmem_shared>>
      tpu.wait_indirect_dma semaphore(%run_scoped3A_19 : memref<!tpu.dma_semaphore, #tpu.memory_space<semaphore_mem>>) src(%dma_wait3A_29 : memref<128x48xf32, #tpu.memory_space<vmem>>) dst(%dma_wait3A_35 : memref<10240x48xf32, #tpu.memory_space<vmem_shared>>)
      tpu.yield
    }) : () -> ()
    %run_scoped3A_7 = arith.constant 1 : i32
    "tpu.region"() ({
      %run_scoped3A_19 = tpu.sem_alloc : memref<!tpu.dma_semaphore, #tpu.memory_space<semaphore_mem>>
      %dma_start3A = arith.constant 128 : i32
      %dma_start3A_20 = arith.constant 0 : i32
      %dma_start3A_21 = tpu.memref_slice %arg7[%dma_start3A, %dma_start3A_20] : memref<640x48xf32, #tpu.memory_space<vmem>> -> memref<128x48xf32, #tpu.memory_space<vmem>>
      %dma_start3A_22 = arith.constant 0 : i32
      %dma_start3A_23 = tpu.memref_slice %arg6[%run_scoped3A_7, %dma_start3A_22] : memref<8x128xi32, #tpu.memory_space<vmem>> -> memref<1x128xi32, #tpu.memory_space<vmem>>
      %dma_start3A_24 = tpu.memref_squeeze %dma_start3A_23 : memref<1x128xi32, #tpu.memory_space<vmem>> -> memref<128xi32, #tpu.memory_space<vmem>>
      %dma_start3A_25 = arith.constant 0 : i32
      %dma_start3A_26 = arith.constant 0 : i32
      %dma_start3A_27 = tpu.memref_slice %arg8[%dma_start3A_25, %dma_start3A_26] : memref<10240x48xf32, #tpu.memory_space<vmem_shared>> -> memref<10240x48xf32, #tpu.memory_space<vmem_shared>>
      tpu.enqueue_indirect_dma source(%dma_start3A_21 : memref<128x48xf32, #tpu.memory_space<vmem>>) target(%dma_start3A_27 : memref<10240x48xf32, #tpu.memory_space<vmem_shared>>) offsets(%dma_start3A_24 : memref<128xi32, #tpu.memory_space<vmem>>) semaphore(%run_scoped3A_19 : memref<!tpu.dma_semaphore, #tpu.memory_space<semaphore_mem>>) {add = true}
      %dma_wait3A = arith.constant 128 : i32
      %dma_wait3A_28 = arith.constant 0 : i32
      %dma_wait3A_29 = tpu.memref_slice %arg7[%dma_wait3A, %dma_wait3A_28] : memref<640x48xf32, #tpu.memory_space<vmem>> -> memref<128x48xf32, #tpu.memory_space<vmem>>
      %dma_wait3A_30 = arith.constant 0 : i32
      %dma_wait3A_31 = tpu.memref_slice %arg6[%run_scoped3A_7, %dma_wait3A_30] : memref<8x128xi32, #tpu.memory_space<vmem>> -> memref<1x128xi32, #tpu.memory_space<vmem>>
      %dma_wait3A_32 = tpu.memref_squeeze %dma_wait3A_31 : memref<1x128xi32, #tpu.memory_space<vmem>> -> memref<128xi32, #tpu.memory_space<vmem>>
      %dma_wait3A_33 = arith.constant 0 : i32
      %dma_wait3A_34 = arith.constant 0 : i32
      %dma_wait3A_35 = tpu.memref_slice %arg8[%dma_wait3A_33, %dma_wait3A_34] : memref<10240x48xf32, #tpu.memory_space<vmem_shared>> -> memref<10240x48xf32, #tpu.memory_space<vmem_shared>>
      tpu.wait_indirect_dma semaphore(%run_scoped3A_19 : memref<!tpu.dma_semaphore, #tpu.memory_space<semaphore_mem>>) src(%dma_wait3A_29 : memref<128x48xf32, #tpu.memory_space<vmem>>) dst(%dma_wait3A_35 : memref<10240x48xf32, #tpu.memory_space<vmem_shared>>)
      tpu.yield
    }) : () -> ()
    %run_scoped3A_8 = arith.constant 2 : i32
    "tpu.region"() ({
      %run_scoped3A_19 = tpu.sem_alloc : memref<!tpu.dma_semaphore, #tpu.memory_space<semaphore_mem>>
      %dma_start3A = arith.constant 256 : i32
      %dma_start3A_20 = arith.constant 0 : i32
      %dma_start3A_21 = tpu.memref_slice %arg7[%dma_start3A, %dma_start3A_20] : memref<640x48xf32, #tpu.memory_space<vmem>> -> memref<128x48xf32, #tpu.memory_space<vmem>>
      %dma_start3A_22 = arith.constant 0 : i32
      %dma_start3A_23 = tpu.memref_slice %arg6[%run_scoped3A_8, %dma_start3A_22] : memref<8x128xi32, #tpu.memory_space<vmem>> -> memref<1x128xi32, #tpu.memory_space<vmem>>
      %dma_start3A_24 = tpu.memref_squeeze %dma_start3A_23 : memref<1x128xi32, #tpu.memory_space<vmem>> -> memref<128xi32, #tpu.memory_space<vmem>>
      %dma_start3A_25 = arith.constant 0 : i32
      %dma_start3A_26 = arith.constant 0 : i32
      %dma_start3A_27 = tpu.memref_slice %arg8[%dma_start3A_25, %dma_start3A_26] : memref<10240x48xf32, #tpu.memory_space<vmem_shared>> -> memref<10240x48xf32, #tpu.memory_space<vmem_shared>>
      tpu.enqueue_indirect_dma source(%dma_start3A_21 : memref<128x48xf32, #tpu.memory_space<vmem>>) target(%dma_start3A_27 : memref<10240x48xf32, #tpu.memory_space<vmem_shared>>) offsets(%dma_start3A_24 : memref<128xi32, #tpu.memory_space<vmem>>) semaphore(%run_scoped3A_19 : memref<!tpu.dma_semaphore, #tpu.memory_space<semaphore_mem>>) {add = true}
      %dma_wait3A = arith.constant 256 : i32
      %dma_wait3A_28 = arith.constant 0 : i32
      %dma_wait3A_29 = tpu.memref_slice %arg7[%dma_wait3A, %dma_wait3A_28] : memref<640x48xf32, #tpu.memory_space<vmem>> -> memref<128x48xf32, #tpu.memory_space<vmem>>
      %dma_wait3A_30 = arith.constant 0 : i32
      %dma_wait3A_31 = tpu.memref_slice %arg6[%run_scoped3A_8, %dma_wait3A_30] : memref<8x128xi32, #tpu.memory_space<vmem>> -> memref<1x128xi32, #tpu.memory_space<vmem>>
      %dma_wait3A_32 = tpu.memref_squeeze %dma_wait3A_31 : memref<1x128xi32, #tpu.memory_space<vmem>> -> memref<128xi32, #tpu.memory_space<vmem>>
      %dma_wait3A_33 = arith.constant 0 : i32
      %dma_wait3A_34 = arith.constant 0 : i32
      %dma_wait3A_35 = tpu.memref_slice %arg8[%dma_wait3A_33, %dma_wait3A_34] : memref<10240x48xf32, #tpu.memory_space<vmem_shared>> -> memref<10240x48xf32, #tpu.memory_space<vmem_shared>>
      tpu.wait_indirect_dma semaphore(%run_scoped3A_19 : memref<!tpu.dma_semaphore, #tpu.memory_space<semaphore_mem>>) src(%dma_wait3A_29 : memref<128x48xf32, #tpu.memory_space<vmem>>) dst(%dma_wait3A_35 : memref<10240x48xf32, #tpu.memory_space<vmem_shared>>)
      tpu.yield
    }) : () -> ()
    %run_scoped3A_9 = arith.constant 3 : i32
    "tpu.region"() ({
      %run_scoped3A_19 = tpu.sem_alloc : memref<!tpu.dma_semaphore, #tpu.memory_space<semaphore_mem>>
      %dma_start3A = arith.constant 384 : i32
      %dma_start3A_20 = arith.constant 0 : i32
      %dma_start3A_21 = tpu.memref_slice %arg7[%dma_start3A, %dma_start3A_20] : memref<640x48xf32, #tpu.memory_space<vmem>> -> memref<128x48xf32, #tpu.memory_space<vmem>>
      %dma_start3A_22 = arith.constant 0 : i32
      %dma_start3A_23 = tpu.memref_slice %arg6[%run_scoped3A_9, %dma_start3A_22] : memref<8x128xi32, #tpu.memory_space<vmem>> -> memref<1x128xi32, #tpu.memory_space<vmem>>
      %dma_start3A_24 = tpu.memref_squeeze %dma_start3A_23 : memref<1x128xi32, #tpu.memory_space<vmem>> -> memref<128xi32, #tpu.memory_space<vmem>>
      %dma_start3A_25 = arith.constant 0 : i32
      %dma_start3A_26 = arith.constant 0 : i32
      %dma_start3A_27 = tpu.memref_slice %arg8[%dma_start3A_25, %dma_start3A_26] : memref<10240x48xf32, #tpu.memory_space<vmem_shared>> -> memref<10240x48xf32, #tpu.memory_space<vmem_shared>>
      tpu.enqueue_indirect_dma source(%dma_start3A_21 : memref<128x48xf32, #tpu.memory_space<vmem>>) target(%dma_start3A_27 : memref<10240x48xf32, #tpu.memory_space<vmem_shared>>) offsets(%dma_start3A_24 : memref<128xi32, #tpu.memory_space<vmem>>) semaphore(%run_scoped3A_19 : memref<!tpu.dma_semaphore, #tpu.memory_space<semaphore_mem>>) {add = true}
      %dma_wait3A = arith.constant 384 : i32
      %dma_wait3A_28 = arith.constant 0 : i32
      %dma_wait3A_29 = tpu.memref_slice %arg7[%dma_wait3A, %dma_wait3A_28] : memref<640x48xf32, #tpu.memory_space<vmem>> -> memref<128x48xf32, #tpu.memory_space<vmem>>
      %dma_wait3A_30 = arith.constant 0 : i32
      %dma_wait3A_31 = tpu.memref_slice %arg6[%run_scoped3A_9, %dma_wait3A_30] : memref<8x128xi32, #tpu.memory_space<vmem>> -> memref<1x128xi32, #tpu.memory_space<vmem>>
      %dma_wait3A_32 = tpu.memref_squeeze %dma_wait3A_31 : memref<1x128xi32, #tpu.memory_space<vmem>> -> memref<128xi32, #tpu.memory_space<vmem>>
      %dma_wait3A_33 = arith.constant 0 : i32
      %dma_wait3A_34 = arith.constant 0 : i32
      %dma_wait3A_35 = tpu.memref_slice %arg8[%dma_wait3A_33, %dma_wait3A_34] : memref<10240x48xf32, #tpu.memory_space<vmem_shared>> -> memref<10240x48xf32, #tpu.memory_space<vmem_shared>>
      tpu.wait_indirect_dma semaphore(%run_scoped3A_19 : memref<!tpu.dma_semaphore, #tpu.memory_space<semaphore_mem>>) src(%dma_wait3A_29 : memref<128x48xf32, #tpu.memory_space<vmem>>) dst(%dma_wait3A_35 : memref<10240x48xf32, #tpu.memory_space<vmem_shared>>)
      tpu.yield
    }) : () -> ()
    %run_scoped3A_10 = arith.constant 4 : i32
    "tpu.region"() ({
      %run_scoped3A_19 = tpu.sem_alloc : memref<!tpu.dma_semaphore, #tpu.memory_space<semaphore_mem>>
      %dma_start3A = arith.constant 512 : i32
      %dma_start3A_20 = arith.constant 0 : i32
      %dma_start3A_21 = tpu.memref_slice %arg7[%dma_start3A, %dma_start3A_20] : memref<640x48xf32, #tpu.memory_space<vmem>> -> memref<128x48xf32, #tpu.memory_space<vmem>>
      %dma_start3A_22 = arith.constant 0 : i32
      %dma_start3A_23 = tpu.memref_slice %arg6[%run_scoped3A_10, %dma_start3A_22] : memref<8x128xi32, #tpu.memory_space<vmem>> -> memref<1x128xi32, #tpu.memory_space<vmem>>
      %dma_start3A_24 = tpu.memref_squeeze %dma_start3A_23 : memref<1x128xi32, #tpu.memory_space<vmem>> -> memref<128xi32, #tpu.memory_space<vmem>>
      %dma_start3A_25 = arith.constant 0 : i32
      %dma_start3A_26 = arith.constant 0 : i32
      %dma_start3A_27 = tpu.memref_slice %arg8[%dma_start3A_25, %dma_start3A_26] : memref<10240x48xf32, #tpu.memory_space<vmem_shared>> -> memref<10240x48xf32, #tpu.memory_space<vmem_shared>>
      tpu.enqueue_indirect_dma source(%dma_start3A_21 : memref<128x48xf32, #tpu.memory_space<vmem>>) target(%dma_start3A_27 : memref<10240x48xf32, #tpu.memory_space<vmem_shared>>) offsets(%dma_start3A_24 : memref<128xi32, #tpu.memory_space<vmem>>) semaphore(%run_scoped3A_19 : memref<!tpu.dma_semaphore, #tpu.memory_space<semaphore_mem>>) {add = true}
      %dma_wait3A = arith.constant 512 : i32
      %dma_wait3A_28 = arith.constant 0 : i32
      %dma_wait3A_29 = tpu.memref_slice %arg7[%dma_wait3A, %dma_wait3A_28] : memref<640x48xf32, #tpu.memory_space<vmem>> -> memref<128x48xf32, #tpu.memory_space<vmem>>
      %dma_wait3A_30 = arith.constant 0 : i32
      %dma_wait3A_31 = tpu.memref_slice %arg6[%run_scoped3A_10, %dma_wait3A_30] : memref<8x128xi32, #tpu.memory_space<vmem>> -> memref<1x128xi32, #tpu.memory_space<vmem>>
      %dma_wait3A_32 = tpu.memref_squeeze %dma_wait3A_31 : memref<1x128xi32, #tpu.memory_space<vmem>> -> memref<128xi32, #tpu.memory_space<vmem>>
      %dma_wait3A_33 = arith.constant 0 : i32
      %dma_wait3A_34 = arith.constant 0 : i32
      %dma_wait3A_35 = tpu.memref_slice %arg8[%dma_wait3A_33, %dma_wait3A_34] : memref<10240x48xf32, #tpu.memory_space<vmem_shared>> -> memref<10240x48xf32, #tpu.memory_space<vmem_shared>>
      tpu.wait_indirect_dma semaphore(%run_scoped3A_19 : memref<!tpu.dma_semaphore, #tpu.memory_space<semaphore_mem>>) src(%dma_wait3A_29 : memref<128x48xf32, #tpu.memory_space<vmem>>) dst(%dma_wait3A_35 : memref<10240x48xf32, #tpu.memory_space<vmem_shared>>)
      tpu.yield
    }) : () -> ()
    %barrier3A_11 = arith.constant 0 : index
    tpu.barrier barrier_id(%barrier3A_11)
    %mul3A_12 = arith.constant 10240 : i32
    %mul3A_13 = arith.muli %arg0, %mul3A_12 : i32
    %mul3A_14 = arith.constant 640 : i32
    %mul3A_15 = arith.muli %arg1, %mul3A_14 : i32
    %add3A_16 = arith.addi %mul3A_13, %mul3A_15 : i32
    %mul3A_17 = arith.constant 640 : i32
    %mul3A_18 = arith.muli %arg1, %mul3A_17 : i32
    "tpu.region"() ({
      %run_scoped3A_19 = tpu.sem_alloc : memref<!tpu.dma_semaphore, #tpu.memory_space<semaphore_mem>>
      %dma_start3A = arith.constant 0 : i32
      %dma_start3A_20 = tpu.memref_slice %arg5[%add3A_16, %dma_start3A] : memref<20480x128xf32, #tpu.memory_space<hbm>> -> memref<640x48xf32, #tpu.memory_space<hbm>>
      %dma_start3A_21 = arith.constant 0 : i32
      %dma_start3A_22 = tpu.memref_slice %arg8[%mul3A_18, %dma_start3A_21] : memref<10240x48xf32, #tpu.memory_space<vmem_shared>> -> memref<640x48xf32, #tpu.memory_space<vmem_shared>>
      tpu.enqueue_dma source(%dma_start3A_22 : memref<640x48xf32, #tpu.memory_space<vmem_shared>>) target(%dma_start3A_20 : memref<640x48xf32, #tpu.memory_space<hbm>>) target_semaphore(%run_scoped3A_19 : memref<!tpu.dma_semaphore, #tpu.memory_space<semaphore_mem>>)
      %dma_wait3A = arith.constant 0 : i32
      %dma_wait3A_23 = tpu.memref_slice %arg5[%add3A_16, %dma_wait3A] : memref<20480x128xf32, #tpu.memory_space<hbm>> -> memref<640x48xf32, #tpu.memory_space<hbm>>
      %dma_wait3A_24 = arith.constant 0 : i32
      %dma_wait3A_25 = tpu.memref_slice %arg8[%mul3A_18, %dma_wait3A_24] : memref<10240x48xf32, #tpu.memory_space<vmem_shared>> -> memref<640x48xf32, #tpu.memory_space<vmem_shared>>
      tpu.wait_dma2 semaphore(%run_scoped3A_19 : memref<!tpu.dma_semaphore, #tpu.memory_space<semaphore_mem>>) src(%dma_wait3A_25 : memref<640x48xf32, #tpu.memory_space<vmem_shared>>) dst(%dma_wait3A_23 : memref<640x48xf32, #tpu.memory_space<hbm>>)
      tpu.yield
    }) : () -> ()
    return
  }
}

#map = affine_map<(d0, d1) -> (0, 0)>
#map1 = affine_map<(d0, d1) -> (0, 0, 0)>
module attributes {stable_mosaic.version = 14 : i64} {
  func.func @_gather_body(%arg0: i32, %arg1: i32, %arg2: memref<10240x128xf32, #tpu.memory_space<hbm>>, %arg3: memref<32x8x128xi32, #tpu.memory_space<hbm>>, %arg4: memref<20480x128xf32, #tpu.memory_space<hbm>>, %arg5: memref<8x128xi32, #tpu.memory_space<vmem>>, %arg6: memref<640x128xf32, #tpu.memory_space<vmem>>, %arg7: memref<!tpu.dma_semaphore, #tpu.memory_space<semaphore_mem>>) attributes {dimension_semantics = [#tpu.dimension_semantics<core_parallel>, #tpu.dimension_semantics<subcore_parallel>], iteration_bounds = array<i64: 2, 16>, scalar_prefetch = 0 : i64, scratch_operands = 3 : i64, tpu.core_type = #tpu.core_type<sc_vector_subcore>, window_params = [{transform_indices = #map}, {transform_indices = #map1}, {transform_indices = #map}]} {
    %mul3A = arith.constant 2 : i32
    %mul3A_0 = arith.muli %arg1, %mul3A : i32
    %add3A = arith.addi %mul3A_0, %arg0 : i32
    "tpu.region"() ({
      %run_scoped3A = tpu.sem_alloc : memref<!tpu.dma_semaphore, #tpu.memory_space<semaphore_mem>>
      %dma_start3A_101 = arith.constant 0 : i32
      %dma_start3A_102 = arith.constant 0 : i32
      %dma_start3A_103 = tpu.memref_slice %arg3[%add3A, %dma_start3A_101, %dma_start3A_102] : memref<32x8x128xi32, #tpu.memory_space<hbm>> -> memref<1x8x128xi32, #tpu.memory_space<hbm>>
      %dma_start3A_104 = tpu.memref_squeeze %dma_start3A_103 : memref<1x8x128xi32, #tpu.memory_space<hbm>> -> memref<8x128xi32, #tpu.memory_space<hbm>>
      %dma_start3A_105 = arith.constant 0 : i32
      %dma_start3A_106 = arith.constant 0 : i32
      %dma_start3A_107 = tpu.memref_slice %arg3[%add3A, %dma_start3A_105, %dma_start3A_106] : memref<32x8x128xi32, #tpu.memory_space<hbm>> -> memref<1x8x128xi32, #tpu.memory_space<hbm>>
      %dma_start3A_108 = tpu.memref_squeeze %dma_start3A_107 : memref<1x8x128xi32, #tpu.memory_space<hbm>> -> memref<8x128xi32, #tpu.memory_space<hbm>>
      tpu.enqueue_dma source(%dma_start3A_108 : memref<8x128xi32, #tpu.memory_space<hbm>>) target(%arg5 : memref<8x128xi32, #tpu.memory_space<vmem>>) target_semaphore(%run_scoped3A : memref<!tpu.dma_semaphore, #tpu.memory_space<semaphore_mem>>)
      %dma_wait3A_109 = arith.constant 0 : i32
      %dma_wait3A_110 = arith.constant 0 : i32
      %dma_wait3A_111 = tpu.memref_slice %arg3[%add3A, %dma_wait3A_109, %dma_wait3A_110] : memref<32x8x128xi32, #tpu.memory_space<hbm>> -> memref<1x8x128xi32, #tpu.memory_space<hbm>>
      %dma_wait3A_112 = tpu.memref_squeeze %dma_wait3A_111 : memref<1x8x128xi32, #tpu.memory_space<hbm>> -> memref<8x128xi32, #tpu.memory_space<hbm>>
      %dma_wait3A_113 = arith.constant 0 : i32
      %dma_wait3A_114 = arith.constant 0 : i32
      %dma_wait3A_115 = tpu.memref_slice %arg3[%add3A, %dma_wait3A_113, %dma_wait3A_114] : memref<32x8x128xi32, #tpu.memory_space<hbm>> -> memref<1x8x128xi32, #tpu.memory_space<hbm>>
      %dma_wait3A_116 = tpu.memref_squeeze %dma_wait3A_115 : memref<1x8x128xi32, #tpu.memory_space<hbm>> -> memref<8x128xi32, #tpu.memory_space<hbm>>
      tpu.wait_dma2 semaphore(%run_scoped3A : memref<!tpu.dma_semaphore, #tpu.memory_space<semaphore_mem>>) src(%dma_wait3A_116 : memref<8x128xi32, #tpu.memory_space<hbm>>) dst(%arg5 : memref<8x128xi32, #tpu.memory_space<vmem>>)
      tpu.yield
    }) : () -> ()
    %dma_start3A = arith.constant 0 : i32
    %dma_start3A_1 = arith.constant 0 : i32
    %dma_start3A_2 = arith.constant 0 : i32
    %dma_start3A_3 = tpu.memref_slice %arg6[%dma_start3A_1, %dma_start3A_2] : memref<640x128xf32, #tpu.memory_space<vmem>> -> memref<128x128xf32, #tpu.memory_space<vmem>>
    %dma_start3A_4 = arith.constant 0 : i32
    %dma_start3A_5 = tpu.memref_slice %arg5[%dma_start3A, %dma_start3A_4] : memref<8x128xi32, #tpu.memory_space<vmem>> -> memref<1x128xi32, #tpu.memory_space<vmem>>
    %dma_start3A_6 = tpu.memref_squeeze %dma_start3A_5 : memref<1x128xi32, #tpu.memory_space<vmem>> -> memref<128xi32, #tpu.memory_space<vmem>>
    %dma_start3A_7 = arith.constant 0 : i32
    %dma_start3A_8 = arith.constant 0 : i32
    %dma_start3A_9 = tpu.memref_slice %arg2[%dma_start3A_7, %dma_start3A_8] : memref<10240x128xf32, #tpu.memory_space<hbm>> -> memref<10240x128xf32, #tpu.memory_space<hbm>>
    tpu.enqueue_indirect_dma source(%dma_start3A_9 : memref<10240x128xf32, #tpu.memory_space<hbm>>) target(%dma_start3A_3 : memref<128x128xf32, #tpu.memory_space<vmem>>) offsets(%dma_start3A_6 : memref<128xi32, #tpu.memory_space<vmem>>) semaphore(%arg7 : memref<!tpu.dma_semaphore, #tpu.memory_space<semaphore_mem>>)
    %dma_start3A_10 = arith.constant 1 : i32
    %dma_start3A_11 = arith.constant 128 : i32
    %dma_start3A_12 = arith.constant 0 : i32
    %dma_start3A_13 = tpu.memref_slice %arg6[%dma_start3A_11, %dma_start3A_12] : memref<640x128xf32, #tpu.memory_space<vmem>> -> memref<128x128xf32, #tpu.memory_space<vmem>>
    %dma_start3A_14 = arith.constant 0 : i32
    %dma_start3A_15 = tpu.memref_slice %arg5[%dma_start3A_10, %dma_start3A_14] : memref<8x128xi32, #tpu.memory_space<vmem>> -> memref<1x128xi32, #tpu.memory_space<vmem>>
    %dma_start3A_16 = tpu.memref_squeeze %dma_start3A_15 : memref<1x128xi32, #tpu.memory_space<vmem>> -> memref<128xi32, #tpu.memory_space<vmem>>
    %dma_start3A_17 = arith.constant 0 : i32
    %dma_start3A_18 = arith.constant 0 : i32
    %dma_start3A_19 = tpu.memref_slice %arg2[%dma_start3A_17, %dma_start3A_18] : memref<10240x128xf32, #tpu.memory_space<hbm>> -> memref<10240x128xf32, #tpu.memory_space<hbm>>
    tpu.enqueue_indirect_dma source(%dma_start3A_19 : memref<10240x128xf32, #tpu.memory_space<hbm>>) target(%dma_start3A_13 : memref<128x128xf32, #tpu.memory_space<vmem>>) offsets(%dma_start3A_16 : memref<128xi32, #tpu.memory_space<vmem>>) semaphore(%arg7 : memref<!tpu.dma_semaphore, #tpu.memory_space<semaphore_mem>>)
    %dma_start3A_20 = arith.constant 2 : i32
    %dma_start3A_21 = arith.constant 256 : i32
    %dma_start3A_22 = arith.constant 0 : i32
    %dma_start3A_23 = tpu.memref_slice %arg6[%dma_start3A_21, %dma_start3A_22] : memref<640x128xf32, #tpu.memory_space<vmem>> -> memref<128x128xf32, #tpu.memory_space<vmem>>
    %dma_start3A_24 = arith.constant 0 : i32
    %dma_start3A_25 = tpu.memref_slice %arg5[%dma_start3A_20, %dma_start3A_24] : memref<8x128xi32, #tpu.memory_space<vmem>> -> memref<1x128xi32, #tpu.memory_space<vmem>>
    %dma_start3A_26 = tpu.memref_squeeze %dma_start3A_25 : memref<1x128xi32, #tpu.memory_space<vmem>> -> memref<128xi32, #tpu.memory_space<vmem>>
    %dma_start3A_27 = arith.constant 0 : i32
    %dma_start3A_28 = arith.constant 0 : i32
    %dma_start3A_29 = tpu.memref_slice %arg2[%dma_start3A_27, %dma_start3A_28] : memref<10240x128xf32, #tpu.memory_space<hbm>> -> memref<10240x128xf32, #tpu.memory_space<hbm>>
    tpu.enqueue_indirect_dma source(%dma_start3A_29 : memref<10240x128xf32, #tpu.memory_space<hbm>>) target(%dma_start3A_23 : memref<128x128xf32, #tpu.memory_space<vmem>>) offsets(%dma_start3A_26 : memref<128xi32, #tpu.memory_space<vmem>>) semaphore(%arg7 : memref<!tpu.dma_semaphore, #tpu.memory_space<semaphore_mem>>)
    %dma_start3A_30 = arith.constant 3 : i32
    %dma_start3A_31 = arith.constant 384 : i32
    %dma_start3A_32 = arith.constant 0 : i32
    %dma_start3A_33 = tpu.memref_slice %arg6[%dma_start3A_31, %dma_start3A_32] : memref<640x128xf32, #tpu.memory_space<vmem>> -> memref<128x128xf32, #tpu.memory_space<vmem>>
    %dma_start3A_34 = arith.constant 0 : i32
    %dma_start3A_35 = tpu.memref_slice %arg5[%dma_start3A_30, %dma_start3A_34] : memref<8x128xi32, #tpu.memory_space<vmem>> -> memref<1x128xi32, #tpu.memory_space<vmem>>
    %dma_start3A_36 = tpu.memref_squeeze %dma_start3A_35 : memref<1x128xi32, #tpu.memory_space<vmem>> -> memref<128xi32, #tpu.memory_space<vmem>>
    %dma_start3A_37 = arith.constant 0 : i32
    %dma_start3A_38 = arith.constant 0 : i32
    %dma_start3A_39 = tpu.memref_slice %arg2[%dma_start3A_37, %dma_start3A_38] : memref<10240x128xf32, #tpu.memory_space<hbm>> -> memref<10240x128xf32, #tpu.memory_space<hbm>>
    tpu.enqueue_indirect_dma source(%dma_start3A_39 : memref<10240x128xf32, #tpu.memory_space<hbm>>) target(%dma_start3A_33 : memref<128x128xf32, #tpu.memory_space<vmem>>) offsets(%dma_start3A_36 : memref<128xi32, #tpu.memory_space<vmem>>) semaphore(%arg7 : memref<!tpu.dma_semaphore, #tpu.memory_space<semaphore_mem>>)
    %dma_start3A_40 = arith.constant 4 : i32
    %dma_start3A_41 = arith.constant 512 : i32
    %dma_start3A_42 = arith.constant 0 : i32
    %dma_start3A_43 = tpu.memref_slice %arg6[%dma_start3A_41, %dma_start3A_42] : memref<640x128xf32, #tpu.memory_space<vmem>> -> memref<128x128xf32, #tpu.memory_space<vmem>>
    %dma_start3A_44 = arith.constant 0 : i32
    %dma_start3A_45 = tpu.memref_slice %arg5[%dma_start3A_40, %dma_start3A_44] : memref<8x128xi32, #tpu.memory_space<vmem>> -> memref<1x128xi32, #tpu.memory_space<vmem>>
    %dma_start3A_46 = tpu.memref_squeeze %dma_start3A_45 : memref<1x128xi32, #tpu.memory_space<vmem>> -> memref<128xi32, #tpu.memory_space<vmem>>
    %dma_start3A_47 = arith.constant 0 : i32
    %dma_start3A_48 = arith.constant 0 : i32
    %dma_start3A_49 = tpu.memref_slice %arg2[%dma_start3A_47, %dma_start3A_48] : memref<10240x128xf32, #tpu.memory_space<hbm>> -> memref<10240x128xf32, #tpu.memory_space<hbm>>
    tpu.enqueue_indirect_dma source(%dma_start3A_49 : memref<10240x128xf32, #tpu.memory_space<hbm>>) target(%dma_start3A_43 : memref<128x128xf32, #tpu.memory_space<vmem>>) offsets(%dma_start3A_46 : memref<128xi32, #tpu.memory_space<vmem>>) semaphore(%arg7 : memref<!tpu.dma_semaphore, #tpu.memory_space<semaphore_mem>>)
    %dma_wait3A = arith.constant 0 : i32
    %dma_wait3A_50 = arith.constant 0 : i32
    %dma_wait3A_51 = arith.constant 0 : i32
    %dma_wait3A_52 = tpu.memref_slice %arg6[%dma_wait3A_50, %dma_wait3A_51] : memref<640x128xf32, #tpu.memory_space<vmem>> -> memref<128x128xf32, #tpu.memory_space<vmem>>
    %dma_wait3A_53 = arith.constant 0 : i32
    %dma_wait3A_54 = tpu.memref_slice %arg5[%dma_wait3A, %dma_wait3A_53] : memref<8x128xi32, #tpu.memory_space<vmem>> -> memref<1x128xi32, #tpu.memory_space<vmem>>
    %dma_wait3A_55 = tpu.memref_squeeze %dma_wait3A_54 : memref<1x128xi32, #tpu.memory_space<vmem>> -> memref<128xi32, #tpu.memory_space<vmem>>
    %dma_wait3A_56 = arith.constant 0 : i32
    %dma_wait3A_57 = arith.constant 0 : i32
    %dma_wait3A_58 = tpu.memref_slice %arg2[%dma_wait3A_56, %dma_wait3A_57] : memref<10240x128xf32, #tpu.memory_space<hbm>> -> memref<10240x128xf32, #tpu.memory_space<hbm>>
    tpu.wait_indirect_dma semaphore(%arg7 : memref<!tpu.dma_semaphore, #tpu.memory_space<semaphore_mem>>) src(%dma_wait3A_58 : memref<10240x128xf32, #tpu.memory_space<hbm>>) dst(%dma_wait3A_52 : memref<128x128xf32, #tpu.memory_space<vmem>>)
    %dma_wait3A_59 = arith.constant 1 : i32
    %dma_wait3A_60 = arith.constant 128 : i32
    %dma_wait3A_61 = arith.constant 0 : i32
    %dma_wait3A_62 = tpu.memref_slice %arg6[%dma_wait3A_60, %dma_wait3A_61] : memref<640x128xf32, #tpu.memory_space<vmem>> -> memref<128x128xf32, #tpu.memory_space<vmem>>
    %dma_wait3A_63 = arith.constant 0 : i32
    %dma_wait3A_64 = tpu.memref_slice %arg5[%dma_wait3A_59, %dma_wait3A_63] : memref<8x128xi32, #tpu.memory_space<vmem>> -> memref<1x128xi32, #tpu.memory_space<vmem>>
    %dma_wait3A_65 = tpu.memref_squeeze %dma_wait3A_64 : memref<1x128xi32, #tpu.memory_space<vmem>> -> memref<128xi32, #tpu.memory_space<vmem>>
    %dma_wait3A_66 = arith.constant 0 : i32
    %dma_wait3A_67 = arith.constant 0 : i32
    %dma_wait3A_68 = tpu.memref_slice %arg2[%dma_wait3A_66, %dma_wait3A_67] : memref<10240x128xf32, #tpu.memory_space<hbm>> -> memref<10240x128xf32, #tpu.memory_space<hbm>>
    tpu.wait_indirect_dma semaphore(%arg7 : memref<!tpu.dma_semaphore, #tpu.memory_space<semaphore_mem>>) src(%dma_wait3A_68 : memref<10240x128xf32, #tpu.memory_space<hbm>>) dst(%dma_wait3A_62 : memref<128x128xf32, #tpu.memory_space<vmem>>)
    %dma_wait3A_69 = arith.constant 2 : i32
    %dma_wait3A_70 = arith.constant 256 : i32
    %dma_wait3A_71 = arith.constant 0 : i32
    %dma_wait3A_72 = tpu.memref_slice %arg6[%dma_wait3A_70, %dma_wait3A_71] : memref<640x128xf32, #tpu.memory_space<vmem>> -> memref<128x128xf32, #tpu.memory_space<vmem>>
    %dma_wait3A_73 = arith.constant 0 : i32
    %dma_wait3A_74 = tpu.memref_slice %arg5[%dma_wait3A_69, %dma_wait3A_73] : memref<8x128xi32, #tpu.memory_space<vmem>> -> memref<1x128xi32, #tpu.memory_space<vmem>>
    %dma_wait3A_75 = tpu.memref_squeeze %dma_wait3A_74 : memref<1x128xi32, #tpu.memory_space<vmem>> -> memref<128xi32, #tpu.memory_space<vmem>>
    %dma_wait3A_76 = arith.constant 0 : i32
    %dma_wait3A_77 = arith.constant 0 : i32
    %dma_wait3A_78 = tpu.memref_slice %arg2[%dma_wait3A_76, %dma_wait3A_77] : memref<10240x128xf32, #tpu.memory_space<hbm>> -> memref<10240x128xf32, #tpu.memory_space<hbm>>
    tpu.wait_indirect_dma semaphore(%arg7 : memref<!tpu.dma_semaphore, #tpu.memory_space<semaphore_mem>>) src(%dma_wait3A_78 : memref<10240x128xf32, #tpu.memory_space<hbm>>) dst(%dma_wait3A_72 : memref<128x128xf32, #tpu.memory_space<vmem>>)
    %dma_wait3A_79 = arith.constant 3 : i32
    %dma_wait3A_80 = arith.constant 384 : i32
    %dma_wait3A_81 = arith.constant 0 : i32
    %dma_wait3A_82 = tpu.memref_slice %arg6[%dma_wait3A_80, %dma_wait3A_81] : memref<640x128xf32, #tpu.memory_space<vmem>> -> memref<128x128xf32, #tpu.memory_space<vmem>>
    %dma_wait3A_83 = arith.constant 0 : i32
    %dma_wait3A_84 = tpu.memref_slice %arg5[%dma_wait3A_79, %dma_wait3A_83] : memref<8x128xi32, #tpu.memory_space<vmem>> -> memref<1x128xi32, #tpu.memory_space<vmem>>
    %dma_wait3A_85 = tpu.memref_squeeze %dma_wait3A_84 : memref<1x128xi32, #tpu.memory_space<vmem>> -> memref<128xi32, #tpu.memory_space<vmem>>
    %dma_wait3A_86 = arith.constant 0 : i32
    %dma_wait3A_87 = arith.constant 0 : i32
    %dma_wait3A_88 = tpu.memref_slice %arg2[%dma_wait3A_86, %dma_wait3A_87] : memref<10240x128xf32, #tpu.memory_space<hbm>> -> memref<10240x128xf32, #tpu.memory_space<hbm>>
    tpu.wait_indirect_dma semaphore(%arg7 : memref<!tpu.dma_semaphore, #tpu.memory_space<semaphore_mem>>) src(%dma_wait3A_88 : memref<10240x128xf32, #tpu.memory_space<hbm>>) dst(%dma_wait3A_82 : memref<128x128xf32, #tpu.memory_space<vmem>>)
    %dma_wait3A_89 = arith.constant 4 : i32
    %dma_wait3A_90 = arith.constant 512 : i32
    %dma_wait3A_91 = arith.constant 0 : i32
    %dma_wait3A_92 = tpu.memref_slice %arg6[%dma_wait3A_90, %dma_wait3A_91] : memref<640x128xf32, #tpu.memory_space<vmem>> -> memref<128x128xf32, #tpu.memory_space<vmem>>
    %dma_wait3A_93 = arith.constant 0 : i32
    %dma_wait3A_94 = tpu.memref_slice %arg5[%dma_wait3A_89, %dma_wait3A_93] : memref<8x128xi32, #tpu.memory_space<vmem>> -> memref<1x128xi32, #tpu.memory_space<vmem>>
    %dma_wait3A_95 = tpu.memref_squeeze %dma_wait3A_94 : memref<1x128xi32, #tpu.memory_space<vmem>> -> memref<128xi32, #tpu.memory_space<vmem>>
    %dma_wait3A_96 = arith.constant 0 : i32
    %dma_wait3A_97 = arith.constant 0 : i32
    %dma_wait3A_98 = tpu.memref_slice %arg2[%dma_wait3A_96, %dma_wait3A_97] : memref<10240x128xf32, #tpu.memory_space<hbm>> -> memref<10240x128xf32, #tpu.memory_space<hbm>>
    tpu.wait_indirect_dma semaphore(%arg7 : memref<!tpu.dma_semaphore, #tpu.memory_space<semaphore_mem>>) src(%dma_wait3A_98 : memref<10240x128xf32, #tpu.memory_space<hbm>>) dst(%dma_wait3A_92 : memref<128x128xf32, #tpu.memory_space<vmem>>)
    %mul3A_99 = arith.constant 640 : i32
    %mul3A_100 = arith.muli %add3A, %mul3A_99 : i32
    "tpu.region"() ({
      %run_scoped3A = tpu.sem_alloc : memref<!tpu.dma_semaphore, #tpu.memory_space<semaphore_mem>>
      %dma_start3A_101 = arith.constant 0 : i32
      %dma_start3A_102 = tpu.memref_slice %arg4[%mul3A_100, %dma_start3A_101] : memref<20480x128xf32, #tpu.memory_space<hbm>> -> memref<640x128xf32, #tpu.memory_space<hbm>>
      %dma_start3A_103 = arith.constant 0 : i32
      %dma_start3A_104 = tpu.memref_slice %arg4[%mul3A_100, %dma_start3A_103] : memref<20480x128xf32, #tpu.memory_space<hbm>> -> memref<640x128xf32, #tpu.memory_space<hbm>>
      tpu.enqueue_dma source(%arg6 : memref<640x128xf32, #tpu.memory_space<vmem>>) target(%dma_start3A_104 : memref<640x128xf32, #tpu.memory_space<hbm>>) target_semaphore(%run_scoped3A : memref<!tpu.dma_semaphore, #tpu.memory_space<semaphore_mem>>)
      %dma_wait3A_105 = arith.constant 0 : i32
      %dma_wait3A_106 = tpu.memref_slice %arg4[%mul3A_100, %dma_wait3A_105] : memref<20480x128xf32, #tpu.memory_space<hbm>> -> memref<640x128xf32, #tpu.memory_space<hbm>>
      %dma_wait3A_107 = arith.constant 0 : i32
      %dma_wait3A_108 = tpu.memref_slice %arg4[%mul3A_100, %dma_wait3A_107] : memref<20480x128xf32, #tpu.memory_space<hbm>> -> memref<640x128xf32, #tpu.memory_space<hbm>>
      tpu.wait_dma2 semaphore(%run_scoped3A : memref<!tpu.dma_semaphore, #tpu.memory_space<semaphore_mem>>) src(%arg6 : memref<640x128xf32, #tpu.memory_space<vmem>>) dst(%dma_wait3A_108 : memref<640x128xf32, #tpu.memory_space<hbm>>)
      tpu.yield
    }) : () -> ()
    return
  }
}

module attributes {stable_mosaic.version = 14 : i64} {
  func.func @_dense_body(%arg0: i32, %arg1: memref<1024x4xf32, #tpu.memory_space<vmem>>, %arg2: memref<4x512xf32, #tpu.memory_space<vmem>>, %arg3: memref<1x512xf32, #tpu.memory_space<vmem>>, %arg4: memref<512x512xf32, #tpu.memory_space<vmem>>, %arg5: memref<1x512xf32, #tpu.memory_space<vmem>>, %arg6: memref<1024x128xf32, #tpu.memory_space<vmem>>, %arg7: memref<1024x128xf32, #tpu.memory_space<vmem>>) attributes {dimension_semantics = [#tpu.dimension_semantics<arbitrary>], iteration_bounds = array<i64: 20>, scalar_prefetch = 0 : i64, scratch_operands = 0 : i64, tpu.core_type = #tpu.core_type<tc>, window_params = [{transform_indices = @transform_0, window_bounds = array<i64: 1024, 4>}, {pipeline_mode = #tpu.pipeline_mode<synchronous>, transform_indices = @transform_1, window_bounds = array<i64: 4, 512>}, {pipeline_mode = #tpu.pipeline_mode<synchronous>, transform_indices = @transform_2, window_bounds = array<i64: 1, 512>}, {pipeline_mode = #tpu.pipeline_mode<synchronous>, transform_indices = @transform_3, window_bounds = array<i64: 512, 512>}, {pipeline_mode = #tpu.pipeline_mode<synchronous>, transform_indices = @transform_4, window_bounds = array<i64: 1, 512>}, {transform_indices = @transform_5, window_bounds = array<i64: 1024, 128>}, {transform_indices = @transform_6, window_bounds = array<i64: 1024, 128>}]} {
    %get3A = arith.constant 0 : index
    %get3A_0 = arith.constant 0 : index
    %get3A_1 = vector.load %arg1[%get3A, %get3A_0] : memref<1024x4xf32, #tpu.memory_space<vmem>>, vector<1024x4xf32>
    %get3A_2 = arith.constant 0 : index
    %get3A_3 = arith.constant 0 : index
    %get3A_4 = vector.load %arg2[%get3A_2, %get3A_3] : memref<4x512xf32, #tpu.memory_space<vmem>>, vector<4x512xf32>
    %dot_general3A = arith.constant dense<0.000000e+00> : vector<1024x512xf32>
    %dot_general3A_5 = tpu.matmul %get3A_1, %get3A_4, %dot_general3A {dimension_numbers = #tpu.dot_dimension_numbers<[1], [0], [0], [1], [0, 0, 1, 1], [], []>, transpose_lhs_hint = false} : vector<1024x4xf32>, vector<4x512xf32>, vector<1024x512xf32> -> vector<1024x512xf32>
    %get3A_6 = arith.constant 0 : index
    %get3A_7 = arith.constant 0 : index
    %get3A_8 = vector.load %arg3[%get3A_6, %get3A_7] : memref<1x512xf32, #tpu.memory_space<vmem>>, vector<1x512xf32>
    %add3A = vector.broadcast %get3A_8 : vector<1x512xf32> to vector<1024x512xf32>
    %add3A_9 = arith.addf %dot_general3A_5, %add3A : vector<1024x512xf32>
    %max3A = arith.constant 0.000000e+00 : f32
    %max3A_10 = vector.broadcast %max3A : f32 to vector<1024x512xf32>
    %max3A_11 = arith.maximumf %add3A_9, %max3A_10 : vector<1024x512xf32>
    %get3A_12 = arith.constant 0 : index
    %get3A_13 = arith.constant 0 : index
    %get3A_14 = vector.load %arg4[%get3A_12, %get3A_13] : memref<512x512xf32, #tpu.memory_space<vmem>>, vector<512x512xf32>
    %dot_general3A_15 = arith.constant dense<0.000000e+00> : vector<1024x512xf32>
    %dot_general3A_16 = tpu.matmul %max3A_11, %get3A_14, %dot_general3A_15 {dimension_numbers = #tpu.dot_dimension_numbers<[1], [0], [0], [1], [0, 0, 1, 1], [], []>, transpose_lhs_hint = false} : vector<1024x512xf32>, vector<512x512xf32>, vector<1024x512xf32> -> vector<1024x512xf32>
    %get3A_17 = arith.constant 0 : index
    %get3A_18 = arith.constant 0 : index
    %get3A_19 = vector.load %arg5[%get3A_17, %get3A_18] : memref<1x512xf32, #tpu.memory_space<vmem>>, vector<1x512xf32>
    %add3A_20 = vector.broadcast %get3A_19 : vector<1x512xf32> to vector<1024x512xf32>
    %add3A_21 = arith.addf %dot_general3A_16, %add3A_20 : vector<1024x512xf32>
    %iota3A = tpu.iota {dimensions = array<i32: 1>} : vector<16x512xi32>
    %jit3A = arith.constant 32 : i32
    %div3A = vector.broadcast %jit3A : i32 to vector<16x512xi32>
    %div3A_22 = arith.divsi %iota3A, %div3A : vector<16x512xi32>
    %sign3A = arith.constant 0 : i32
    %sign3A_23 = vector.broadcast %sign3A : i32 to vector<16x512xi32>
    %sign3A_24 = arith.cmpi sgt, %iota3A, %sign3A_23 : vector<16x512xi32>
    %sign3A_25 = arith.extui %sign3A_24 : vector<16x512xi1> to vector<16x512xi32>
    %sign3A_26 = arith.constant 0 : i32
    %sign3A_27 = vector.broadcast %sign3A_26 : i32 to vector<16x512xi32>
    %sign3A_28 = arith.cmpi slt, %iota3A, %sign3A_27 : vector<16x512xi32>
    %sign3A_29 = arith.extui %sign3A_28 : vector<16x512xi1> to vector<16x512xi32>
    %sign3A_30 = arith.subi %sign3A_25, %sign3A_29 : vector<16x512xi32>
    %sign3A_31 = arith.constant 0 : i32
    %sign3A_32 = arith.cmpi sgt, %jit3A, %sign3A_31 : i32
    %sign3A_33 = arith.extui %sign3A_32 : i1 to i32
    %sign3A_34 = arith.constant 0 : i32
    %sign3A_35 = arith.cmpi slt, %jit3A, %sign3A_34 : i32
    %sign3A_36 = arith.extui %sign3A_35 : i1 to i32
    %sign3A_37 = arith.subi %sign3A_33, %sign3A_36 : i32
    %ne3A = vector.broadcast %sign3A_37 : i32 to vector<16x512xi32>
    %ne3A_38 = arith.cmpi ne, %sign3A_30, %ne3A : vector<16x512xi32>
    %rem3A = vector.broadcast %jit3A : i32 to vector<16x512xi32>
    %rem3A_39 = arith.remsi %iota3A, %rem3A : vector<16x512xi32>
    %ne3A_40 = arith.constant 0 : i32
    %ne3A_41 = vector.broadcast %ne3A_40 : i32 to vector<16x512xi32>
    %ne3A_42 = arith.cmpi ne, %rem3A_39, %ne3A_41 : vector<16x512xi32>
    %and3A = arith.andi %ne3A_38, %ne3A_42 : vector<16x512xi1>
    %sub3A = arith.constant 1 : i32
    %sub3A_43 = vector.broadcast %sub3A : i32 to vector<16x512xi32>
    %sub3A_44 = arith.subi %div3A_22, %sub3A_43 : vector<16x512xi32>
    %select_n3A = arith.select %and3A, %sub3A_44, %div3A_22 : vector<16x512xi1>, vector<16x512xi32>
    %iota3A_45 = tpu.iota {dimensions = array<i32: 0>} : vector<16x512xi32>
    %eq3A = arith.cmpi eq, %select_n3A, %iota3A_45 : vector<16x512xi32>
    %convert_element_type3A = arith.extui %eq3A : vector<16x512xi1> to vector<16x512xi32>
    %convert_element_type3A_46 = arith.sitofp %convert_element_type3A : vector<16x512xi32> to vector<16x512xf32>
    %get3A_47 = arith.constant 0 : index
    %get3A_48 = arith.constant 0 : index
    %get3A_49 = vector.load %arg6[%get3A_47, %get3A_48] : memref<1024x128xf32, #tpu.memory_space<vmem>>, vector<1024x16xf32>
    %dot_general3A_50 = arith.constant dense<0.000000e+00> : vector<1024x512xf32>
    %dot_general3A_51 = tpu.matmul %get3A_49, %convert_element_type3A_46, %dot_general3A_50 {dimension_numbers = #tpu.dot_dimension_numbers<[1], [0], [0], [1], [0, 0, 1, 1], [], []>, transpose_lhs_hint = false} : vector<1024x16xf32>, vector<16x512xf32>, vector<1024x512xf32> -> vector<1024x512xf32>
    %iota3A_52 = tpu.iota {dimensions = array<i32: 0>} : vector<512x32xi32>
    %jit3A_53 = arith.constant 32 : i32
    %eq3A_54 = arith.constant 0 : i32
    %eq3A_55 = arith.cmpi eq, %jit3A_53, %eq3A_54 : i32
    %jit3A_56 = arith.constant 1 : i32
    %select_n3A_57 = arith.select %eq3A_55, %jit3A_56, %jit3A_53 : i32
    %rem3A_58 = vector.broadcast %select_n3A_57 : i32 to vector<512x32xi32>
    %rem3A_59 = arith.remsi %iota3A_52, %rem3A_58 : vector<512x32xi32>
    %ne3A_60 = arith.constant 0 : i32
    %ne3A_61 = vector.broadcast %ne3A_60 : i32 to vector<512x32xi32>
    %ne3A_62 = arith.cmpi ne, %rem3A_59, %ne3A_61 : vector<512x32xi32>
    %lt3A = arith.constant 0 : i32
    %lt3A_63 = vector.broadcast %lt3A : i32 to vector<512x32xi32>
    %lt3A_64 = arith.cmpi slt, %rem3A_59, %lt3A_63 : vector<512x32xi32>
    %lt3A_65 = arith.constant 0 : i32
    %lt3A_66 = arith.cmpi slt, %select_n3A_57, %lt3A_65 : i32
    %ne3A_67 = vector.broadcast %lt3A_66 : i1 to vector<512x32xi1>
    %ne3A_68 = vector.broadcast %ne3A_67 : vector<512x32xi1> to vector<512x32xi1>
    %ne3A_69 = arith.xori %lt3A_64, %ne3A_68 : vector<512x32xi1>
    %and3A_70 = arith.andi %ne3A_69, %ne3A_62 : vector<512x32xi1>
    %add3A_71 = vector.broadcast %select_n3A_57 : i32 to vector<512x32xi32>
    %add3A_72 = arith.addi %rem3A_59, %add3A_71 : vector<512x32xi32>
    %select_n3A_73 = arith.select %and3A_70, %add3A_72, %rem3A_59 : vector<512x32xi1>, vector<512x32xi32>
    %iota3A_74 = tpu.iota {dimensions = array<i32: 1>} : vector<512x32xi32>
    %eq3A_75 = arith.cmpi eq, %select_n3A_73, %iota3A_74 : vector<512x32xi32>
    %convert_element_type3A_76 = arith.extui %eq3A_75 : vector<512x32xi1> to vector<512x32xi32>
    %convert_element_type3A_77 = arith.sitofp %convert_element_type3A_76 : vector<512x32xi32> to vector<512x32xf32>
    %mul3A = arith.mulf %dot_general3A_51, %add3A_21 : vector<1024x512xf32>
    %dot_general3A_78 = arith.constant dense<0.000000e+00> : vector<1024x32xf32>
    %dot_general3A_79 = tpu.matmul %mul3A, %convert_element_type3A_77, %dot_general3A_78 {dimension_numbers = #tpu.dot_dimension_numbers<[1], [0], [0], [1], [0, 0, 1, 1], [], []>, transpose_lhs_hint = false} : vector<1024x512xf32>, vector<512x32xf32>, vector<1024x32xf32> -> vector<1024x32xf32>
    %mul3A_80 = arith.constant 1024 : i32
    %mul3A_81 = arith.muli %arg0, %mul3A_80 : i32
    %iota3A_82 = tpu.iota {dimensions = array<i32: 0>} : vector<1024x1xi32>
    %add3A_83 = vector.broadcast %mul3A_81 : i32 to vector<1024x1xi32>
    %add3A_84 = arith.addi %add3A_83, %iota3A_82 : vector<1024x1xi32>
    %lt3A_85 = arith.constant 20000 : i32
    %lt3A_86 = vector.broadcast %lt3A_85 : i32 to vector<1024x1xi32>
    %lt3A_87 = arith.cmpi slt, %add3A_84, %lt3A_86 : vector<1024x1xi32>
    %jit3A_88 = arith.constant 0.000000e+00 : f32
    %broadcast_in_dim3A = vector.shape_cast %lt3A_87 : vector<1024x1xi1> to vector<1024x1xi1>
    %broadcast_in_dim3A_89 = vector.broadcast %broadcast_in_dim3A : vector<1024x1xi1> to vector<1024x32xi1>
    %broadcast_in_dim3A_90 = vector.broadcast %jit3A_88 : f32 to vector<1024x32xf32>
    %select_n3A_91 = arith.select %broadcast_in_dim3A_89, %dot_general3A_79, %broadcast_in_dim3A_90 : vector<1024x32xi1>, vector<1024x32xf32>
    %convert_element_type3A_92 = arith.extui %lt3A_87 : vector<1024x1xi1> to vector<1024x1xi32>
    %convert_element_type3A_93 = arith.sitofp %convert_element_type3A_92 : vector<1024x1xi32> to vector<1024x1xf32>
    %broadcast_in_dim3A_94 = arith.constant 0.000000e+00 : f32
    %broadcast_in_dim3A_95 = vector.broadcast %broadcast_in_dim3A_94 : f32 to vector<1024x95xf32>
    %concatenate3A = tpu.concatenate %select_n3A_91, %convert_element_type3A_93, %broadcast_in_dim3A_95 in 1 : vector<1024x32xf32>, vector<1024x1xf32>, vector<1024x95xf32> -> vector<1024x128xf32>
    %swap3A = arith.constant 0 : index
    %swap3A_96 = arith.constant 0 : index
    %swap3A_97 = vector.load %arg7[%swap3A, %swap3A_96] : memref<1024x128xf32, #tpu.memory_space<vmem>>, vector<1024x128xf32>
    tpu.vector_store %arg7[%swap3A, %swap3A_96], %concatenate3A {strides = array<i32>} : memref<1024x128xf32, #tpu.memory_space<vmem>>, vector<1024x128xf32>,
    return
  }
  func.func @transform_0(%arg0: i32) -> (i32, i32) {
    %c0_i32 = arith.constant 0 : i32
    %c0_i32_0 = arith.constant 0 : i32
    return %arg0, %c0_i32 : i32, i32
  }
  func.func @transform_1(%arg0: i32) -> (i32, i32) {
    %c0_i32 = arith.constant 0 : i32
    %c0_i32_0 = arith.constant 0 : i32
    %c0_i32_1 = arith.constant 0 : i32
    return %c0_i32, %c0_i32_0 : i32, i32
  }
  func.func @transform_2(%arg0: i32) -> (i32, i32) {
    %c0_i32 = arith.constant 0 : i32
    %c0_i32_0 = arith.constant 0 : i32
    %c0_i32_1 = arith.constant 0 : i32
    return %c0_i32, %c0_i32_0 : i32, i32
  }
  func.func @transform_3(%arg0: i32) -> (i32, i32) {
    %c0_i32 = arith.constant 0 : i32
    %c0_i32_0 = arith.constant 0 : i32
    %c0_i32_1 = arith.constant 0 : i32
    return %c0_i32, %c0_i32_0 : i32, i32
  }
  func.func @transform_4(%arg0: i32) -> (i32, i32) {
    %c0_i32 = arith.constant 0 : i32
    %c0_i32_0 = arith.constant 0 : i32
    %c0_i32_1 = arith.constant 0 : i32
    return %c0_i32, %c0_i32_0 : i32, i32
  }
  func.func @transform_5(%arg0: i32) -> (i32, i32) {
    %c0_i32 = arith.constant 0 : i32
    %c0_i32_0 = arith.constant 0 : i32
    return %arg0, %c0_i32 : i32, i32
  }
  func.func @transform_6(%arg0: i32) -> (i32, i32) {
    %c0_i32 = arith.constant 0 : i32
    %c0_i32_0 = arith.constant 0 : i32
    return %arg0, %c0_i32 : i32, i32
  }
}

module attributes {stable_mosaic.version = 14 : i64} {
  func.func @_combine_body(%arg0: i32, %arg1: memref<2x10240x128xf32, #tpu.memory_space<vmem>>, %arg2: memref<10240x16xf32, #tpu.memory_space<vmem>>, %arg3: memref<16x32xf32, #tpu.memory_space<vmem>>, %arg4: memref<1x32xf32, #tpu.memory_space<vmem>>, %arg5: memref<1x32xf32, #tpu.memory_space<vmem>>, %arg6: memref<1x32xf32, #tpu.memory_space<vmem>>, %arg7: memref<10240x128xf32, #tpu.memory_space<vmem>>) attributes {dimension_semantics = [#tpu.dimension_semantics<arbitrary>], iteration_bounds = array<i64: 1>, scalar_prefetch = 0 : i64, scratch_operands = 0 : i64, tpu.core_type = #tpu.core_type<tc>, window_params = [{pipeline_mode = #tpu.pipeline_mode<synchronous>, transform_indices = @transform_0, window_bounds = array<i64: 2, 10240, 128>}, {pipeline_mode = #tpu.pipeline_mode<synchronous>, transform_indices = @transform_1, window_bounds = array<i64: 10240, 16>}, {pipeline_mode = #tpu.pipeline_mode<synchronous>, transform_indices = @transform_2, window_bounds = array<i64: 16, 32>}, {pipeline_mode = #tpu.pipeline_mode<synchronous>, transform_indices = @transform_3, window_bounds = array<i64: 1, 32>}, {pipeline_mode = #tpu.pipeline_mode<synchronous>, transform_indices = @transform_4, window_bounds = array<i64: 1, 32>}, {pipeline_mode = #tpu.pipeline_mode<synchronous>, transform_indices = @transform_5, window_bounds = array<i64: 1, 32>}, {pipeline_mode = #tpu.pipeline_mode<synchronous>, transform_indices = @transform_6, window_bounds = array<i64: 10240, 128>}]} {
    %get3A = arith.constant 0 : index
    %get3A_0 = arith.constant 0 : index
    %get3A_1 = arith.constant 0 : index
    %get3A_2 = vector.load %arg1[%get3A, %get3A_0, %get3A_1] : memref<2x10240x128xf32, #tpu.memory_space<vmem>>, vector<2x10240x128xf32>
    %get3A_3 = arith.constant 0 : index
    %get3A_4 = arith.constant 0 : index
    %get3A_5 = vector.load %arg2[%get3A_3, %get3A_4] : memref<10240x16xf32, #tpu.memory_space<vmem>>, vector<10240x16xf32>
    %get3A_6 = arith.constant 0 : index
    %get3A_7 = arith.constant 0 : index
    %get3A_8 = vector.load %arg3[%get3A_6, %get3A_7] : memref<16x32xf32, #tpu.memory_space<vmem>>, vector<16x32xf32>
    %get3A_9 = arith.constant 0 : index
    %get3A_10 = arith.constant 0 : index
    %get3A_11 = vector.load %arg4[%get3A_9, %get3A_10] : memref<1x32xf32, #tpu.memory_space<vmem>>, vector<1x32xf32>
    %get3A_12 = arith.constant 0 : index
    %get3A_13 = arith.constant 0 : index
    %get3A_14 = vector.load %arg5[%get3A_12, %get3A_13] : memref<1x32xf32, #tpu.memory_space<vmem>>, vector<1x32xf32>
    %get3A_15 = arith.constant 0 : index
    %get3A_16 = arith.constant 0 : index
    %get3A_17 = vector.load %arg6[%get3A_15, %get3A_16] : memref<1x32xf32, #tpu.memory_space<vmem>>, vector<1x32xf32>
    %slice3A = vector.extract_strided_slice %get3A_2 {offsets = [0, 0, 0], sizes = [1, 10240, 128], strides = [1, 1, 1]} : vector<2x10240x128xf32> to vector<1x10240x128xf32>
    %squeeze3A = vector.shape_cast %slice3A : vector<1x10240x128xf32> to vector<10240x128xf32>
    %slice3A_18 = vector.extract_strided_slice %get3A_2 {offsets = [1, 0, 0], sizes = [1, 10240, 128], strides = [1, 1, 1]} : vector<2x10240x128xf32> to vector<1x10240x128xf32>
    %squeeze3A_19 = vector.shape_cast %slice3A_18 : vector<1x10240x128xf32> to vector<10240x128xf32>
    %add3A = arith.addf %squeeze3A, %squeeze3A_19 : vector<10240x128xf32>
    %slice3A_20 = vector.extract_strided_slice %add3A {offsets = [0, 0], sizes = [10240, 32], strides = [1, 1]} : vector<10240x128xf32> to vector<10240x32xf32>
    %slice3A_21 = vector.extract_strided_slice %add3A {offsets = [0, 32], sizes = [10240, 1], strides = [1, 1]} : vector<10240x128xf32> to vector<10240x1xf32>
    %max3A = arith.constant 1.000000e+00 : f32
    %max3A_22 = vector.broadcast %max3A : f32 to vector<10240x1xf32>
    %max3A_23 = arith.maximumf %slice3A_21, %max3A_22 : vector<10240x1xf32>
    %div3A = arith.constant 1.000000e+00 : f32
    %div3A_24 = vector.broadcast %div3A : f32 to vector<10240x1xf32>
    %div3A_25 = arith.divf %div3A_24, %max3A_23 : vector<10240x1xf32>
    %mul3A = vector.broadcast %div3A_25 : vector<10240x1xf32> to vector<10240x32xf32>
    %mul3A_26 = arith.mulf %slice3A_20, %mul3A : vector<10240x32xf32>
    %dot_general3A = arith.constant dense<0.000000e+00> : vector<10240x32xf32>
    %dot_general3A_27 = tpu.matmul %get3A_5, %get3A_8, %dot_general3A {dimension_numbers = #tpu.dot_dimension_numbers<[1], [0], [0], [1], [0, 0, 1, 1], [], []>, transpose_lhs_hint = false} : vector<10240x16xf32>, vector<16x32xf32>, vector<10240x32xf32> -> vector<10240x32xf32>
    %add3A_28 = arith.addf %mul3A_26, %dot_general3A_27 : vector<10240x32xf32>
    %add3A_29 = vector.broadcast %get3A_11 : vector<1x32xf32> to vector<10240x32xf32>
    %add3A_30 = arith.addf %add3A_28, %add3A_29 : vector<10240x32xf32>
    %iota3A = tpu.iota {dimensions = array<i32: 0>} : vector<10240x1xi32>
    %lt3A = arith.constant 10000 : i32
    %lt3A_31 = vector.broadcast %lt3A : i32 to vector<10240x1xi32>
    %lt3A_32 = arith.cmpi slt, %iota3A, %lt3A_31 : vector<10240x1xi32>
    %jit3A = arith.constant 0.000000e+00 : f32
    %broadcast_in_dim3A = vector.shape_cast %lt3A_32 : vector<10240x1xi1> to vector<10240x1xi1>
    %broadcast_in_dim3A_33 = vector.broadcast %broadcast_in_dim3A : vector<10240x1xi1> to vector<10240x32xi1>
    %broadcast_in_dim3A_34 = vector.broadcast %jit3A : f32 to vector<10240x32xf32>
    %select_n3A = arith.select %broadcast_in_dim3A_33, %add3A_30, %broadcast_in_dim3A_34 : vector<10240x32xi1>, vector<10240x32xf32>
    %reduce_sum3A = arith.constant dense<0.000000e+00> : vector<32xf32>
    %reduce_sum3A_35 = vector.multi_reduction <add>, %select_n3A, %reduce_sum3A [0] : vector<10240x32xf32> to vector<32xf32>
    %broadcast_in_dim3A_36 = vector.shape_cast %reduce_sum3A_35 : vector<32xf32> to vector<1x32xf32>
    %mul3A_37 = arith.constant 9.99999974E-5 : f32
    %mul3A_38 = vector.broadcast %mul3A_37 : f32 to vector<1x32xf32>
    %mul3A_39 = arith.mulf %broadcast_in_dim3A_36, %mul3A_38 : vector<1x32xf32>
    %sub3A = vector.broadcast %mul3A_39 : vector<1x32xf32> to vector<10240x32xf32>
    %sub3A_40 = arith.subf %add3A_30, %sub3A : vector<10240x32xf32>
    %integer_pow3A = arith.mulf %sub3A_40, %sub3A_40 : vector<10240x32xf32>
    %jit3A_41 = arith.constant 0.000000e+00 : f32
    %broadcast_in_dim3A_42 = vector.shape_cast %lt3A_32 : vector<10240x1xi1> to vector<10240x1xi1>
    %broadcast_in_dim3A_43 = vector.broadcast %broadcast_in_dim3A_42 : vector<10240x1xi1> to vector<10240x32xi1>
    %broadcast_in_dim3A_44 = vector.broadcast %jit3A_41 : f32 to vector<10240x32xf32>
    %select_n3A_45 = arith.select %broadcast_in_dim3A_43, %integer_pow3A, %broadcast_in_dim3A_44 : vector<10240x32xi1>, vector<10240x32xf32>
    %reduce_sum3A_46 = arith.constant dense<0.000000e+00> : vector<32xf32>
    %reduce_sum3A_47 = vector.multi_reduction <add>, %select_n3A_45, %reduce_sum3A_46 [0] : vector<10240x32xf32> to vector<32xf32>
    %broadcast_in_dim3A_48 = vector.shape_cast %reduce_sum3A_47 : vector<32xf32> to vector<1x32xf32>
    %mul3A_49 = arith.constant 9.99999974E-5 : f32
    %mul3A_50 = vector.broadcast %mul3A_49 : f32 to vector<1x32xf32>
    %mul3A_51 = arith.mulf %broadcast_in_dim3A_48, %mul3A_50 : vector<1x32xf32>
    %sub3A_52 = vector.broadcast %mul3A_39 : vector<1x32xf32> to vector<10240x32xf32>
    %sub3A_53 = arith.subf %add3A_30, %sub3A_52 : vector<10240x32xf32>
    %mul3A_54 = vector.broadcast %get3A_14 : vector<1x32xf32> to vector<10240x32xf32>
    %mul3A_55 = arith.mulf %mul3A_54, %sub3A_53 : vector<10240x32xf32>
    %add3A_56 = arith.constant 9.99999974E-6 : f32
    %add3A_57 = vector.broadcast %add3A_56 : f32 to vector<1x32xf32>
    %add3A_58 = arith.addf %mul3A_51, %add3A_57 : vector<1x32xf32>
    %rsqrt3A = math.rsqrt %add3A_58 : vector<1x32xf32>
    %mul3A_59 = vector.broadcast %rsqrt3A : vector<1x32xf32> to vector<10240x32xf32>
    %mul3A_60 = arith.mulf %mul3A_55, %mul3A_59 : vector<10240x32xf32>
    %add3A_61 = vector.broadcast %get3A_17 : vector<1x32xf32> to vector<10240x32xf32>
    %add3A_62 = arith.addf %mul3A_60, %add3A_61 : vector<10240x32xf32>
    %max3A_63 = arith.constant 0.000000e+00 : f32
    %max3A_64 = vector.broadcast %max3A_63 : f32 to vector<10240x32xf32>
    %max3A_65 = arith.maximumf %add3A_62, %max3A_64 : vector<10240x32xf32>
    %jit3A_66 = arith.constant 0.000000e+00 : f32
    %broadcast_in_dim3A_67 = vector.shape_cast %lt3A_32 : vector<10240x1xi1> to vector<10240x1xi1>
    %broadcast_in_dim3A_68 = vector.broadcast %broadcast_in_dim3A_67 : vector<10240x1xi1> to vector<10240x32xi1>
    %broadcast_in_dim3A_69 = vector.broadcast %jit3A_66 : f32 to vector<10240x32xf32>
    %select_n3A_70 = arith.select %broadcast_in_dim3A_68, %max3A_65, %broadcast_in_dim3A_69 : vector<10240x32xi1>, vector<10240x32xf32>
    %broadcast_in_dim3A_71 = arith.constant 0.000000e+00 : f32
    %broadcast_in_dim3A_72 = vector.broadcast %broadcast_in_dim3A_71 : f32 to vector<10240x96xf32>
    %concatenate3A = tpu.concatenate %select_n3A_70, %broadcast_in_dim3A_72 in 1 : vector<10240x32xf32>, vector<10240x96xf32> -> vector<10240x128xf32>
    %swap3A = arith.constant 0 : index
    %swap3A_73 = arith.constant 0 : index
    %swap3A_74 = vector.load %arg7[%swap3A, %swap3A_73] : memref<10240x128xf32, #tpu.memory_space<vmem>>, vector<10240x128xf32>
    tpu.vector_store %arg7[%swap3A, %swap3A_73], %concatenate3A {strides = array<i32>} : memref<10240x128xf32, #tpu.memory_space<vmem>>, vector<10240x128xf32>,
    return
  }
  func.func @transform_0(%arg0: i32) -> (i32, i32, i32) {
    %c0_i32 = arith.constant 0 : i32
    %c0_i32_0 = arith.constant 0 : i32
    %c0_i32_1 = arith.constant 0 : i32
    %c0_i32_2 = arith.constant 0 : i32
    return %c0_i32, %c0_i32_0, %c0_i32_1 : i32, i32, i32
  }
  func.func @transform_1(%arg0: i32) -> (i32, i32) {
    %c0_i32 = arith.constant 0 : i32
    %c0_i32_0 = arith.constant 0 : i32
    %c0_i32_1 = arith.constant 0 : i32
    return %c0_i32, %c0_i32_0 : i32, i32
  }
  func.func @transform_2(%arg0: i32) -> (i32, i32) {
    %c0_i32 = arith.constant 0 : i32
    %c0_i32_0 = arith.constant 0 : i32
    %c0_i32_1 = arith.constant 0 : i32
    return %c0_i32, %c0_i32_0 : i32, i32
  }
  func.func @transform_3(%arg0: i32) -> (i32, i32) {
    %c0_i32 = arith.constant 0 : i32
    %c0_i32_0 = arith.constant 0 : i32
    %c0_i32_1 = arith.constant 0 : i32
    return %c0_i32, %c0_i32_0 : i32, i32
  }
  func.func @transform_4(%arg0: i32) -> (i32, i32) {
    %c0_i32 = arith.constant 0 : i32
    %c0_i32_0 = arith.constant 0 : i32
    %c0_i32_1 = arith.constant 0 : i32
    return %c0_i32, %c0_i32_0 : i32, i32
  }
  func.func @transform_5(%arg0: i32) -> (i32, i32) {
    %c0_i32 = arith.constant 0 : i32
    %c0_i32_0 = arith.constant 0 : i32
    %c0_i32_1 = arith.constant 0 : i32
    return %c0_i32, %c0_i32_0 : i32, i32
  }
  func.func @transform_6(%arg0: i32) -> (i32, i32) {
    %c0_i32 = arith.constant 0 : i32
    %c0_i32_0 = arith.constant 0 : i32
    %c0_i32_1 = arith.constant 0 : i32
    return %c0_i32, %c0_i32_0 : i32, i32
  }
}

module attributes {stable_mosaic.version = 14 : i64} {
  func.func @_dense_body(%arg0: i32, %arg1: memref<1024x4xf32, #tpu.memory_space<vmem>>, %arg2: memref<4x1024xf32, #tpu.memory_space<vmem>>, %arg3: memref<1x1024xf32, #tpu.memory_space<vmem>>, %arg4: memref<1024x1024xf32, #tpu.memory_space<vmem>>, %arg5: memref<1x1024xf32, #tpu.memory_space<vmem>>, %arg6: memref<1024x128xf32, #tpu.memory_space<vmem>>, %arg7: memref<1024x128xf32, #tpu.memory_space<vmem>>) attributes {dimension_semantics = [#tpu.dimension_semantics<arbitrary>], iteration_bounds = array<i64: 20>, scalar_prefetch = 0 : i64, scratch_operands = 0 : i64, tpu.core_type = #tpu.core_type<tc>, window_params = [{transform_indices = @transform_0, window_bounds = array<i64: 1024, 4>}, {pipeline_mode = #tpu.pipeline_mode<synchronous>, transform_indices = @transform_1, window_bounds = array<i64: 4, 1024>}, {pipeline_mode = #tpu.pipeline_mode<synchronous>, transform_indices = @transform_2, window_bounds = array<i64: 1, 1024>}, {pipeline_mode = #tpu.pipeline_mode<synchronous>, transform_indices = @transform_3, window_bounds = array<i64: 1024, 1024>}, {pipeline_mode = #tpu.pipeline_mode<synchronous>, transform_indices = @transform_4, window_bounds = array<i64: 1, 1024>}, {transform_indices = @transform_5, window_bounds = array<i64: 1024, 128>}, {transform_indices = @transform_6, window_bounds = array<i64: 1024, 128>}]} {
    %get3A = arith.constant 0 : index
    %get3A_0 = arith.constant 0 : index
    %get3A_1 = vector.load %arg1[%get3A, %get3A_0] : memref<1024x4xf32, #tpu.memory_space<vmem>>, vector<1024x4xf32>
    %get3A_2 = arith.constant 0 : index
    %get3A_3 = arith.constant 0 : index
    %get3A_4 = vector.load %arg2[%get3A_2, %get3A_3] : memref<4x1024xf32, #tpu.memory_space<vmem>>, vector<4x1024xf32>
    %dot_general3A = arith.constant dense<0.000000e+00> : vector<1024x1024xf32>
    %dot_general3A_5 = tpu.matmul %get3A_1, %get3A_4, %dot_general3A {dimension_numbers = #tpu.dot_dimension_numbers<[1], [0], [0], [1], [0, 0, 1, 1], [], []>, transpose_lhs_hint = false} : vector<1024x4xf32>, vector<4x1024xf32>, vector<1024x1024xf32> -> vector<1024x1024xf32>
    %get3A_6 = arith.constant 0 : index
    %get3A_7 = arith.constant 0 : index
    %get3A_8 = vector.load %arg3[%get3A_6, %get3A_7] : memref<1x1024xf32, #tpu.memory_space<vmem>>, vector<1x1024xf32>
    %add3A = vector.broadcast %get3A_8 : vector<1x1024xf32> to vector<1024x1024xf32>
    %add3A_9 = arith.addf %dot_general3A_5, %add3A : vector<1024x1024xf32>
    %max3A = arith.constant 0.000000e+00 : f32
    %max3A_10 = vector.broadcast %max3A : f32 to vector<1024x1024xf32>
    %max3A_11 = arith.maximumf %add3A_9, %max3A_10 : vector<1024x1024xf32>
    %get3A_12 = arith.constant 0 : index
    %get3A_13 = arith.constant 0 : index
    %get3A_14 = vector.load %arg4[%get3A_12, %get3A_13] : memref<1024x1024xf32, #tpu.memory_space<vmem>>, vector<1024x1024xf32>
    %dot_general3A_15 = arith.constant dense<0.000000e+00> : vector<1024x1024xf32>
    %dot_general3A_16 = tpu.matmul %max3A_11, %get3A_14, %dot_general3A_15 {dimension_numbers = #tpu.dot_dimension_numbers<[1], [0], [0], [1], [0, 0, 1, 1], [], []>, transpose_lhs_hint = false} : vector<1024x1024xf32>, vector<1024x1024xf32>, vector<1024x1024xf32> -> vector<1024x1024xf32>
    %get3A_17 = arith.constant 0 : index
    %get3A_18 = arith.constant 0 : index
    %get3A_19 = vector.load %arg5[%get3A_17, %get3A_18] : memref<1x1024xf32, #tpu.memory_space<vmem>>, vector<1x1024xf32>
    %add3A_20 = vector.broadcast %get3A_19 : vector<1x1024xf32> to vector<1024x1024xf32>
    %add3A_21 = arith.addf %dot_general3A_16, %add3A_20 : vector<1024x1024xf32>
    %iota3A = tpu.iota {dimensions = array<i32: 1>} : vector<32x1024xi32>
    %jit3A = arith.constant 32 : i32
    %div3A = vector.broadcast %jit3A : i32 to vector<32x1024xi32>
    %div3A_22 = arith.divsi %iota3A, %div3A : vector<32x1024xi32>
    %sign3A = arith.constant 0 : i32
    %sign3A_23 = vector.broadcast %sign3A : i32 to vector<32x1024xi32>
    %sign3A_24 = arith.cmpi sgt, %iota3A, %sign3A_23 : vector<32x1024xi32>
    %sign3A_25 = arith.extui %sign3A_24 : vector<32x1024xi1> to vector<32x1024xi32>
    %sign3A_26 = arith.constant 0 : i32
    %sign3A_27 = vector.broadcast %sign3A_26 : i32 to vector<32x1024xi32>
    %sign3A_28 = arith.cmpi slt, %iota3A, %sign3A_27 : vector<32x1024xi32>
    %sign3A_29 = arith.extui %sign3A_28 : vector<32x1024xi1> to vector<32x1024xi32>
    %sign3A_30 = arith.subi %sign3A_25, %sign3A_29 : vector<32x1024xi32>
    %sign3A_31 = arith.constant 0 : i32
    %sign3A_32 = arith.cmpi sgt, %jit3A, %sign3A_31 : i32
    %sign3A_33 = arith.extui %sign3A_32 : i1 to i32
    %sign3A_34 = arith.constant 0 : i32
    %sign3A_35 = arith.cmpi slt, %jit3A, %sign3A_34 : i32
    %sign3A_36 = arith.extui %sign3A_35 : i1 to i32
    %sign3A_37 = arith.subi %sign3A_33, %sign3A_36 : i32
    %ne3A = vector.broadcast %sign3A_37 : i32 to vector<32x1024xi32>
    %ne3A_38 = arith.cmpi ne, %sign3A_30, %ne3A : vector<32x1024xi32>
    %rem3A = vector.broadcast %jit3A : i32 to vector<32x1024xi32>
    %rem3A_39 = arith.remsi %iota3A, %rem3A : vector<32x1024xi32>
    %ne3A_40 = arith.constant 0 : i32
    %ne3A_41 = vector.broadcast %ne3A_40 : i32 to vector<32x1024xi32>
    %ne3A_42 = arith.cmpi ne, %rem3A_39, %ne3A_41 : vector<32x1024xi32>
    %and3A = arith.andi %ne3A_38, %ne3A_42 : vector<32x1024xi1>
    %sub3A = arith.constant 1 : i32
    %sub3A_43 = vector.broadcast %sub3A : i32 to vector<32x1024xi32>
    %sub3A_44 = arith.subi %div3A_22, %sub3A_43 : vector<32x1024xi32>
    %select_n3A = arith.select %and3A, %sub3A_44, %div3A_22 : vector<32x1024xi1>, vector<32x1024xi32>
    %iota3A_45 = tpu.iota {dimensions = array<i32: 0>} : vector<32x1024xi32>
    %eq3A = arith.cmpi eq, %select_n3A, %iota3A_45 : vector<32x1024xi32>
    %convert_element_type3A = arith.extui %eq3A : vector<32x1024xi1> to vector<32x1024xi32>
    %convert_element_type3A_46 = arith.sitofp %convert_element_type3A : vector<32x1024xi32> to vector<32x1024xf32>
    %get3A_47 = arith.constant 0 : index
    %get3A_48 = arith.constant 0 : index
    %get3A_49 = vector.load %arg6[%get3A_47, %get3A_48] : memref<1024x128xf32, #tpu.memory_space<vmem>>, vector<1024x32xf32>
    %dot_general3A_50 = arith.constant dense<0.000000e+00> : vector<1024x1024xf32>
    %dot_general3A_51 = tpu.matmul %get3A_49, %convert_element_type3A_46, %dot_general3A_50 {dimension_numbers = #tpu.dot_dimension_numbers<[1], [0], [0], [1], [0, 0, 1, 1], [], []>, transpose_lhs_hint = false} : vector<1024x32xf32>, vector<32x1024xf32>, vector<1024x1024xf32> -> vector<1024x1024xf32>
    %iota3A_52 = tpu.iota {dimensions = array<i32: 0>} : vector<1024x32xi32>
    %jit3A_53 = arith.constant 32 : i32
    %eq3A_54 = arith.constant 0 : i32
    %eq3A_55 = arith.cmpi eq, %jit3A_53, %eq3A_54 : i32
    %jit3A_56 = arith.constant 1 : i32
    %select_n3A_57 = arith.select %eq3A_55, %jit3A_56, %jit3A_53 : i32
    %rem3A_58 = vector.broadcast %select_n3A_57 : i32 to vector<1024x32xi32>
    %rem3A_59 = arith.remsi %iota3A_52, %rem3A_58 : vector<1024x32xi32>
    %ne3A_60 = arith.constant 0 : i32
    %ne3A_61 = vector.broadcast %ne3A_60 : i32 to vector<1024x32xi32>
    %ne3A_62 = arith.cmpi ne, %rem3A_59, %ne3A_61 : vector<1024x32xi32>
    %lt3A = arith.constant 0 : i32
    %lt3A_63 = vector.broadcast %lt3A : i32 to vector<1024x32xi32>
    %lt3A_64 = arith.cmpi slt, %rem3A_59, %lt3A_63 : vector<1024x32xi32>
    %lt3A_65 = arith.constant 0 : i32
    %lt3A_66 = arith.cmpi slt, %select_n3A_57, %lt3A_65 : i32
    %ne3A_67 = vector.broadcast %lt3A_66 : i1 to vector<1024x32xi1>
    %ne3A_68 = vector.broadcast %ne3A_67 : vector<1024x32xi1> to vector<1024x32xi1>
    %ne3A_69 = arith.xori %lt3A_64, %ne3A_68 : vector<1024x32xi1>
    %and3A_70 = arith.andi %ne3A_69, %ne3A_62 : vector<1024x32xi1>
    %add3A_71 = vector.broadcast %select_n3A_57 : i32 to vector<1024x32xi32>
    %add3A_72 = arith.addi %rem3A_59, %add3A_71 : vector<1024x32xi32>
    %select_n3A_73 = arith.select %and3A_70, %add3A_72, %rem3A_59 : vector<1024x32xi1>, vector<1024x32xi32>
    %iota3A_74 = tpu.iota {dimensions = array<i32: 1>} : vector<1024x32xi32>
    %eq3A_75 = arith.cmpi eq, %select_n3A_73, %iota3A_74 : vector<1024x32xi32>
    %convert_element_type3A_76 = arith.extui %eq3A_75 : vector<1024x32xi1> to vector<1024x32xi32>
    %convert_element_type3A_77 = arith.sitofp %convert_element_type3A_76 : vector<1024x32xi32> to vector<1024x32xf32>
    %mul3A = arith.mulf %dot_general3A_51, %add3A_21 : vector<1024x1024xf32>
    %dot_general3A_78 = arith.constant dense<0.000000e+00> : vector<1024x32xf32>
    %dot_general3A_79 = tpu.matmul %mul3A, %convert_element_type3A_77, %dot_general3A_78 {dimension_numbers = #tpu.dot_dimension_numbers<[1], [0], [0], [1], [0, 0, 1, 1], [], []>, transpose_lhs_hint = false} : vector<1024x1024xf32>, vector<1024x32xf32>, vector<1024x32xf32> -> vector<1024x32xf32>
    %mul3A_80 = arith.constant 1024 : i32
    %mul3A_81 = arith.muli %arg0, %mul3A_80 : i32
    %iota3A_82 = tpu.iota {dimensions = array<i32: 0>} : vector<1024x1xi32>
    %add3A_83 = vector.broadcast %mul3A_81 : i32 to vector<1024x1xi32>
    %add3A_84 = arith.addi %add3A_83, %iota3A_82 : vector<1024x1xi32>
    %lt3A_85 = arith.constant 20000 : i32
    %lt3A_86 = vector.broadcast %lt3A_85 : i32 to vector<1024x1xi32>
    %lt3A_87 = arith.cmpi slt, %add3A_84, %lt3A_86 : vector<1024x1xi32>
    %jit3A_88 = arith.constant 0.000000e+00 : f32
    %broadcast_in_dim3A = vector.shape_cast %lt3A_87 : vector<1024x1xi1> to vector<1024x1xi1>
    %broadcast_in_dim3A_89 = vector.broadcast %broadcast_in_dim3A : vector<1024x1xi1> to vector<1024x32xi1>
    %broadcast_in_dim3A_90 = vector.broadcast %jit3A_88 : f32 to vector<1024x32xf32>
    %select_n3A_91 = arith.select %broadcast_in_dim3A_89, %dot_general3A_79, %broadcast_in_dim3A_90 : vector<1024x32xi1>, vector<1024x32xf32>
    %convert_element_type3A_92 = arith.extui %lt3A_87 : vector<1024x1xi1> to vector<1024x1xi32>
    %convert_element_type3A_93 = arith.sitofp %convert_element_type3A_92 : vector<1024x1xi32> to vector<1024x1xf32>
    %broadcast_in_dim3A_94 = arith.constant 0.000000e+00 : f32
    %broadcast_in_dim3A_95 = vector.broadcast %broadcast_in_dim3A_94 : f32 to vector<1024x95xf32>
    %concatenate3A = tpu.concatenate %select_n3A_91, %convert_element_type3A_93, %broadcast_in_dim3A_95 in 1 : vector<1024x32xf32>, vector<1024x1xf32>, vector<1024x95xf32> -> vector<1024x128xf32>
    %swap3A = arith.constant 0 : index
    %swap3A_96 = arith.constant 0 : index
    %swap3A_97 = vector.load %arg7[%swap3A, %swap3A_96] : memref<1024x128xf32, #tpu.memory_space<vmem>>, vector<1024x128xf32>
    tpu.vector_store %arg7[%swap3A, %swap3A_96], %concatenate3A {strides = array<i32>} : memref<1024x128xf32, #tpu.memory_space<vmem>>, vector<1024x128xf32>,
    return
  }
  func.func @transform_0(%arg0: i32) -> (i32, i32) {
    %c0_i32 = arith.constant 0 : i32
    %c0_i32_0 = arith.constant 0 : i32
    return %arg0, %c0_i32 : i32, i32
  }
  func.func @transform_1(%arg0: i32) -> (i32, i32) {
    %c0_i32 = arith.constant 0 : i32
    %c0_i32_0 = arith.constant 0 : i32
    %c0_i32_1 = arith.constant 0 : i32
    return %c0_i32, %c0_i32_0 : i32, i32
  }
  func.func @transform_2(%arg0: i32) -> (i32, i32) {
    %c0_i32 = arith.constant 0 : i32
    %c0_i32_0 = arith.constant 0 : i32
    %c0_i32_1 = arith.constant 0 : i32
    return %c0_i32, %c0_i32_0 : i32, i32
  }
  func.func @transform_3(%arg0: i32) -> (i32, i32) {
    %c0_i32 = arith.constant 0 : i32
    %c0_i32_0 = arith.constant 0 : i32
    %c0_i32_1 = arith.constant 0 : i32
    return %c0_i32, %c0_i32_0 : i32, i32
  }
  func.func @transform_4(%arg0: i32) -> (i32, i32) {
    %c0_i32 = arith.constant 0 : i32
    %c0_i32_0 = arith.constant 0 : i32
    %c0_i32_1 = arith.constant 0 : i32
    return %c0_i32, %c0_i32_0 : i32, i32
  }
  func.func @transform_5(%arg0: i32) -> (i32, i32) {
    %c0_i32 = arith.constant 0 : i32
    %c0_i32_0 = arith.constant 0 : i32
    return %arg0, %c0_i32 : i32, i32
  }
  func.func @transform_6(%arg0: i32) -> (i32, i32) {
    %c0_i32 = arith.constant 0 : i32
    %c0_i32_0 = arith.constant 0 : i32
    return %arg0, %c0_i32 : i32, i32
  }
}

module attributes {stable_mosaic.version = 14 : i64} {
  func.func @_final_body(%arg0: i32, %arg1: memref<2x10240x128xf32, #tpu.memory_space<vmem>>, %arg2: memref<10240x128xf32, #tpu.memory_space<vmem>>, %arg3: memref<32x32xf32, #tpu.memory_space<vmem>>, %arg4: memref<1x32xf32, #tpu.memory_space<vmem>>, %arg5: memref<1x32xf32, #tpu.memory_space<vmem>>, %arg6: memref<1x32xf32, #tpu.memory_space<vmem>>, %arg7: memref<10240x1xi32, #tpu.memory_space<vmem>>, %arg8: memref<32x32xf32, #tpu.memory_space<vmem>>, %arg9: memref<1x32xf32, #tpu.memory_space<vmem>>, %arg10: memref<32x1xf32, #tpu.memory_space<vmem>>, %arg11: memref<1x1xf32, #tpu.memory_space<vmem>>, %arg12: memref<8x1xf32, #tpu.memory_space<vmem>>) attributes {dimension_semantics = [#tpu.dimension_semantics<arbitrary>], iteration_bounds = array<i64: 1>, scalar_prefetch = 0 : i64, scratch_operands = 0 : i64, tpu.core_type = #tpu.core_type<tc>, window_params = [{pipeline_mode = #tpu.pipeline_mode<synchronous>, transform_indices = @transform_0, window_bounds = array<i64: 2, 10240, 128>}, {pipeline_mode = #tpu.pipeline_mode<synchronous>, transform_indices = @transform_1, window_bounds = array<i64: 10240, 128>}, {pipeline_mode = #tpu.pipeline_mode<synchronous>, transform_indices = @transform_2, window_bounds = array<i64: 32, 32>}, {pipeline_mode = #tpu.pipeline_mode<synchronous>, transform_indices = @transform_3, window_bounds = array<i64: 1, 32>}, {pipeline_mode = #tpu.pipeline_mode<synchronous>, transform_indices = @transform_4, window_bounds = array<i64: 1, 32>}, {pipeline_mode = #tpu.pipeline_mode<synchronous>, transform_indices = @transform_5, window_bounds = array<i64: 1, 32>}, {pipeline_mode = #tpu.pipeline_mode<synchronous>, transform_indices = @transform_6, window_bounds = array<i64: 10240, 1>}, {pipeline_mode = #tpu.pipeline_mode<synchronous>, transform_indices = @transform_7, window_bounds = array<i64: 32, 32>}, {pipeline_mode = #tpu.pipeline_mode<synchronous>, transform_indices = @transform_8, window_bounds = array<i64: 1, 32>}, {pipeline_mode = #tpu.pipeline_mode<synchronous>, transform_indices = @transform_9, window_bounds = array<i64: 32, 1>}, {pipeline_mode = #tpu.pipeline_mode<synchronous>, transform_indices = @transform_10, window_bounds = array<i64: 1, 1>}, {pipeline_mode = #tpu.pipeline_mode<synchronous>, transform_indices = @transform_11, window_bounds = array<i64: 8, 1>}]} {
    %get3A = arith.constant 0 : index
    %get3A_0 = arith.constant 0 : index
    %get3A_1 = arith.constant 0 : index
    %get3A_2 = vector.load %arg1[%get3A, %get3A_0, %get3A_1] : memref<2x10240x128xf32, #tpu.memory_space<vmem>>, vector<2x10240x128xf32>
    %get3A_3 = arith.constant 0 : index
    %get3A_4 = arith.constant 0 : index
    %get3A_5 = vector.load %arg2[%get3A_3, %get3A_4] : memref<10240x128xf32, #tpu.memory_space<vmem>>, vector<10240x32xf32>
    %get3A_6 = arith.constant 0 : index
    %get3A_7 = arith.constant 0 : index
    %get3A_8 = vector.load %arg3[%get3A_6, %get3A_7] : memref<32x32xf32, #tpu.memory_space<vmem>>, vector<32x32xf32>
    %get3A_9 = arith.constant 0 : index
    %get3A_10 = arith.constant 0 : index
    %get3A_11 = vector.load %arg4[%get3A_9, %get3A_10] : memref<1x32xf32, #tpu.memory_space<vmem>>, vector<1x32xf32>
    %get3A_12 = arith.constant 0 : index
    %get3A_13 = arith.constant 0 : index
    %get3A_14 = vector.load %arg5[%get3A_12, %get3A_13] : memref<1x32xf32, #tpu.memory_space<vmem>>, vector<1x32xf32>
    %get3A_15 = arith.constant 0 : index
    %get3A_16 = arith.constant 0 : index
    %get3A_17 = vector.load %arg6[%get3A_15, %get3A_16] : memref<1x32xf32, #tpu.memory_space<vmem>>, vector<1x32xf32>
    %slice3A = vector.extract_strided_slice %get3A_2 {offsets = [0, 0, 0], sizes = [1, 10240, 128], strides = [1, 1, 1]} : vector<2x10240x128xf32> to vector<1x10240x128xf32>
    %squeeze3A = vector.shape_cast %slice3A : vector<1x10240x128xf32> to vector<10240x128xf32>
    %slice3A_18 = vector.extract_strided_slice %get3A_2 {offsets = [1, 0, 0], sizes = [1, 10240, 128], strides = [1, 1, 1]} : vector<2x10240x128xf32> to vector<1x10240x128xf32>
    %squeeze3A_19 = vector.shape_cast %slice3A_18 : vector<1x10240x128xf32> to vector<10240x128xf32>
    %add3A = arith.addf %squeeze3A, %squeeze3A_19 : vector<10240x128xf32>
    %slice3A_20 = vector.extract_strided_slice %add3A {offsets = [0, 0], sizes = [10240, 32], strides = [1, 1]} : vector<10240x128xf32> to vector<10240x32xf32>
    %slice3A_21 = vector.extract_strided_slice %add3A {offsets = [0, 32], sizes = [10240, 1], strides = [1, 1]} : vector<10240x128xf32> to vector<10240x1xf32>
    %max3A = arith.constant 1.000000e+00 : f32
    %max3A_22 = vector.broadcast %max3A : f32 to vector<10240x1xf32>
    %max3A_23 = arith.maximumf %slice3A_21, %max3A_22 : vector<10240x1xf32>
    %div3A = arith.constant 1.000000e+00 : f32
    %div3A_24 = vector.broadcast %div3A : f32 to vector<10240x1xf32>
    %div3A_25 = arith.divf %div3A_24, %max3A_23 : vector<10240x1xf32>
    %mul3A = vector.broadcast %div3A_25 : vector<10240x1xf32> to vector<10240x32xf32>
    %mul3A_26 = arith.mulf %slice3A_20, %mul3A : vector<10240x32xf32>
    %dot_general3A = arith.constant dense<0.000000e+00> : vector<10240x32xf32>
    %dot_general3A_27 = tpu.matmul %get3A_5, %get3A_8, %dot_general3A {dimension_numbers = #tpu.dot_dimension_numbers<[1], [0], [0], [1], [0, 0, 1, 1], [], []>, transpose_lhs_hint = false} : vector<10240x32xf32>, vector<32x32xf32>, vector<10240x32xf32> -> vector<10240x32xf32>
    %add3A_28 = arith.addf %mul3A_26, %dot_general3A_27 : vector<10240x32xf32>
    %add3A_29 = vector.broadcast %get3A_11 : vector<1x32xf32> to vector<10240x32xf32>
    %add3A_30 = arith.addf %add3A_28, %add3A_29 : vector<10240x32xf32>
    %iota3A = tpu.iota {dimensions = array<i32: 0>} : vector<10240x1xi32>
    %lt3A = arith.constant 10000 : i32
    %lt3A_31 = vector.broadcast %lt3A : i32 to vector<10240x1xi32>
    %lt3A_32 = arith.cmpi slt, %iota3A, %lt3A_31 : vector<10240x1xi32>
    %jit3A = arith.constant 0.000000e+00 : f32
    %broadcast_in_dim3A = vector.shape_cast %lt3A_32 : vector<10240x1xi1> to vector<10240x1xi1>
    %broadcast_in_dim3A_33 = vector.broadcast %broadcast_in_dim3A : vector<10240x1xi1> to vector<10240x32xi1>
    %broadcast_in_dim3A_34 = vector.broadcast %jit3A : f32 to vector<10240x32xf32>
    %select_n3A = arith.select %broadcast_in_dim3A_33, %add3A_30, %broadcast_in_dim3A_34 : vector<10240x32xi1>, vector<10240x32xf32>
    %reduce_sum3A = arith.constant dense<0.000000e+00> : vector<32xf32>
    %reduce_sum3A_35 = vector.multi_reduction <add>, %select_n3A, %reduce_sum3A [0] : vector<10240x32xf32> to vector<32xf32>
    %broadcast_in_dim3A_36 = vector.shape_cast %reduce_sum3A_35 : vector<32xf32> to vector<1x32xf32>
    %mul3A_37 = arith.constant 9.99999974E-5 : f32
    %mul3A_38 = vector.broadcast %mul3A_37 : f32 to vector<1x32xf32>
    %mul3A_39 = arith.mulf %broadcast_in_dim3A_36, %mul3A_38 : vector<1x32xf32>
    %sub3A = vector.broadcast %mul3A_39 : vector<1x32xf32> to vector<10240x32xf32>
    %sub3A_40 = arith.subf %add3A_30, %sub3A : vector<10240x32xf32>
    %integer_pow3A = arith.mulf %sub3A_40, %sub3A_40 : vector<10240x32xf32>
    %jit3A_41 = arith.constant 0.000000e+00 : f32
    %broadcast_in_dim3A_42 = vector.shape_cast %lt3A_32 : vector<10240x1xi1> to vector<10240x1xi1>
    %broadcast_in_dim3A_43 = vector.broadcast %broadcast_in_dim3A_42 : vector<10240x1xi1> to vector<10240x32xi1>
    %broadcast_in_dim3A_44 = vector.broadcast %jit3A_41 : f32 to vector<10240x32xf32>
    %select_n3A_45 = arith.select %broadcast_in_dim3A_43, %integer_pow3A, %broadcast_in_dim3A_44 : vector<10240x32xi1>, vector<10240x32xf32>
    %reduce_sum3A_46 = arith.constant dense<0.000000e+00> : vector<32xf32>
    %reduce_sum3A_47 = vector.multi_reduction <add>, %select_n3A_45, %reduce_sum3A_46 [0] : vector<10240x32xf32> to vector<32xf32>
    %broadcast_in_dim3A_48 = vector.shape_cast %reduce_sum3A_47 : vector<32xf32> to vector<1x32xf32>
    %mul3A_49 = arith.constant 9.99999974E-5 : f32
    %mul3A_50 = vector.broadcast %mul3A_49 : f32 to vector<1x32xf32>
    %mul3A_51 = arith.mulf %broadcast_in_dim3A_48, %mul3A_50 : vector<1x32xf32>
    %sub3A_52 = vector.broadcast %mul3A_39 : vector<1x32xf32> to vector<10240x32xf32>
    %sub3A_53 = arith.subf %add3A_30, %sub3A_52 : vector<10240x32xf32>
    %mul3A_54 = vector.broadcast %get3A_14 : vector<1x32xf32> to vector<10240x32xf32>
    %mul3A_55 = arith.mulf %mul3A_54, %sub3A_53 : vector<10240x32xf32>
    %add3A_56 = arith.constant 9.99999974E-6 : f32
    %add3A_57 = vector.broadcast %add3A_56 : f32 to vector<1x32xf32>
    %add3A_58 = arith.addf %mul3A_51, %add3A_57 : vector<1x32xf32>
    %rsqrt3A = math.rsqrt %add3A_58 : vector<1x32xf32>
    %mul3A_59 = vector.broadcast %rsqrt3A : vector<1x32xf32> to vector<10240x32xf32>
    %mul3A_60 = arith.mulf %mul3A_55, %mul3A_59 : vector<10240x32xf32>
    %add3A_61 = vector.broadcast %get3A_17 : vector<1x32xf32> to vector<10240x32xf32>
    %add3A_62 = arith.addf %mul3A_60, %add3A_61 : vector<10240x32xf32>
    %max3A_63 = arith.constant 0.000000e+00 : f32
    %max3A_64 = vector.broadcast %max3A_63 : f32 to vector<10240x32xf32>
    %max3A_65 = arith.maximumf %add3A_62, %max3A_64 : vector<10240x32xf32>
    %jit3A_66 = arith.constant 0.000000e+00 : f32
    %broadcast_in_dim3A_67 = vector.shape_cast %lt3A_32 : vector<10240x1xi1> to vector<10240x1xi1>
    %broadcast_in_dim3A_68 = vector.broadcast %broadcast_in_dim3A_67 : vector<10240x1xi1> to vector<10240x32xi1>
    %broadcast_in_dim3A_69 = vector.broadcast %jit3A_66 : f32 to vector<10240x32xf32>
    %select_n3A_70 = arith.select %broadcast_in_dim3A_68, %max3A_65, %broadcast_in_dim3A_69 : vector<10240x32xi1>, vector<10240x32xf32>
    %iota3A_71 = tpu.iota {dimensions = array<i32: 1>} : vector<10240x8xi32>
    %get3A_72 = arith.constant 0 : index
    %get3A_73 = arith.constant 0 : index
    %get3A_74 = vector.load %arg7[%get3A_72, %get3A_73] : memref<10240x1xi32, #tpu.memory_space<vmem>>, vector<10240x1xi32>
    %eq3A = vector.broadcast %get3A_74 : vector<10240x1xi32> to vector<10240x8xi32>
    %eq3A_75 = arith.cmpi eq, %eq3A, %iota3A_71 : vector<10240x8xi32>
    %convert_element_type3A = arith.extui %eq3A_75 : vector<10240x8xi1> to vector<10240x8xi32>
    %convert_element_type3A_76 = arith.sitofp %convert_element_type3A : vector<10240x8xi32> to vector<10240x8xf32>
    %dot_general3A_77 = arith.constant dense<0.000000e+00> : vector<8x32xf32>
    %dot_general3A_78 = tpu.matmul %convert_element_type3A_76, %select_n3A_70, %dot_general3A_77 {dimension_numbers = #tpu.dot_dimension_numbers<[0], [0], [1], [1], [0, 1, 1, 1], [], []>, transpose_lhs_hint = false} : vector<10240x8xf32>, vector<10240x32xf32>, vector<8x32xf32> -> vector<8x32xf32>
    %broadcast_in_dim3A_79 = arith.constant 1.000000e+00 : f32
    %broadcast_in_dim3A_80 = vector.broadcast %broadcast_in_dim3A_79 : f32 to vector<10240x1xf32>
    %dot_general3A_81 = arith.constant dense<0.000000e+00> : vector<8x1xf32>
    %dot_general3A_82 = tpu.matmul %convert_element_type3A_76, %broadcast_in_dim3A_80, %dot_general3A_81 {dimension_numbers = #tpu.dot_dimension_numbers<[0], [0], [1], [1], [0, 1, 1, 1], [], []>, transpose_lhs_hint = false} : vector<10240x8xf32>, vector<10240x1xf32>, vector<8x1xf32> -> vector<8x1xf32>
    %max3A_83 = arith.constant 1.000000e+00 : f32
    %max3A_84 = vector.broadcast %max3A_83 : f32 to vector<8x1xf32>
    %max3A_85 = arith.maximumf %dot_general3A_82, %max3A_84 : vector<8x1xf32>
    %div3A_86 = arith.constant 1.000000e+00 : f32
    %div3A_87 = vector.broadcast %div3A_86 : f32 to vector<8x1xf32>
    %div3A_88 = arith.divf %div3A_87, %max3A_85 : vector<8x1xf32>
    %mul3A_89 = vector.broadcast %div3A_88 : vector<8x1xf32> to vector<8x32xf32>
    %mul3A_90 = arith.mulf %dot_general3A_78, %mul3A_89 : vector<8x32xf32>
    %get3A_91 = arith.constant 0 : index
    %get3A_92 = arith.constant 0 : index
    %get3A_93 = vector.load %arg8[%get3A_91, %get3A_92] : memref<32x32xf32, #tpu.memory_space<vmem>>, vector<32x32xf32>
    %dot_general3A_94 = arith.constant dense<0.000000e+00> : vector<8x32xf32>
    %dot_general3A_95 = tpu.matmul %mul3A_90, %get3A_93, %dot_general3A_94 {dimension_numbers = #tpu.dot_dimension_numbers<[1], [0], [0], [1], [0, 0, 1, 1], [], []>, transpose_lhs_hint = false} : vector<8x32xf32>, vector<32x32xf32>, vector<8x32xf32> -> vector<8x32xf32>
    %get3A_96 = arith.constant 0 : index
    %get3A_97 = arith.constant 0 : index
    %get3A_98 = vector.load %arg9[%get3A_96, %get3A_97] : memref<1x32xf32, #tpu.memory_space<vmem>>, vector<1x32xf32>
    %add3A_99 = vector.broadcast %get3A_98 : vector<1x32xf32> to vector<8x32xf32>
    %add3A_100 = arith.addf %dot_general3A_95, %add3A_99 : vector<8x32xf32>
    %max3A_101 = arith.constant 0.000000e+00 : f32
    %max3A_102 = vector.broadcast %max3A_101 : f32 to vector<8x32xf32>
    %max3A_103 = arith.maximumf %add3A_100, %max3A_102 : vector<8x32xf32>
    %get3A_104 = arith.constant 0 : index
    %get3A_105 = arith.constant 0 : index
    %get3A_106 = vector.load %arg10[%get3A_104, %get3A_105] : memref<32x1xf32, #tpu.memory_space<vmem>>, vector<32x1xf32>
    %dot_general3A_107 = arith.constant dense<0.000000e+00> : vector<8x1xf32>
    %dot_general3A_108 = tpu.matmul %max3A_103, %get3A_106, %dot_general3A_107 {dimension_numbers = #tpu.dot_dimension_numbers<[1], [0], [0], [1], [0, 0, 1, 1], [], []>, transpose_lhs_hint = false} : vector<8x32xf32>, vector<32x1xf32>, vector<8x1xf32> -> vector<8x1xf32>
    %get3A_109 = arith.constant 0 : index
    %get3A_110 = arith.constant 0 : index
    %get3A_111 = vector.load %arg11[%get3A_109, %get3A_110] : memref<1x1xf32, #tpu.memory_space<vmem>>, vector<1x1xf32>
    %add3A_112 = vector.broadcast %get3A_111 : vector<1x1xf32> to vector<8x1xf32>
    %add3A_113 = arith.addf %dot_general3A_108, %add3A_112 : vector<8x1xf32>
    %swap3A = arith.constant 0 : index
    %swap3A_114 = arith.constant 0 : index
    %swap3A_115 = vector.load %arg12[%swap3A, %swap3A_114] : memref<8x1xf32, #tpu.memory_space<vmem>>, vector<8x1xf32>
    tpu.vector_store %arg12[%swap3A, %swap3A_114], %add3A_113 {strides = array<i32>} : memref<8x1xf32, #tpu.memory_space<vmem>>, vector<8x1xf32>,
    return
  }
  func.func @transform_0(%arg0: i32) -> (i32, i32, i32) {
    %c0_i32 = arith.constant 0 : i32
    %c0_i32_0 = arith.constant 0 : i32
    %c0_i32_1 = arith.constant 0 : i32
    %c0_i32_2 = arith.constant 0 : i32
    return %c0_i32, %c0_i32_0, %c0_i32_1 : i32, i32, i32
  }
  func.func @transform_1(%arg0: i32) -> (i32, i32) {
    %c0_i32 = arith.constant 0 : i32
    %c0_i32_0 = arith.constant 0 : i32
    %c0_i32_1 = arith.constant 0 : i32
    return %c0_i32, %c0_i32_0 : i32, i32
  }
  func.func @transform_2(%arg0: i32) -> (i32, i32) {
    %c0_i32 = arith.constant 0 : i32
    %c0_i32_0 = arith.constant 0 : i32
    %c0_i32_1 = arith.constant 0 : i32
    return %c0_i32, %c0_i32_0 : i32, i32
  }
  func.func @transform_3(%arg0: i32) -> (i32, i32) {
    %c0_i32 = arith.constant 0 : i32
    %c0_i32_0 = arith.constant 0 : i32
    %c0_i32_1 = arith.constant 0 : i32
    return %c0_i32, %c0_i32_0 : i32, i32
  }
  func.func @transform_4(%arg0: i32) -> (i32, i32) {
    %c0_i32 = arith.constant 0 : i32
    %c0_i32_0 = arith.constant 0 : i32
    %c0_i32_1 = arith.constant 0 : i32
    return %c0_i32, %c0_i32_0 : i32, i32
  }
  func.func @transform_5(%arg0: i32) -> (i32, i32) {
    %c0_i32 = arith.constant 0 : i32
    %c0_i32_0 = arith.constant 0 : i32
    %c0_i32_1 = arith.constant 0 : i32
    return %c0_i32, %c0_i32_0 : i32, i32
  }
  func.func @transform_6(%arg0: i32) -> (i32, i32) {
    %c0_i32 = arith.constant 0 : i32
    %c0_i32_0 = arith.constant 0 : i32
    %c0_i32_1 = arith.constant 0 : i32
    return %c0_i32, %c0_i32_0 : i32, i32
  }
  func.func @transform_7(%arg0: i32) -> (i32, i32) {
    %c0_i32 = arith.constant 0 : i32
    %c0_i32_0 = arith.constant 0 : i32
    %c0_i32_1 = arith.constant 0 : i32
    return %c0_i32, %c0_i32_0 : i32, i32
  }
  func.func @transform_8(%arg0: i32) -> (i32, i32) {
    %c0_i32 = arith.constant 0 : i32
    %c0_i32_0 = arith.constant 0 : i32
    %c0_i32_1 = arith.constant 0 : i32
    return %c0_i32, %c0_i32_0 : i32, i32
  }
  func.func @transform_9(%arg0: i32) -> (i32, i32) {
    %c0_i32 = arith.constant 0 : i32
    %c0_i32_0 = arith.constant 0 : i32
    %c0_i32_1 = arith.constant 0 : i32
    return %c0_i32, %c0_i32_0 : i32, i32
  }
  func.func @transform_10(%arg0: i32) -> (i32, i32) {
    %c0_i32 = arith.constant 0 : i32
    %c0_i32_0 = arith.constant 0 : i32
    %c0_i32_1 = arith.constant 0 : i32
    return %c0_i32, %c0_i32_0 : i32, i32
  }
  func.func @transform_11(%arg0: i32) -> (i32, i32) {
    %c0_i32 = arith.constant 0 : i32
    %c0_i32_0 = arith.constant 0 : i32
    %c0_i32_1 = arith.constant 0 : i32
    return %c0_i32, %c0_i32_0 : i32, i32
  }
}

</mosaic_0001>

<sc_bundles>
// kernel: kernel.10.cloned.1.call-start
scs
__scs_entry_jumppad:
0x0: {  	(pc) =	sbr.rel $0x88, $3  }
0x1: {  	(tag) =	ssettag $0x0;
	lr =	simm.s32 $0x1  }
0x2: {  	[smem:$0x3F89] =	sst lr;
	_ =	strace $0xD0000000  }
0x3: {  	_ = 	snop  }
0x4: {  	_ = 	snop  }
0x5: {  	_ = 	snop  }
0x6: {  	_ = 	snop  }
0x7: {  	_ = 	snop  }
__scs_overlays_trampoline_lowered:
0x8: {  	[smem:$0x3F98] =	sst s0  }
0x9: {  	[smem:$0x3F99] =	sst s1  }
0xa: {  	[smem:$0x3F9A] =	sst s2  }
0xb: {  	[smem:$0x3F9B] =	sst s3  }
0xc: {  	[smem:$0x3F9C] =	sst s4  }
0xd: {  	[smem:$0x3F9D] =	sst s5  }
0xe: {  	[smem:$0x3F9E] =	sst s6  }
0xf: {  	[smem:$0x3F9F] =	sst s7  }
0x10: {  	[smem:$0x3FA0] =	sst s8  }
0x11: {  	[smem:$0x3FA1] =	sst s9;
	s0 =	simm.s32 @!p0 $0x0  }
0x12: {  	s1 =	sld [smem:$0x3F87];
	s0 =	simm.s32 @p0 $0x1  }
0x13: {  	[smem:$0x3FA2] =	sst s0;
	s0 =	simm.s32 @!p1 $0x0  }
0x14: {  	s2 =	sld [smem:$0x3F86];
	s0 =	simm.s32 @p1 $0x1  }
0x15: {  	[smem:$0x3FA3] =	sst s0;
	s0 =	simm.s32 @!p2 $0x0  }
0x16: {  	s3 =	sld [smem:$0x3FDB];
	s0 =	simm.s32 @p2 $0x1  }
0x17: {  	s4 =	simm.s32 $0x1BF5;
	[smem:$0x3FA5] =	sst s0  }
0x18: {  	s0 =	sld [smem:$0x3F88];
	_ =	swait.ge [sflag:s4], $0x0  }
0x19: {  	s7 =	sld [smem:$0x3F89]  }
0x1a: {  	s8 =	sadd.s32 $0xFFFFE003, lr  }
0x1b: {  	s9 =	sadd.s32 $0xFFFFFEF7, lr;
	s5 =	simm.s32 $0xFFFFFFFF;
	p2 =	slt.u32 s8, $0xFFFFF086  }
0x1c: {  	p1 =	slt.u32 s9, $0xF7A;
	s5 =	simm.s32 @!p2 $0x0  }
0x1d: {  	s5 =	simm.s32 @p1 $0x1;
	p0 =	seq.s32 s7, s2  }
0x1e: {  	s7 =	smul.u32 @!p0 $0xF7A, s2;
	p2 =	seq.s32 @!p0 s5, $0x0  }
0x1f: {  	s9 =	smul.u32 $0xF7A, s1;
	s8 =	simm.s32 @!p0 $0x1BF5;
	p2 =	por !p2, p0  }
0x20: {  	[sflag:s8] =	ssyncset.s32 @!p0 $0xFFFFF086;
	s6 =	sadd.s32 @!p0 s3, s7;
	s7 =	simm.s32 @!p0 $0x108  }
0x21: {  	s3 =	sadd.s32 s3, s9;
	s6 =	sadd.s32 @!p0 $0x88, s6;
	s7 =	simm.s32 @p2 $0x1082  }
0x22: {  	[simem:s7], [sflag:s8] =	dma.local @!p0 [hbm:s6], $0xF7A  }
0x23: {  	s9 =	sor.u32 $0xD0000000, s2;
	s6 =	simm.s32 $0x108;
	_ =	swait.ge @!p0 [sflag:s8], $0x0  }
0x24: {  	s3 =	sadd.s32 $0x88, s3;
	s6 =	simm.s32 @!p1 $0x1082;
	[sflag:s4] =	ssyncset.s32 $0xFFFFF086  }
0x25: {  	[simem:s6], [sflag:s4] =	dma.local [hbm:s3], $0xF7A  }
0x26: {  	[smem:$0x3F89] =	sst s1;
	(tag) =	ssettag s2;
	_ =	strace s9  }
0x27: {  	s1 =	sld [smem:$0x3F99]  }
0x28: {  	s2 =	sld [smem:$0x3F9A]  }
0x29: {  	s4 =	sld [smem:$0x3F9C]  }
0x2a: {  	p0 =	seq.s32 s5, $0x0;
	s5 =	sld [smem:$0x3F9D]  }
0x2b: {  	s6 =	sld [smem:$0x3F9E]  }
0x2c: {  	s7 =	sld [smem:$0x3F9F]  }
0x2d: {  	s3 =	simm.s32 $0x108;
	s8 =	sld [smem:$0x3FA0]  }
0x2e: {  	s3 =	simm.s32 @!p0 $0x1082;
	s9 =	sld [smem:$0x3FA1]  }
0x2f: {  	lr =	sadd.s32 s0, s3;
	s0 =	sld [smem:$0x3F98]  }
0x30: {  	s3 =	sld [smem:$0x3F9B]  }
0x31: {  	[smem:$0x3FA4] =	sst s10  }
0x32: {  	s10 =	sld [smem:$0x3FA2];
	_ =	sdelay $0x3  }
0x33: {  	p0 =	seq.s32 s10, $0x1;
	s10 =	sld [smem:$0x3FA4];
	_ =	sdelay $0x3  }
0x34: {  	[smem:$0x3FA4] =	sst s10  }
0x35: {  	s10 =	sld [smem:$0x3FA3];
	_ =	sdelay $0x3  }
0x36: {  	p1 =	seq.s32 s10, $0x1;
	s10 =	sld [smem:$0x3FA4];
	_ =	sdelay $0x3  }
0x37: {  	[smem:$0x3FA4] =	sst s10  }
0x38: {  	s10 =	sld [smem:$0x3FA5]  }
0x39: {  	_ = 	snop;
	(pc) =	sbr.ind lr, $3  }
0x3a: {  	_ = 	snop  }
0x3b: {  	_ = 	snop  }
0x3c: {  	p2 =	seq.s32 s10, $0x1;
	s10 =	sld [smem:$0x3FA4]  }
0x3d: {  	_ =	shalt  }
0x3e: {  	_ =	shalt  }
0x3f: {  	_ =	shalt  }
0x40: {  	_ =	shalt  }
0x41: {  	_ =	shalt  }
0x42: {  	_ =	shalt  }
0x43: {  	_ =	shalt  }
0x44: {  	_ =	shalt  }
0x45: {  	_ =	shalt  }
0x46: {  	_ =	shalt  }
0x47: {  	_ =	shalt  }
0x48: {  	_ =	shalt  }
0x49: {  	_ =	shalt  }
0x4a: {  	_ =	shalt  }
0x4b: {  	_ =	shalt  }
0x4c: {  	_ =	shalt  }
0x4d: {  	_ =	shalt  }
0x4e: {  	_ =	shalt  }
0x4f: {  	_ =	shalt  }
0x50: {  	_ =	shalt  }
0x51: {  	_ =	shalt  }
0x52: {  	_ =	shalt  }
0x53: {  	_ =	shalt  }
0x54: {  	_ =	shalt  }
0x55: {  	_ =	shalt  }
0x56: {  	_ =	shalt  }
0x57: {  	_ =	shalt  }
0x58: {  	_ =	shalt  }
0x59: {  	_ =	shalt  }
0x5a: {  	_ =	shalt  }
0x5b: {  	_ =	shalt  }
0x5c: {  	_ =	shalt  }
0x5d: {  	_ =	shalt  }
0x5e: {  	_ =	shalt  }
0x5f: {  	_ =	shalt  }
0x60: {  	_ =	shalt  }
0x61: {  	_ =	shalt  }
0x62: {  	_ =	shalt  }
0x63: {  	_ =	shalt  }
0x64: {  	_ =	shalt  }
0x65: {  	_ =	shalt  }
0x66: {  	_ =	shalt  }
0x67: {  	_ =	shalt  }
0x68: {  	_ =	shalt  }
0x69: {  	_ =	shalt  }
0x6a: {  	_ =	shalt  }
0x6b: {  	_ =	shalt  }
0x6c: {  	_ =	shalt  }
0x6d: {  	_ =	shalt  }
0x6e: {  	_ =	shalt  }
0x6f: {  	_ =	shalt  }
0x70: {  	_ =	shalt  }
0x71: {  	_ =	shalt  }
0x72: {  	_ =	shalt  }
0x73: {  	_ =	shalt  }
0x74: {  	_ =	shalt  }
0x75: {  	_ =	shalt  }
0x76: {  	_ =	shalt  }
0x77: {  	_ =	shalt  }
0x78: {  	_ =	shalt  }
0x79: {  	_ =	shalt  }
0x7a: {  	_ =	shalt  }
0x7b: {  	_ =	shalt  }
0x7c: {  	_ =	shalt  }
0x7d: {  	_ =	shalt  }
0x7e: {  	_ =	shalt  }
0x7f: {  	_ =	shalt  }
0x80: {  	_ =	shalt  }
0x81: {  	_ =	shalt  }
0x82: {  	_ =	shalt  }
0x83: {  	_ =	shalt  }
0x84: {  	_ =	shalt  }
0x85: {  	_ =	shalt  }
0x86: {  	_ =	shalt  }
0x87: {  	_ =	shalt  }
.Lfunc_end0:
.L_simem_size_0:
called_computation_lowered:
.L_overlay_start_0:
0x88: {  	s2 =	sld [smem:$0x3FD9]  }
0x89: {  	s3 =	sld [smem:$0x3FFE];
	_ =	sdelay $0x1  }
0x8a: {  	s1 =	srdreg.scid  }
0x8b: {  	s0 =	sand.u32 $0x1, s1  }
0x8c: {  	s16 =	sshll.u32 s0, $0xA;
	s2 =	sadd.s32 s3, s2  }
0x8d: {  	s2 =	sadd.s32 s2, s16  }
0x8e: {  	[smem:$0x3FB0] =	sst s2  }
0x8f: {  	_ = 	snop  }
0x90: {  	(tm) =	ssettm $0x1  }
0x91: {  	s17 =	sld [smem:$0x3FFB];
	_ =	sdelay $0x3  }
0x92: {  	_ =	strace s17  }
0x93: {  	s2 =	sld [smem:$0x3FFC];
	_ =	sdelay $0x3  }
0x94: {  	_ =	strace s2  }
0x95: {  	s2 =	sld [smem:$0x3FFD];
	_ =	sdelay $0x3  }
0x96: {  	_ =	strace s2  }
0x97: {  	_ =	strace $0x8FFFFFFF  }
0x98: {  	s18 =	sld [smem:$0x3FDB];
	_ =	sdelay $0x1  }
0x99: {  	s19 =	simm.s32 $_scs_section_size  }
0x9a: {  	s4 =	simm.s32 $_size__tile_overlayer_lowered;
	s5 =	simm.s32 $_tile_overlayer_lowered  }
0x9b: {  	s22 =	simm.s32 $0x1BFF;
	s21 =	sshll.u32 s5, $0x1;
	s2 =	sadd.s32 s19, s18  }
0x9c: {  	s6 =	simm.s32 $0x0;
	s20 =	sshll.u32 s4, $0x1;
	s4 =	sadd.s32 s21, s2  }
0x9d: {  	[timem:s6], [sflag:s22] =	dma.local [hbm:s4], s20  }
0x9e: {  	_ =	swait.ge [sflag:s22], s20  }
0x9f: {  	s3 =	ssub.s32 $0x0, s20;
	[sflag:s22] =	ssyncset.done $0x0  }
0xa0: {  	[sflag:s22] =	ssyncadd.s32 s3;
	_ =	sdelay $0x1  }
0xa1: {  	s23 =	simm.s32 $0x1B8B  }
0xa2: {  	_ =	swait.ge [sflag:s23], $0x1  }
0xa3: {  	[sflag:s23] =	ssyncset.done $0x0  }
0xa4: {  	s25 =	simm.s32 $0x1B8E;
	s24 =	sld [smem:$0x3FFE];
	[sflag:s23] =	ssyncadd.s32 $0xFFFFFFFF  }
0xa5: {  	s26 =	simm.s32 $execute0_lowered;
	[smem:$0x3FD2] =	sst s25  }
0xa6: {  	s4 =	sshll.u32 s26, $0x1;
	_ =	strace $0x80000046;
	[dreg:$0x1] =	wrdreg $0xFFFFFFFF  }
0xa7: {  	s28 =	simm.s32 $_size_execute0_lowered;
	s2 =	sadd.s32 s2, s4;
	[dreg:$0x0] =	wrdreg $0x0  }
0xa8: {  	s4 =	sshll.u32 s28, $0x1;
	[dreg:$0x2] =	wrdreg s2  }
0xa9: {  	[dreg:$0x3] =	wrdreg s4  }
0xaa: {  	[dreg:$0x4] =	wrdreg $0xC0  }
0xab: {  	_ =	task [dreg:s6], $0x5FFFF  }
0xac: {  	[dreg:$0x1] =	wrdreg $0xFFFFFFFF  }
0xad: {  	[dreg:$0x0] =	wrdreg $0x60  }
0xae: {  	[dreg:$0x2] =	wrdreg s24  }
0xaf: {  	[dreg:$0x3] =	wrdreg $0x9  }
0xb0: {  	_ =	task.clear_ibuf [dreg:s6], $0x4FFFF;
	_ =	strace $0x90000046  }
0xb1: {  	s29 =	simm.s32 $0x9;
	_ =	strace $0x80000048  }
0xb2: {  	_ =	swait.ge [sflag:s29], $0x1  }
0xb3: {  	[sflag:s29] =	ssyncadd.s32 $0xFFFFFFFF  }
0xb4: {  	_ =	strace $0x90000048  }
0xb5: {  	_ =	sfence  }
0xb6: {  	s30 =	sld [smem:$0x0];
	_ =	sdelay $0x2  }
0xb7: {  	s31 =	sshll.u32 s1, $0xD;
	s1 =	sshrl.u32 s1, $0x2  }
0xb8: {  	s3 =	sand.u32 $0x4000, s31;
	s1 =	sadd.s32 s1, s30  }
0xb9: {  	s0 =	sor.u32 s3, s0;
	s1 =	sshll.u32 s1, $0x11  }
0xba: {  	s0 =	sor.u32 s1, s0  }
0xbb: {  	s0 =	sadd.s32 $0x8F2B, s0  }
0xbc: {  	[sflag:s0] =	ssyncadd.remote.s32 $0x1  }
0xbd: {  	_ =	sfence.sel $0xFFFF  }
0xbe: {  	[dreg:$0x0] =	wrdreg $0xFFFFFFFF;
	(pc) =	sbr.abs _section_cstart, $3  }
0xbf: {  	[dreg:$0x1] =	wrdreg $0xFFFFFFFF  }
0xc0: {  	_ =	task.clear_ibuf [dreg:s6], $0x2FFFF;
	_ =	strace $0x9FFFFFFF  }
0xc1: {  	(tm) =	ssettm $0x7FFFFFFF  }
tec
execute0_lowered:
.L_overlay_start_1:
0x0: {  	(tag) =	ssettag $0x1  }
0x1: {  	s1 =	srdreg.scid;
	s0 =	stileid.u32  }
0x2: {  	s16 =	sand.u32 $0x1, s1;
	s29 =	sshll.u32 s0, $0x1  }
0x3: {  	s17 =	rddreg [dreg:$0x0];
	s18 =	sor.u32 s16, s29  }
0x4: {  	s2 =	simm.s32 $0x0;
	s1 =	rddreg [dreg:$0x1];
	s3 =	sshll.u32 s18, $0x7  }
0x5: {  	[smem:$0x7FF] =	sst s2;
	s3 =	sadd.s32 s3, s17  }
0x6: {  	_ =	strace $0x80000047;
	s4 =	sadd.s32 $0x4600, s3;
	s3 =	simm.s32 $0x2  }
0x7: {  	[tilespmem:s2], [sflag:$0x2] =	stream.linear.gather [hbm4b:s4+s2], $0x400, $0x38;
	[tilespmem:$0x14400] =	vst v63  }
0x8: {  	_ =	swait.ge [sflag:s3], $0x400  }
0x9: {  	s6 =	simm.s32 $0x80;
	[sflag:s3] =	ssyncset.done $0x0  }
0xa: {  	s7 =	simm.s32 $0x400;
	s5 =	sadd.s32 $0x5600, s17;
	[sflag:s3] =	ssyncadd.s32 $0xFFFFFC00  }
0xb: {  	[tilespmem:s7], [sflag:$0x1] =	stream.indirect.gather [hbm4b:s5+s6], $0x80, s2, s6, $0xb8;
	[tilespmem:$0x14400] =	vst v63  }
0xc: {  	s8 =	simm.s32 $0x4400  }
0xd: {  	[tilespmem:s8], [sflag:$0x1] =	stream.indirect.gather [hbm4b:s5+s6], $0x80, s6, s6, $0xb8;
	[tilespmem:$0x14400] =	vst v63  }
0xe: {  	s9 =	simm.s32 $0x100;
	s10 =	simm.s32 $0x8400  }
0xf: {  	[tilespmem:s10], [sflag:$0x1] =	stream.indirect.gather [hbm4b:s5+s6], $0x80, s9, s6, $0xb8;
	[tilespmem:$0x14400] =	vst v63  }
0x10: {  	s11 =	simm.s32 $0x180;
	s12 =	simm.s32 $0xC400  }
0x11: {  	[tilespmem:s12], [sflag:$0x1] =	stream.indirect.gather [hbm4b:s5+s6], $0x80, s11, s6, $0xb8;
	[tilespmem:$0x14400] =	vst v63  }
0x12: {  	s13 =	simm.s32 $0x200;
	s14 =	simm.s32 $0x10400;
	s15 =	simm.s32 $0x1  }
0x13: {  	[tilespmem:s14], [sflag:$0x1] =	stream.indirect.gather [hbm4b:s5+s6], $0x80, s13, s6, $0xb8;
	[tilespmem:$0x14400] =	vst v63  }
0x14: {  	_ =	swait.ge [sflag:s15], $0x4000  }
0x15: {  	[sflag:s15] =	ssyncset.done $0x0  }
0x16: {  	[sflag:s15] =	ssyncadd.s32 $0xFFFFC000  }
0x17: {  	_ =	swait.ge [sflag:s15], $0x4000  }
0x18: {  	[sflag:s15] =	ssyncset.done $0x0  }
0x19: {  	[sflag:s15] =	ssyncadd.s32 $0xFFFFC000  }
0x1a: {  	_ =	swait.ge [sflag:s15], $0x4000  }
0x1b: {  	[sflag:s15] =	ssyncset.done $0x0  }
0x1c: {  	s16 =	ssub.s32 $0x2, s16;
	[sflag:s15] =	ssyncadd.s32 $0xFFFFC000  }
0x1d: {  	s19 =	sshrl.u32 s16, $0x1;
	_ =	swait.ge [sflag:s15], $0x4000  }
0x1e: {  	s30 =	ssub.s32 s16, s19;
	[sflag:s15] =	ssyncset.done $0x0  }
0x1f: {  	s18 =	smul.u32 $0x2800, s18;
	s31 =	smax.u32 s30, $0x1;
	[sflag:s15] =	ssyncadd.s32 $0xFFFFC000  }
0x20: {  	p0 =	sne.s32 s31, $0x1;
	_ =	swait.ge [sflag:s15], $0x4000  }
.Ltmp0:
0x21: {  	s17 =	sadd.s32 s18, s17;
	[sflag:s15] =	ssyncset.done $0x0;
	(pc) =	sbr.rel @!p0 .LBB2_2-.Ltmp0, $4  }
0x22: {  	s16 =	sadd.s32 $0x2D600, s17;
	[sflag:s15] =	ssyncadd.s32 $0xFFFFC000  }
0x23: {  	[hbm4b:s16+s2] =	stream.linear.scatter [tilespmem:s7], [sflag:$0x2], $0x14000, $0x38;
	[tilespmem:$0x14400] =	vst v63  }
0x24: {  	_ =	swait.ge [sflag:s3], $0x14000  }
0x25: {  	s17 =	sadd.s32 $0xFFFFFFFF, s31;
	[sflag:s3] =	ssyncset.done $0x0  }
.LBB2_1:
0x26: {  	p0 =	sne.s32 s17, $0x1;
	s17 =	sadd.s32 $0xFFFFFFFF, s17;
	[sflag:s3] =	ssyncadd.s32 $0xFFFEC000  }
0x27: {  	[tilespmem:s2], [sflag:$0x2] =	stream.linear.gather [hbm4b:s4+s2], $0x400, $0x38;
	[tilespmem:$0x14400] =	vst v63  }
0x28: {  	_ =	swait.ge [sflag:s3], $0x400  }
0x29: {  	[sflag:s3] =	ssyncset.done $0x0  }
0x2a: {  	[sflag:s3] =	ssyncadd.s32 $0xFFFFFC00  }
0x2b: {  	[tilespmem:s7], [sflag:$0x1] =	stream.indirect.gather [hbm4b:s5+s6], $0x80, s2, s6, $0xb8;
	[tilespmem:$0x14400] =	vst v63  }
0x2c: {  	_ = 	snop  }
0x2d: {  	[tilespmem:s8], [sflag:$0x1] =	stream.indirect.gather [hbm4b:s5+s6], $0x80, s6, s6, $0xb8;
	[tilespmem:$0x14400] =	vst v63  }
0x2e: {  	_ = 	snop  }
0x2f: {  	[tilespmem:s10], [sflag:$0x1] =	stream.indirect.gather [hbm4b:s5+s6], $0x80, s9, s6, $0xb8;
	[tilespmem:$0x14400] =	vst v63  }
0x30: {  	_ = 	snop  }
0x31: {  	[tilespmem:s12], [sflag:$0x1] =	stream.indirect.gather [hbm4b:s5+s6], $0x80, s11, s6, $0xb8;
	[tilespmem:$0x14400] =	vst v63  }
0x32: {  	_ = 	snop  }
0x33: {  	[tilespmem:s14], [sflag:$0x1] =	stream.indirect.gather [hbm4b:s5+s6], $0x80, s13, s6, $0xb8;
	[tilespmem:$0x14400] =	vst v63  }
0x34: {  	_ =	swait.ge [sflag:s15], $0x4000  }
0x35: {  	[sflag:s15] =	ssyncset.done $0x0  }
0x36: {  	[sflag:s15] =	ssyncadd.s32 $0xFFFFC000  }
0x37: {  	_ =	swait.ge [sflag:s15], $0x4000  }
0x38: {  	[sflag:s15] =	ssyncset.done $0x0  }
0x39: {  	[sflag:s15] =	ssyncadd.s32 $0xFFFFC000  }
0x3a: {  	_ =	swait.ge [sflag:s15], $0x4000  }
0x3b: {  	[sflag:s15] =	ssyncset.done $0x0  }
0x3c: {  	[sflag:s15] =	ssyncadd.s32 $0xFFFFC000  }
0x3d: {  	_ =	swait.ge [sflag:s15], $0x4000  }
0x3e: {  	[sflag:s15] =	ssyncset.done $0x0  }
0x3f: {  	[sflag:s15] =	ssyncadd.s32 $0xFFFFC000  }
0x40: {  	_ =	swait.ge [sflag:s15], $0x4000  }
.Ltmp1:
0x41: {  	[sflag:s15] =	ssyncset.done $0x0;
	(pc) =	sbr.rel @p0 .LBB2_1-.Ltmp1, $4  }
0x42: {  	[sflag:s15] =	ssyncadd.s32 $0xFFFFC000  }
0x43: {  	[hbm4b:s16+s2] =	stream.linear.scatter [tilespmem:s7], [sflag:$0x2], $0x14000, $0x38;
	[tilespmem:$0x14400] =	vst v63  }
0x44: {  	_ =	swait.ge [sflag:s3], $0x14000  }
0x45: {  	[sflag:s3] =	ssyncset.done $0x0  }
.LBB2_2:
0x46: {  	[sflag:s3] =	ssyncadd.s32 $0xFFFEC000  }
0x47: {  	_ =	sfence.sel $0x180000  }
0x48: {  	[bflag:$0x0] =	sbarrier.arrive $0xFFFF  }
0x49: {  	p0 =	sne.s32 s0, $0x0;
	_ =	strace $0x90000047  }
0x4a: {  	s0 =	sadd.s32 @!p0 $0x100000, s1;
	[bflag:$0x2] =	sbarrier.arrive $0xFFFF  }
0x4b: {  	[sflag:s0] =	ssyncadd.tile.s32 @!p0 $0x1;
	_ =	shalt  }
.Lfunc_end2:
_tile_overlayer_lowered:
.L_overlay_start_2:
0x4c: {  	(tag) =	ssettag $0x2  }
0x4d: {  	s0 =	rddreg [dreg:$0x0];
	s2 =	stileid.u32  }
0x4e: {  	s1 =	rddreg [dreg:$0x1];
	p0 =	sne.s32 s2, $0x0  }
0x4f: {  	s3 =	rddreg [dreg:$0x2];
	[bflag:$0x3] =	sbarrier.arrive $0xFFFF;
	s2 =	simm.s32 @!p0 $0x1C02  }
0x50: {  	[timem:s3], [sflag:s2] =	dma.local @!p0 [hbm:s0], s1  }
0x51: {  	s0 =	simm.s32 @!p0 $0x2  }
0x52: {  	_ =	swait.ge @!p0 [sflag:s0], s1  }
0x53: {  	s1 =	ssub.s32 @!p0 $0x0, s1;
	[sflag:s0] =	ssyncset.done @!p0 $0x0  }
0x54: {  	[sflag:s0] =	ssyncadd.s32 @!p0 s1  }
0x55: {  	[bflag:$0x3] =	sbarrier.arrive $0xFFFF  }
0x56: {  	_ =	shalt  }

// kernel: kernel.13.cloned.1.call-start
scs
__scs_entry_jumppad:
0x0: {  	(pc) =	sbr.rel $0x88, $3  }
0x1: {  	(tag) =	ssettag $0x0;
	lr =	simm.s32 $0x1  }
0x2: {  	[smem:$0x3F89] =	sst lr;
	_ =	strace $0xD0000000  }
0x3: {  	_ = 	snop  }
0x4: {  	_ = 	snop  }
0x5: {  	_ = 	snop  }
0x6: {  	_ = 	snop  }
0x7: {  	_ = 	snop  }
__scs_overlays_trampoline_lowered:
0x8: {  	[smem:$0x3F98] =	sst s0  }
0x9: {  	[smem:$0x3F99] =	sst s1  }
0xa: {  	[smem:$0x3F9A] =	sst s2  }
0xb: {  	[smem:$0x3F9B] =	sst s3  }
0xc: {  	[smem:$0x3F9C] =	sst s4  }
0xd: {  	[smem:$0x3F9D] =	sst s5  }
0xe: {  	[smem:$0x3F9E] =	sst s6  }
0xf: {  	[smem:$0x3F9F] =	sst s7  }
0x10: {  	[smem:$0x3FA0] =	sst s8  }
0x11: {  	[smem:$0x3FA1] =	sst s9;
	s0 =	simm.s32 @!p0 $0x0  }
0x12: {  	s1 =	sld [smem:$0x3F87];
	s0 =	simm.s32 @p0 $0x1  }
0x13: {  	[smem:$0x3FA2] =	sst s0;
	s0 =	simm.s32 @!p1 $0x0  }
0x14: {  	s2 =	sld [smem:$0x3F86];
	s0 =	simm.s32 @p1 $0x1  }
0x15: {  	[smem:$0x3FA3] =	sst s0;
	s0 =	simm.s32 @!p2 $0x0  }
0x16: {  	s3 =	sld [smem:$0x3FDB];
	s0 =	simm.s32 @p2 $0x1  }
0x17: {  	s4 =	simm.s32 $0x1BF5;
	[smem:$0x3FA5] =	sst s0  }
0x18: {  	s0 =	sld [smem:$0x3F88];
	_ =	swait.ge [sflag:s4], $0x0  }
0x19: {  	s7 =	sld [smem:$0x3F89]  }
0x1a: {  	s8 =	sadd.s32 $0xFFFFE003, lr  }
0x1b: {  	s9 =	sadd.s32 $0xFFFFFEF7, lr;
	s5 =	simm.s32 $0xFFFFFFFF;
	p2 =	slt.u32 s8, $0xFFFFF086  }
0x1c: {  	p1 =	slt.u32 s9, $0xF7A;
	s5 =	simm.s32 @!p2 $0x0  }
0x1d: {  	s5 =	simm.s32 @p1 $0x1;
	p0 =	seq.s32 s7, s2  }
0x1e: {  	s7 =	smul.u32 @!p0 $0xF7A, s2;
	p2 =	seq.s32 @!p0 s5, $0x0  }
0x1f: {  	s9 =	smul.u32 $0xF7A, s1;
	s8 =	simm.s32 @!p0 $0x1BF5;
	p2 =	por !p2, p0  }
0x20: {  	[sflag:s8] =	ssyncset.s32 @!p0 $0xFFFFF086;
	s6 =	sadd.s32 @!p0 s3, s7;
	s7 =	simm.s32 @!p0 $0x108  }
0x21: {  	s3 =	sadd.s32 s3, s9;
	s6 =	sadd.s32 @!p0 $0x88, s6;
	s7 =	simm.s32 @p2 $0x1082  }
0x22: {  	[simem:s7], [sflag:s8] =	dma.local @!p0 [hbm:s6], $0xF7A  }
0x23: {  	s9 =	sor.u32 $0xD0000000, s2;
	s6 =	simm.s32 $0x108;
	_ =	swait.ge @!p0 [sflag:s8], $0x0  }
0x24: {  	s3 =	sadd.s32 $0x88, s3;
	s6 =	simm.s32 @!p1 $0x1082;
	[sflag:s4] =	ssyncset.s32 $0xFFFFF086  }
0x25: {  	[simem:s6], [sflag:s4] =	dma.local [hbm:s3], $0xF7A  }
0x26: {  	[smem:$0x3F89] =	sst s1;
	(tag) =	ssettag s2;
	_ =	strace s9  }
0x27: {  	s1 =	sld [smem:$0x3F99]  }
0x28: {  	s2 =	sld [smem:$0x3F9A]  }
0x29: {  	s4 =	sld [smem:$0x3F9C]  }
0x2a: {  	p0 =	seq.s32 s5, $0x0;
	s5 =	sld [smem:$0x3F9D]  }
0x2b: {  	s6 =	sld [smem:$0x3F9E]  }
0x2c: {  	s7 =	sld [smem:$0x3F9F]  }
0x2d: {  	s3 =	simm.s32 $0x108;
	s8 =	sld [smem:$0x3FA0]  }
0x2e: {  	s3 =	simm.s32 @!p0 $0x1082;
	s9 =	sld [smem:$0x3FA1]  }
0x2f: {  	lr =	sadd.s32 s0, s3;
	s0 =	sld [smem:$0x3F98]  }
0x30: {  	s3 =	sld [smem:$0x3F9B]  }
0x31: {  	[smem:$0x3FA4] =	sst s10  }
0x32: {  	s10 =	sld [smem:$0x3FA2];
	_ =	sdelay $0x3  }
0x33: {  	p0 =	seq.s32 s10, $0x1;
	s10 =	sld [smem:$0x3FA4];
	_ =	sdelay $0x3  }
0x34: {  	[smem:$0x3FA4] =	sst s10  }
0x35: {  	s10 =	sld [smem:$0x3FA3];
	_ =	sdelay $0x3  }
0x36: {  	p1 =	seq.s32 s10, $0x1;
	s10 =	sld [smem:$0x3FA4];
	_ =	sdelay $0x3  }
0x37: {  	[smem:$0x3FA4] =	sst s10  }
0x38: {  	s10 =	sld [smem:$0x3FA5]  }
0x39: {  	_ = 	snop;
	(pc) =	sbr.ind lr, $3  }
0x3a: {  	_ = 	snop  }
0x3b: {  	_ = 	snop  }
0x3c: {  	p2 =	seq.s32 s10, $0x1;
	s10 =	sld [smem:$0x3FA4]  }
0x3d: {  	_ =	shalt  }
0x3e: {  	_ =	shalt  }
0x3f: {  	_ =	shalt  }
0x40: {  	_ =	shalt  }
0x41: {  	_ =	shalt  }
0x42: {  	_ =	shalt  }
0x43: {  	_ =	shalt  }
0x44: {  	_ =	shalt  }
0x45: {  	_ =	shalt  }
0x46: {  	_ =	shalt  }
0x47: {  	_ =	shalt  }
0x48: {  	_ =	shalt  }
0x49: {  	_ =	shalt  }
0x4a: {  	_ =	shalt  }
0x4b: {  	_ =	shalt  }
0x4c: {  	_ =	shalt  }
0x4d: {  	_ =	shalt  }
0x4e: {  	_ =	shalt  }
0x4f: {  	_ =	shalt  }
0x50: {  	_ =	shalt  }
0x51: {  	_ =	shalt  }
0x52: {  	_ =	shalt  }
0x53: {  	_ =	shalt  }
0x54: {  	_ =	shalt  }
0x55: {  	_ =	shalt  }
0x56: {  	_ =	shalt  }
0x57: {  	_ =	shalt  }
0x58: {  	_ =	shalt  }
0x59: {  	_ =	shalt  }
0x5a: {  	_ =	shalt  }
0x5b: {  	_ =	shalt  }
0x5c: {  	_ =	shalt  }
0x5d: {  	_ =	shalt  }
0x5e: {  	_ =	shalt  }
0x5f: {  	_ =	shalt  }
0x60: {  	_ =	shalt  }
0x61: {  	_ =	shalt  }
0x62: {  	_ =	shalt  }
0x63: {  	_ =	shalt  }
0x64: {  	_ =	shalt  }
0x65: {  	_ =	shalt  }
0x66: {  	_ =	shalt  }
0x67: {  	_ =	shalt  }
0x68: {  	_ =	shalt  }
0x69: {  	_ =	shalt  }
0x6a: {  	_ =	shalt  }
0x6b: {  	_ =	shalt  }
0x6c: {  	_ =	shalt  }
0x6d: {  	_ =	shalt  }
0x6e: {  	_ =	shalt  }
0x6f: {  	_ =	shalt  }
0x70: {  	_ =	shalt  }
0x71: {  	_ =	shalt  }
0x72: {  	_ =	shalt  }
0x73: {  	_ =	shalt  }
0x74: {  	_ =	shalt  }
0x75: {  	_ =	shalt  }
0x76: {  	_ =	shalt  }
0x77: {  	_ =	shalt  }
0x78: {  	_ =	shalt  }
0x79: {  	_ =	shalt  }
0x7a: {  	_ =	shalt  }
0x7b: {  	_ =	shalt  }
0x7c: {  	_ =	shalt  }
0x7d: {  	_ =	shalt  }
0x7e: {  	_ =	shalt  }
0x7f: {  	_ =	shalt  }
0x80: {  	_ =	shalt  }
0x81: {  	_ =	shalt  }
0x82: {  	_ =	shalt  }
0x83: {  	_ =	shalt  }
0x84: {  	_ =	shalt  }
0x85: {  	_ =	shalt  }
0x86: {  	_ =	shalt  }
0x87: {  	_ =	shalt  }
.Lfunc_end0:
.L_simem_size_0:
called_computation.1_lowered:
.L_overlay_start_0:
0x88: {  	s2 =	sld [smem:$0x3FD9]  }
0x89: {  	s3 =	sld [smem:$0x3FFE];
	_ =	sdelay $0x1  }
0x8a: {  	s1 =	srdreg.scid  }
0x8b: {  	s0 =	sand.u32 $0x1, s1  }
0x8c: {  	s16 =	sshll.u32 s0, $0xA;
	s2 =	sadd.s32 s3, s2  }
0x8d: {  	s2 =	sadd.s32 s2, s16  }
0x8e: {  	[smem:$0x3FB0] =	sst s2  }
0x8f: {  	_ = 	snop  }
0x90: {  	(tm) =	ssettm $0x1  }
0x91: {  	s17 =	sld [smem:$0x3FFB];
	_ =	sdelay $0x3  }
0x92: {  	_ =	strace s17  }
0x93: {  	s2 =	sld [smem:$0x3FFC];
	_ =	sdelay $0x3  }
0x94: {  	_ =	strace s2  }
0x95: {  	s2 =	sld [smem:$0x3FFD];
	_ =	sdelay $0x3  }
0x96: {  	_ =	strace s2  }
0x97: {  	_ =	strace $0x8FFFFFFF  }
0x98: {  	s18 =	sld [smem:$0x3FDB];
	_ =	sdelay $0x1  }
0x99: {  	s19 =	simm.s32 $_scs_section_size  }
0x9a: {  	s4 =	simm.s32 $_size__tile_overlayer_lowered;
	s5 =	simm.s32 $_tile_overlayer_lowered  }
0x9b: {  	s22 =	simm.s32 $0x1BFF;
	s21 =	sshll.u32 s5, $0x1;
	s2 =	sadd.s32 s19, s18  }
0x9c: {  	s6 =	simm.s32 $0x0;
	s20 =	sshll.u32 s4, $0x1;
	s4 =	sadd.s32 s21, s2  }
0x9d: {  	[timem:s6], [sflag:s22] =	dma.local [hbm:s4], s20  }
0x9e: {  	_ =	swait.ge [sflag:s22], s20  }
0x9f: {  	s3 =	ssub.s32 $0x0, s20;
	[sflag:s22] =	ssyncset.done $0x0  }
0xa0: {  	[sflag:s22] =	ssyncadd.s32 s3;
	_ =	sdelay $0x1  }
0xa1: {  	s23 =	simm.s32 $0x1B8B  }
0xa2: {  	_ =	swait.ge [sflag:s23], $0x1  }
0xa3: {  	[sflag:s23] =	ssyncset.done $0x0  }
0xa4: {  	s25 =	simm.s32 $0x1B8E;
	s24 =	sld [smem:$0x3FFE];
	[sflag:s23] =	ssyncadd.s32 $0xFFFFFFFF  }
0xa5: {  	s26 =	simm.s32 $execute0_lowered;
	[smem:$0x3FD2] =	sst s25  }
0xa6: {  	s4 =	sshll.u32 s26, $0x1;
	_ =	strace $0x80000049;
	[dreg:$0x1] =	wrdreg $0xFFFFFFFF  }
0xa7: {  	s28 =	simm.s32 $_size_execute0_lowered;
	s2 =	sadd.s32 s2, s4;
	[dreg:$0x0] =	wrdreg $0x0  }
0xa8: {  	s4 =	sshll.u32 s28, $0x1;
	[dreg:$0x2] =	wrdreg s2  }
0xa9: {  	[dreg:$0x3] =	wrdreg s4  }
0xaa: {  	[dreg:$0x4] =	wrdreg $0xC0  }
0xab: {  	_ =	task [dreg:s6], $0x5FFFF  }
0xac: {  	[dreg:$0x1] =	wrdreg $0xFFFFFFFF  }
0xad: {  	[dreg:$0x0] =	wrdreg $0x60  }
0xae: {  	[dreg:$0x2] =	wrdreg s24  }
0xaf: {  	[dreg:$0x3] =	wrdreg $0x7C000  }
0xb0: {  	[dreg:$0x4] =	wrdreg $0x9  }
0xb1: {  	_ =	task.clear_ibuf [dreg:s6], $0x5FFFF;
	_ =	strace $0x90000049  }
0xb2: {  	s29 =	simm.s32 $0x9;
	_ =	strace $0x8000004B  }
0xb3: {  	_ =	swait.ge [sflag:s29], $0x1  }
0xb4: {  	[sflag:s29] =	ssyncadd.s32 $0xFFFFFFFF  }
0xb5: {  	_ =	strace $0x9000004B  }
0xb6: {  	_ =	sfence  }
0xb7: {  	s30 =	sld [smem:$0x0];
	_ =	sdelay $0x2  }
0xb8: {  	s31 =	sshll.u32 s1, $0xD;
	s1 =	sshrl.u32 s1, $0x2  }
0xb9: {  	s3 =	sand.u32 $0x4000, s31;
	s1 =	sadd.s32 s1, s30  }
0xba: {  	s0 =	sor.u32 s3, s0;
	s1 =	sshll.u32 s1, $0x11  }
0xbb: {  	s0 =	sor.u32 s1, s0  }
0xbc: {  	s0 =	sadd.s32 $0x8F2B, s0  }
0xbd: {  	[sflag:s0] =	ssyncadd.remote.s32 $0x1  }
0xbe: {  	_ =	sfence.sel $0xFFFF  }
0xbf: {  	[dreg:$0x0] =	wrdreg $0xFFFFFFFF;
	(pc) =	sbr.abs _section_cstart, $3  }
0xc0: {  	[dreg:$0x1] =	wrdreg $0xFFFFFFFF  }
0xc1: {  	_ =	task.clear_ibuf [dreg:s6], $0x2FFFF;
	_ =	strace $0x9FFFFFFF  }
0xc2: {  	(tm) =	ssettm $0x7FFFFFFF  }
0xc3: {  	_ =	shalt  }
tec
execute0_lowered:
.L_overlay_start_1:
0x0: {  	(tag) =	ssettag $0x1  }
0x1: {  	s1 =	srdreg.scid;
	s0 =	stileid.u32  }
0x2: {  	s20 =	rddreg [dreg:$0x0];
	s18 =	sand.u32 $0x1, s1;
	s4 =	sshll.u32 s0, $0x1  }
0x3: {  	s2 =	rddreg [dreg:$0x1];
	s3 =	simm.s32 $0x0;
	s4 =	sor.u32 s18, s4  }
0x4: {  	s7 =	simm.s32 $0x30;
	[smem:$0x7FF] =	sst s3;
	s5 =	sshll.u32 s4, $0x7  }
0x5: {  	s1 =	rddreg [dreg:$0x2];
	_ =	strace $0x8000004A;
	s28 =	sadd.s32 s5, s20  }
0x6: {  	s6 =	smul.u32 $0x2800, s4;
	s4 =	simm.s32 $0x1;
	s5 =	sadd.s32 $0xCB800, s28  }
0x7: {  	[tilespmem:s3], [sflag:$0x1] =	stream.linear.gather [hbm4b:s5+s3], $0x400, $0x38;
	[tilespmem:$0xF400] =	vst v63  }
0x8: {  	s8 =	simm.s32 $0x80;
	s9 =	simm.s32 $0x400;
	_ =	swait.ge [sflag:s4], $0x400  }
0x9: {  	s10 =	smul.u32 $0x7800, s0;
	s6 =	sadd.s32 s6, s20;
	[sflag:s4] =	ssyncset.done $0x0  }
0xa: {  	s29 =	sshll.u32 s0, $0x6;
	s6 =	sadd.s32 $0x5600, s6;
	[sflag:s4] =	ssyncadd.s32 $0xFFFFFC00  }
0xb: {  	[tilespmem:s9], [sflag:$0x1] =	stream.strided.gather [hbm4b:s6+s7], $0x7800, s8, s7, $0x38;
	[tilespmem:$0xF400] =	vst v63  }
0xc: {  	s11 =	sshrl.u32 s10, $0x3;
	s12 =	sadd.s32 s10, s2;
	_ =	swait.ge [sflag:s4], $0x7800  }
0xd: {  	s11 =	sadd.s32 s11, s20;
	s12 =	sshrl.u32 s12, $0x3;
	[sflag:s4] =	ssyncset.done $0x0  }
0xe: {  	s10 =	sadd.s32 $0x55600, s11;
	s11 =	sor.u32 $0x1C01, s29;
	[sflag:s4] =	ssyncadd.s32 $0xFFFF8800  }
0xf: {  	[spmem:s12], [sflag:s11] =	dma.local [hbm:s10], $0xF00  }
0x10: {  	_ =	swait.ge [sflag:s4], $0xF00  }
0x11: {  	[sflag:s4] =	ssyncset.done $0x0  }
0x12: {  	[sflag:s4] =	ssyncadd.s32 $0xFFFFF100  }
0x13: {  	[bflag:$0x0] =	sbarrier.arrive $0xFFFF  }
0x14: {  	[spmem:s2] =	stream.indirect.scatter.add.f32 [tilespmem:s9], [sflag:$0x1], $0x30, s3, s8, $0xb8;
	[tilespmem:$0xF400] =	vst v63  }
0x15: {  	_ =	swait.ge [sflag:s4], $0x1800  }
0x16: {  	[sflag:s4] =	ssyncset.done $0x0  }
0x17: {  	s13 =	simm.s32 $0x1C00;
	[sflag:s4] =	ssyncadd.s32 $0xFFFFE800  }
0x18: {  	[spmem:s2] =	stream.indirect.scatter.add.f32 [tilespmem:s13], [sflag:$0x1], $0x30, s8, s8, $0xb8;
	[tilespmem:$0xF400] =	vst v63  }
0x19: {  	_ =	swait.ge [sflag:s4], $0x1800  }
0x1a: {  	[sflag:s4] =	ssyncset.done $0x0  }
0x1b: {  	s14 =	simm.s32 $0x100;
	s15 =	simm.s32 $0x3400;
	[sflag:s4] =	ssyncadd.s32 $0xFFFFE800  }
0x1c: {  	[spmem:s2] =	stream.indirect.scatter.add.f32 [tilespmem:s15], [sflag:$0x1], $0x30, s14, s8, $0xb8;
	[tilespmem:$0xF400] =	vst v63  }
0x1d: {  	_ =	swait.ge [sflag:s4], $0x1800  }
0x1e: {  	s16 =	simm.s32 $0x180;
	[sflag:s4] =	ssyncset.done $0x0  }
0x1f: {  	s17 =	simm.s32 $0x4C00;
	s19 =	simm.s32 $0x6400;
	[sflag:s4] =	ssyncadd.s32 $0xFFFFE800  }
0x20: {  	[spmem:s2] =	stream.indirect.scatter.add.f32 [tilespmem:s17], [sflag:$0x1], $0x30, s16, s8, $0xb8;
	[tilespmem:$0xF400] =	vst v63  }
0x21: {  	s22 =	smul.u32 $0x2800, s0;
	s23 =	ssub.s32 $0x2, s18;
	_ =	swait.ge [sflag:s4], $0x1800  }
0x22: {  	s21 =	smul.u32 $0x28000, s18;
	s30 =	sshrl.u32 s23, $0x1;
	[sflag:s4] =	ssyncset.done $0x0  }
0x23: {  	s18 =	simm.s32 $0x200;
	s31 =	ssub.s32 s23, s30;
	[sflag:s4] =	ssyncadd.s32 $0xFFFFE800  }
0x24: {  	[spmem:s2] =	stream.indirect.scatter.add.f32 [tilespmem:s19], [sflag:$0x1], $0x30, s18, s8, $0xb8;
	[tilespmem:$0xF400] =	vst v63  }
0x25: {  	s21 =	sadd.s32 s22, s21;
	s23 =	smax.u32 s31, $0x1;
	_ =	swait.ge [sflag:s4], $0x1800  }
0x26: {  	s22 =	simm.s32 $0x6;
	p0 =	sne.s32 s23, $0x1;
	[sflag:s4] =	ssyncset.done $0x0  }
.Ltmp0:
0x27: {  	s20 =	sadd.s32 s21, s20;
	[sflag:s4] =	ssyncadd.s32 $0xFFFFE800;
	(pc) =	sbr.rel @!p0 .LBB2_2-.Ltmp0, $4  }
0x28: {  	s21 =	simm.s32 $0x10;
	s20 =	sadd.s32 $0xCC800, s20;
	[bflag:$0x0] =	sbarrier.arrive $0xFFFF  }
0x29: {  	[hbm:s20@s21], [sflag:s11] =	dma.strided [spmem:s12@s22], $0xF00, s4, $0x6   }
0x2a: {  	_ =	swait.ge [sflag:s4], $0xF00  }
0x2b: {  	s23 =	sadd.s32 $0xFFFFFFFF, s23;
	[sflag:s4] =	ssyncset.done $0x0  }
.LBB2_1:
0x2c: {  	p0 =	sne.s32 s23, $0x1;
	s23 =	sadd.s32 $0xFFFFFFFF, s23;
	[sflag:s4] =	ssyncadd.s32 $0xFFFFF100  }
0x2d: {  	[tilespmem:s3], [sflag:$0x1] =	stream.linear.gather [hbm4b:s5+s3], $0x400, $0x38;
	[tilespmem:$0xF400] =	vst v63  }
0x2e: {  	_ =	swait.ge [sflag:s4], $0x400  }
0x2f: {  	[sflag:s4] =	ssyncset.done $0x0  }
0x30: {  	[sflag:s4] =	ssyncadd.s32 $0xFFFFFC00  }
0x31: {  	[tilespmem:s9], [sflag:$0x1] =	stream.strided.gather [hbm4b:s6+s7], $0x7800, s8, s7, $0x38;
	[tilespmem:$0xF400] =	vst v63  }
0x32: {  	_ =	swait.ge [sflag:s4], $0x7800  }
0x33: {  	[sflag:s4] =	ssyncset.done $0x0  }
0x34: {  	[sflag:s4] =	ssyncadd.s32 $0xFFFF8800  }
0x35: {  	[spmem:s12], [sflag:s11] =	dma.local [hbm:s10], $0xF00  }
0x36: {  	_ =	swait.ge [sflag:s4], $0xF00  }
0x37: {  	[sflag:s4] =	ssyncset.done $0x0  }
0x38: {  	[sflag:s4] =	ssyncadd.s32 $0xFFFFF100  }
0x39: {  	[bflag:$0x0] =	sbarrier.arrive $0xFFFF  }
0x3a: {  	[spmem:s2] =	stream.indirect.scatter.add.f32 [tilespmem:s9], [sflag:$0x1], $0x30, s3, s8, $0xb8;
	[tilespmem:$0xF400] =	vst v63  }
0x3b: {  	_ =	swait.ge [sflag:s4], $0x1800  }
0x3c: {  	[sflag:s4] =	ssyncset.done $0x0  }
0x3d: {  	[sflag:s4] =	ssyncadd.s32 $0xFFFFE800  }
0x3e: {  	[spmem:s2] =	stream.indirect.scatter.add.f32 [tilespmem:s13], [sflag:$0x1], $0x30, s8, s8, $0xb8;
	[tilespmem:$0xF400] =	vst v63  }
0x3f: {  	_ =	swait.ge [sflag:s4], $0x1800  }
0x40: {  	[sflag:s4] =	ssyncset.done $0x0  }
0x41: {  	[sflag:s4] =	ssyncadd.s32 $0xFFFFE800  }
0x42: {  	[spmem:s2] =	stream.indirect.scatter.add.f32 [tilespmem:s15], [sflag:$0x1], $0x30, s14, s8, $0xb8;
	[tilespmem:$0xF400] =	vst v63  }
0x43: {  	_ =	swait.ge [sflag:s4], $0x1800  }
0x44: {  	[sflag:s4] =	ssyncset.done $0x0  }
0x45: {  	[sflag:s4] =	ssyncadd.s32 $0xFFFFE800  }
0x46: {  	[spmem:s2] =	stream.indirect.scatter.add.f32 [tilespmem:s17], [sflag:$0x1], $0x30, s16, s8, $0xb8;
	[tilespmem:$0xF400] =	vst v63  }
0x47: {  	_ =	swait.ge [sflag:s4], $0x1800  }
0x48: {  	[sflag:s4] =	ssyncset.done $0x0  }
0x49: {  	[sflag:s4] =	ssyncadd.s32 $0xFFFFE800  }
0x4a: {  	[spmem:s2] =	stream.indirect.scatter.add.f32 [tilespmem:s19], [sflag:$0x1], $0x30, s18, s8, $0xb8;
	[tilespmem:$0xF400] =	vst v63  }
0x4b: {  	_ =	swait.ge [sflag:s4], $0x1800  }
0x4c: {  	[sflag:s4] =	ssyncset.done $0x0  }
.Ltmp1:
0x4d: {  	[sflag:s4] =	ssyncadd.s32 $0xFFFFE800;
	(pc) =	sbr.rel @p0 .LBB2_1-.Ltmp1, $4  }
0x4e: {  	[bflag:$0x0] =	sbarrier.arrive $0xFFFF  }
0x4f: {  	[hbm:s20@s21], [sflag:s11] =	dma.strided [spmem:s12@s22], $0xF00, s4, $0x6   }
0x50: {  	_ =	swait.ge [sflag:s4], $0xF00  }
0x51: {  	[sflag:s4] =	ssyncset.done $0x0  }
.LBB2_2:
0x52: {  	[sflag:s4] =	ssyncadd.s32 $0xFFFFF100  }
0x53: {  	_ =	sfence.sel $0x180000  }
0x54: {  	[bflag:$0x0] =	sbarrier.arrive $0xFFFF  }
0x55: {  	p0 =	sne.s32 s0, $0x0;
	_ =	strace $0x9000004A  }
0x56: {  	s0 =	sadd.s32 @!p0 $0x100000, s1;
	[bflag:$0x2] =	sbarrier.arrive $0xFFFF  }
0x57: {  	[sflag:s0] =	ssyncadd.tile.s32 @!p0 $0x1;
	_ =	shalt  }
.Lfunc_end2:
_tile_overlayer_lowered:
.L_overlay_start_2:
0x58: {  	(tag) =	ssettag $0x2  }
0x59: {  	s0 =	rddreg [dreg:$0x0];
	s2 =	stileid.u32  }
0x5a: {  	s1 =	rddreg [dreg:$0x1];
	p0 =	sne.s32 s2, $0x0  }
0x5b: {  	s3 =	rddreg [dreg:$0x2];
	[bflag:$0x3] =	sbarrier.arrive $0xFFFF;
	s2 =	simm.s32 @!p0 $0x1C01  }
0x5c: {  	[timem:s3], [sflag:s2] =	dma.local @!p0 [hbm:s0], s1  }
0x5d: {  	s0 =	simm.s32 @!p0 $0x1  }
0x5e: {  	_ =	swait.ge @!p0 [sflag:s0], s1  }
0x5f: {  	s1 =	ssub.s32 @!p0 $0x0, s1;
	[sflag:s0] =	ssyncset.done @!p0 $0x0  }
0x60: {  	[sflag:s0] =	ssyncadd.s32 @!p0 s1  }
0x61: {  	[bflag:$0x3] =	sbarrier.arrive $0xFFFF  }
0x62: {  	_ =	shalt  }

// kernel: kernel.16.cloned.1.call-start
scs
__scs_entry_jumppad:
0x0: {  	(pc) =	sbr.rel $0x88, $3  }
0x1: {  	(tag) =	ssettag $0x0;
	lr =	simm.s32 $0x1  }
0x2: {  	[smem:$0x3F89] =	sst lr;
	_ =	strace $0xD0000000  }
0x3: {  	_ = 	snop  }
0x4: {  	_ = 	snop  }
0x5: {  	_ = 	snop  }
0x6: {  	_ = 	snop  }
0x7: {  	_ = 	snop  }
__scs_overlays_trampoline_lowered:
0x8: {  	[smem:$0x3F98] =	sst s0  }
0x9: {  	[smem:$0x3F99] =	sst s1  }
0xa: {  	[smem:$0x3F9A] =	sst s2  }
0xb: {  	[smem:$0x3F9B] =	sst s3  }
0xc: {  	[smem:$0x3F9C] =	sst s4  }
0xd: {  	[smem:$0x3F9D] =	sst s5  }
0xe: {  	[smem:$0x3F9E] =	sst s6  }
0xf: {  	[smem:$0x3F9F] =	sst s7  }
0x10: {  	[smem:$0x3FA0] =	sst s8  }
0x11: {  	[smem:$0x3FA1] =	sst s9;
	s0 =	simm.s32 @!p0 $0x0  }
0x12: {  	s1 =	sld [smem:$0x3F87];
	s0 =	simm.s32 @p0 $0x1  }
0x13: {  	[smem:$0x3FA2] =	sst s0;
	s0 =	simm.s32 @!p1 $0x0  }
0x14: {  	s2 =	sld [smem:$0x3F86];
	s0 =	simm.s32 @p1 $0x1  }
0x15: {  	[smem:$0x3FA3] =	sst s0;
	s0 =	simm.s32 @!p2 $0x0  }
0x16: {  	s3 =	sld [smem:$0x3FDB];
	s0 =	simm.s32 @p2 $0x1  }
0x17: {  	s4 =	simm.s32 $0x1BF5;
	[smem:$0x3FA5] =	sst s0  }
0x18: {  	s0 =	sld [smem:$0x3F88];
	_ =	swait.ge [sflag:s4], $0x0  }
0x19: {  	s7 =	sld [smem:$0x3F89]  }
0x1a: {  	s8 =	sadd.s32 $0xFFFFE003, lr  }
0x1b: {  	s9 =	sadd.s32 $0xFFFFFEF7, lr;
	s5 =	simm.s32 $0xFFFFFFFF;
	p2 =	slt.u32 s8, $0xFFFFF086  }
0x1c: {  	p1 =	slt.u32 s9, $0xF7A;
	s5 =	simm.s32 @!p2 $0x0  }
0x1d: {  	s5 =	simm.s32 @p1 $0x1;
	p0 =	seq.s32 s7, s2  }
0x1e: {  	s7 =	smul.u32 @!p0 $0xF7A, s2;
	p2 =	seq.s32 @!p0 s5, $0x0  }
0x1f: {  	s9 =	smul.u32 $0xF7A, s1;
	s8 =	simm.s32 @!p0 $0x1BF5;
	p2 =	por !p2, p0  }
0x20: {  	[sflag:s8] =	ssyncset.s32 @!p0 $0xFFFFF086;
	s6 =	sadd.s32 @!p0 s3, s7;
	s7 =	simm.s32 @!p0 $0x108  }
0x21: {  	s3 =	sadd.s32 s3, s9;
	s6 =	sadd.s32 @!p0 $0x88, s6;
	s7 =	simm.s32 @p2 $0x1082  }
0x22: {  	[simem:s7], [sflag:s8] =	dma.local @!p0 [hbm:s6], $0xF7A  }
0x23: {  	s9 =	sor.u32 $0xD0000000, s2;
	s6 =	simm.s32 $0x108;
	_ =	swait.ge @!p0 [sflag:s8], $0x0  }
0x24: {  	s3 =	sadd.s32 $0x88, s3;
	s6 =	simm.s32 @!p1 $0x1082;
	[sflag:s4] =	ssyncset.s32 $0xFFFFF086  }
0x25: {  	[simem:s6], [sflag:s4] =	dma.local [hbm:s3], $0xF7A  }
0x26: {  	[smem:$0x3F89] =	sst s1;
	(tag) =	ssettag s2;
	_ =	strace s9  }
0x27: {  	s1 =	sld [smem:$0x3F99]  }
0x28: {  	s2 =	sld [smem:$0x3F9A]  }
0x29: {  	s4 =	sld [smem:$0x3F9C]  }
0x2a: {  	p0 =	seq.s32 s5, $0x0;
	s5 =	sld [smem:$0x3F9D]  }
0x2b: {  	s6 =	sld [smem:$0x3F9E]  }
0x2c: {  	s7 =	sld [smem:$0x3F9F]  }
0x2d: {  	s3 =	simm.s32 $0x108;
	s8 =	sld [smem:$0x3FA0]  }
0x2e: {  	s3 =	simm.s32 @!p0 $0x1082;
	s9 =	sld [smem:$0x3FA1]  }
0x2f: {  	lr =	sadd.s32 s0, s3;
	s0 =	sld [smem:$0x3F98]  }
0x30: {  	s3 =	sld [smem:$0x3F9B]  }
0x31: {  	[smem:$0x3FA4] =	sst s10  }
0x32: {  	s10 =	sld [smem:$0x3FA2];
	_ =	sdelay $0x3  }
0x33: {  	p0 =	seq.s32 s10, $0x1;
	s10 =	sld [smem:$0x3FA4];
	_ =	sdelay $0x3  }
0x34: {  	[smem:$0x3FA4] =	sst s10  }
0x35: {  	s10 =	sld [smem:$0x3FA3];
	_ =	sdelay $0x3  }
0x36: {  	p1 =	seq.s32 s10, $0x1;
	s10 =	sld [smem:$0x3FA4];
	_ =	sdelay $0x3  }
0x37: {  	[smem:$0x3FA4] =	sst s10  }
0x38: {  	s10 =	sld [smem:$0x3FA5]  }
0x39: {  	_ = 	snop;
	(pc) =	sbr.ind lr, $3  }
0x3a: {  	_ = 	snop  }
0x3b: {  	_ = 	snop  }
0x3c: {  	p2 =	seq.s32 s10, $0x1;
	s10 =	sld [smem:$0x3FA4]  }
0x3d: {  	_ =	shalt  }
0x3e: {  	_ =	shalt  }
0x3f: {  	_ =	shalt  }
0x40: {  	_ =	shalt  }
0x41: {  	_ =	shalt  }
0x42: {  	_ =	shalt  }
0x43: {  	_ =	shalt  }
0x44: {  	_ =	shalt  }
0x45: {  	_ =	shalt  }
0x46: {  	_ =	shalt  }
0x47: {  	_ =	shalt  }
0x48: {  	_ =	shalt  }
0x49: {  	_ =	shalt  }
0x4a: {  	_ =	shalt  }
0x4b: {  	_ =	shalt  }
0x4c: {  	_ =	shalt  }
0x4d: {  	_ =	shalt  }
0x4e: {  	_ =	shalt  }
0x4f: {  	_ =	shalt  }
0x50: {  	_ =	shalt  }
0x51: {  	_ =	shalt  }
0x52: {  	_ =	shalt  }
0x53: {  	_ =	shalt  }
0x54: {  	_ =	shalt  }
0x55: {  	_ =	shalt  }
0x56: {  	_ =	shalt  }
0x57: {  	_ =	shalt  }
0x58: {  	_ =	shalt  }
0x59: {  	_ =	shalt  }
0x5a: {  	_ =	shalt  }
0x5b: {  	_ =	shalt  }
0x5c: {  	_ =	shalt  }
0x5d: {  	_ =	shalt  }
0x5e: {  	_ =	shalt  }
0x5f: {  	_ =	shalt  }
0x60: {  	_ =	shalt  }
0x61: {  	_ =	shalt  }
0x62: {  	_ =	shalt  }
0x63: {  	_ =	shalt  }
0x64: {  	_ =	shalt  }
0x65: {  	_ =	shalt  }
0x66: {  	_ =	shalt  }
0x67: {  	_ =	shalt  }
0x68: {  	_ =	shalt  }
0x69: {  	_ =	shalt  }
0x6a: {  	_ =	shalt  }
0x6b: {  	_ =	shalt  }
0x6c: {  	_ =	shalt  }
0x6d: {  	_ =	shalt  }
0x6e: {  	_ =	shalt  }
0x6f: {  	_ =	shalt  }
0x70: {  	_ =	shalt  }
0x71: {  	_ =	shalt  }
0x72: {  	_ =	shalt  }
0x73: {  	_ =	shalt  }
0x74: {  	_ =	shalt  }
0x75: {  	_ =	shalt  }
0x76: {  	_ =	shalt  }
0x77: {  	_ =	shalt  }
0x78: {  	_ =	shalt  }
0x79: {  	_ =	shalt  }
0x7a: {  	_ =	shalt  }
0x7b: {  	_ =	shalt  }
0x7c: {  	_ =	shalt  }
0x7d: {  	_ =	shalt  }
0x7e: {  	_ =	shalt  }
0x7f: {  	_ =	shalt  }
0x80: {  	_ =	shalt  }
0x81: {  	_ =	shalt  }
0x82: {  	_ =	shalt  }
0x83: {  	_ =	shalt  }
0x84: {  	_ =	shalt  }
0x85: {  	_ =	shalt  }
0x86: {  	_ =	shalt  }
0x87: {  	_ =	shalt  }
.Lfunc_end0:
.L_simem_size_0:
called_computation.2_lowered:
.L_overlay_start_0:
0x88: {  	s2 =	sld [smem:$0x3FD9]  }
0x89: {  	s3 =	sld [smem:$0x3FFE];
	_ =	sdelay $0x1  }
0x8a: {  	s1 =	srdreg.scid  }
0x8b: {  	s0 =	sand.u32 $0x1, s1  }
0x8c: {  	s16 =	sshll.u32 s0, $0xA;
	s2 =	sadd.s32 s3, s2  }
0x8d: {  	s2 =	sadd.s32 s2, s16  }
0x8e: {  	[smem:$0x3FB0] =	sst s2  }
0x8f: {  	_ = 	snop  }
0x90: {  	(tm) =	ssettm $0x1  }
0x91: {  	s17 =	sld [smem:$0x3FFB];
	_ =	sdelay $0x3  }
0x92: {  	_ =	strace s17  }
0x93: {  	s2 =	sld [smem:$0x3FFC];
	_ =	sdelay $0x3  }
0x94: {  	_ =	strace s2  }
0x95: {  	s2 =	sld [smem:$0x3FFD];
	_ =	sdelay $0x3  }
0x96: {  	_ =	strace s2  }
0x97: {  	_ =	strace $0x8FFFFFFF  }
0x98: {  	s18 =	sld [smem:$0x3FDB];
	_ =	sdelay $0x1  }
0x99: {  	s19 =	simm.s32 $_scs_section_size  }
0x9a: {  	s4 =	simm.s32 $_size__tile_overlayer_lowered;
	s5 =	simm.s32 $_tile_overlayer_lowered  }
0x9b: {  	s22 =	simm.s32 $0x1BFF;
	s21 =	sshll.u32 s5, $0x1;
	s2 =	sadd.s32 s19, s18  }
0x9c: {  	s6 =	simm.s32 $0x0;
	s20 =	sshll.u32 s4, $0x1;
	s4 =	sadd.s32 s21, s2  }
0x9d: {  	[timem:s6], [sflag:s22] =	dma.local [hbm:s4], s20  }
0x9e: {  	_ =	swait.ge [sflag:s22], s20  }
0x9f: {  	s3 =	ssub.s32 $0x0, s20;
	[sflag:s22] =	ssyncset.done $0x0  }
0xa0: {  	[sflag:s22] =	ssyncadd.s32 s3;
	_ =	sdelay $0x1  }
0xa1: {  	s23 =	simm.s32 $0x1B8B  }
0xa2: {  	_ =	swait.ge [sflag:s23], $0x1  }
0xa3: {  	[sflag:s23] =	ssyncset.done $0x0  }
0xa4: {  	s25 =	simm.s32 $0x1B8E;
	s24 =	sld [smem:$0x3FFE];
	[sflag:s23] =	ssyncadd.s32 $0xFFFFFFFF  }
0xa5: {  	s26 =	simm.s32 $execute0_lowered;
	[smem:$0x3FD2] =	sst s25  }
0xa6: {  	s4 =	sshll.u32 s26, $0x1;
	_ =	strace $0x8000004C;
	[dreg:$0x1] =	wrdreg $0xFFFFFFFF  }
0xa7: {  	s28 =	simm.s32 $_size_execute0_lowered;
	s2 =	sadd.s32 s2, s4;
	[dreg:$0x0] =	wrdreg $0x0  }
0xa8: {  	s4 =	sshll.u32 s28, $0x1;
	[dreg:$0x2] =	wrdreg s2  }
0xa9: {  	[dreg:$0x3] =	wrdreg s4  }
0xaa: {  	[dreg:$0x4] =	wrdreg $0xC0  }
0xab: {  	_ =	task [dreg:s6], $0x5FFFF  }
0xac: {  	[dreg:$0x1] =	wrdreg $0xFFFFFFFF  }
0xad: {  	[dreg:$0x0] =	wrdreg $0x60  }
0xae: {  	[dreg:$0x2] =	wrdreg s24  }
0xaf: {  	[dreg:$0x3] =	wrdreg $0x9  }
0xb0: {  	_ =	task.clear_ibuf [dreg:s6], $0x4FFFF;
	_ =	strace $0x9000004C  }
0xb1: {  	s29 =	simm.s32 $0x9;
	_ =	strace $0x8000004E  }
0xb2: {  	_ =	swait.ge [sflag:s29], $0x1  }
0xb3: {  	[sflag:s29] =	ssyncadd.s32 $0xFFFFFFFF  }
0xb4: {  	_ =	strace $0x9000004E  }
0xb5: {  	_ =	sfence  }
0xb6: {  	s30 =	sld [smem:$0x0];
	_ =	sdelay $0x2  }
0xb7: {  	s31 =	sshll.u32 s1, $0xD;
	s1 =	sshrl.u32 s1, $0x2  }
0xb8: {  	s3 =	sand.u32 $0x4000, s31;
	s1 =	sadd.s32 s1, s30  }
0xb9: {  	s0 =	sor.u32 s3, s0;
	s1 =	sshll.u32 s1, $0x11  }
0xba: {  	s0 =	sor.u32 s1, s0  }
0xbb: {  	s0 =	sadd.s32 $0x8F2B, s0  }
0xbc: {  	[sflag:s0] =	ssyncadd.remote.s32 $0x1  }
0xbd: {  	_ =	sfence.sel $0xFFFF  }
0xbe: {  	[dreg:$0x0] =	wrdreg $0xFFFFFFFF;
	(pc) =	sbr.abs _section_cstart, $3  }
0xbf: {  	[dreg:$0x1] =	wrdreg $0xFFFFFFFF  }
0xc0: {  	_ =	task.clear_ibuf [dreg:s6], $0x2FFFF;
	_ =	strace $0x9FFFFFFF  }
0xc1: {  	(tm) =	ssettm $0x7FFFFFFF  }
tec
execute0_lowered:
.L_overlay_start_1:
0x0: {  	(tag) =	ssettag $0x1  }
0x1: {  	s1 =	srdreg.scid;
	s0 =	stileid.u32  }
0x2: {  	s16 =	sand.u32 $0x1, s1;
	s29 =	sshll.u32 s0, $0x1  }
0x3: {  	s17 =	rddreg [dreg:$0x0];
	s18 =	sor.u32 s16, s29  }
0x4: {  	s2 =	simm.s32 $0x0;
	s1 =	rddreg [dreg:$0x1];
	s3 =	sshll.u32 s18, $0x7  }
0x5: {  	[smem:$0x7FF] =	sst s2;
	s3 =	sadd.s32 s3, s17  }
0x6: {  	_ =	strace $0x8000004D;
	s4 =	sadd.s32 $0x4600, s3;
	s3 =	simm.s32 $0x2  }
0x7: {  	[tilespmem:s2], [sflag:$0x2] =	stream.linear.gather [hbm4b:s4+s2], $0x400, $0x38;
	[tilespmem:$0x14400] =	vst v63  }
0x8: {  	_ =	swait.ge [sflag:s3], $0x400  }
0x9: {  	s6 =	simm.s32 $0x80;
	[sflag:s3] =	ssyncset.done $0x0  }
0xa: {  	s7 =	simm.s32 $0x400;
	s5 =	sadd.s32 $0x5600, s17;
	[sflag:s3] =	ssyncadd.s32 $0xFFFFFC00  }
0xb: {  	[tilespmem:s7], [sflag:$0x1] =	stream.indirect.gather [hbm4b:s5+s6], $0x80, s2, s6, $0xb8;
	[tilespmem:$0x14400] =	vst v63  }
0xc: {  	s8 =	simm.s32 $0x4400  }
0xd: {  	[tilespmem:s8], [sflag:$0x1] =	stream.indirect.gather [hbm4b:s5+s6], $0x80, s6, s6, $0xb8;
	[tilespmem:$0x14400] =	vst v63  }
0xe: {  	s9 =	simm.s32 $0x100;
	s10 =	simm.s32 $0x8400  }
0xf: {  	[tilespmem:s10], [sflag:$0x1] =	stream.indirect.gather [hbm4b:s5+s6], $0x80, s9, s6, $0xb8;
	[tilespmem:$0x14400] =	vst v63  }
0x10: {  	s11 =	simm.s32 $0x180;
	s12 =	simm.s32 $0xC400  }
0x11: {  	[tilespmem:s12], [sflag:$0x1] =	stream.indirect.gather [hbm4b:s5+s6], $0x80, s11, s6, $0xb8;
	[tilespmem:$0x14400] =	vst v63  }
0x12: {  	s13 =	simm.s32 $0x200;
	s14 =	simm.s32 $0x10400;
	s15 =	simm.s32 $0x1  }
0x13: {  	[tilespmem:s14], [sflag:$0x1] =	stream.indirect.gather [hbm4b:s5+s6], $0x80, s13, s6, $0xb8;
	[tilespmem:$0x14400] =	vst v63  }
0x14: {  	_ =	swait.ge [sflag:s15], $0x4000  }
0x15: {  	[sflag:s15] =	ssyncset.done $0x0  }
0x16: {  	[sflag:s15] =	ssyncadd.s32 $0xFFFFC000  }
0x17: {  	_ =	swait.ge [sflag:s15], $0x4000  }
0x18: {  	[sflag:s15] =	ssyncset.done $0x0  }
0x19: {  	[sflag:s15] =	ssyncadd.s32 $0xFFFFC000  }
0x1a: {  	_ =	swait.ge [sflag:s15], $0x4000  }
0x1b: {  	[sflag:s15] =	ssyncset.done $0x0  }
0x1c: {  	s16 =	ssub.s32 $0x2, s16;
	[sflag:s15] =	ssyncadd.s32 $0xFFFFC000  }
0x1d: {  	s19 =	sshrl.u32 s16, $0x1;
	_ =	swait.ge [sflag:s15], $0x4000  }
0x1e: {  	s30 =	ssub.s32 s16, s19;
	[sflag:s15] =	ssyncset.done $0x0  }
0x1f: {  	s18 =	smul.u32 $0x2800, s18;
	s31 =	smax.u32 s30, $0x1;
	[sflag:s15] =	ssyncadd.s32 $0xFFFFC000  }
0x20: {  	p0 =	sne.s32 s31, $0x1;
	_ =	swait.ge [sflag:s15], $0x4000  }
.Ltmp0:
0x21: {  	s17 =	sadd.s32 s18, s17;
	[sflag:s15] =	ssyncset.done $0x0;
	(pc) =	sbr.rel @!p0 .LBB2_2-.Ltmp0, $4  }
0x22: {  	s16 =	sadd.s32 $0xCC800, s17;
	[sflag:s15] =	ssyncadd.s32 $0xFFFFC000  }
0x23: {  	[hbm4b:s16+s2] =	stream.linear.scatter [tilespmem:s7], [sflag:$0x2], $0x14000, $0x38;
	[tilespmem:$0x14400] =	vst v63  }
0x24: {  	_ =	swait.ge [sflag:s3], $0x14000  }
0x25: {  	s17 =	sadd.s32 $0xFFFFFFFF, s31;
	[sflag:s3] =	ssyncset.done $0x0  }
.LBB2_1:
0x26: {  	p0 =	sne.s32 s17, $0x1;
	s17 =	sadd.s32 $0xFFFFFFFF, s17;
	[sflag:s3] =	ssyncadd.s32 $0xFFFEC000  }
0x27: {  	[tilespmem:s2], [sflag:$0x2] =	stream.linear.gather [hbm4b:s4+s2], $0x400, $0x38;
	[tilespmem:$0x14400] =	vst v63  }
0x28: {  	_ =	swait.ge [sflag:s3], $0x400  }
0x29: {  	[sflag:s3] =	ssyncset.done $0x0  }
0x2a: {  	[sflag:s3] =	ssyncadd.s32 $0xFFFFFC00  }
0x2b: {  	[tilespmem:s7], [sflag:$0x1] =	stream.indirect.gather [hbm4b:s5+s6], $0x80, s2, s6, $0xb8;
	[tilespmem:$0x14400] =	vst v63  }
0x2c: {  	_ = 	snop  }
0x2d: {  	[tilespmem:s8], [sflag:$0x1] =	stream.indirect.gather [hbm4b:s5+s6], $0x80, s6, s6, $0xb8;
	[tilespmem:$0x14400] =	vst v63  }
0x2e: {  	_ = 	snop  }
0x2f: {  	[tilespmem:s10], [sflag:$0x1] =	stream.indirect.gather [hbm4b:s5+s6], $0x80, s9, s6, $0xb8;
	[tilespmem:$0x14400] =	vst v63  }
0x30: {  	_ = 	snop  }
0x31: {  	[tilespmem:s12], [sflag:$0x1] =	stream.indirect.gather [hbm4b:s5+s6], $0x80, s11, s6, $0xb8;
	[tilespmem:$0x14400] =	vst v63  }
0x32: {  	_ = 	snop  }
0x33: {  	[tilespmem:s14], [sflag:$0x1] =	stream.indirect.gather [hbm4b:s5+s6], $0x80, s13, s6, $0xb8;
	[tilespmem:$0x14400] =	vst v63  }
0x34: {  	_ =	swait.ge [sflag:s15], $0x4000  }
0x35: {  	[sflag:s15] =	ssyncset.done $0x0  }
0x36: {  	[sflag:s15] =	ssyncadd.s32 $0xFFFFC000  }
0x37: {  	_ =	swait.ge [sflag:s15], $0x4000  }
0x38: {  	[sflag:s15] =	ssyncset.done $0x0  }
0x39: {  	[sflag:s15] =	ssyncadd.s32 $0xFFFFC000  }
0x3a: {  	_ =	swait.ge [sflag:s15], $0x4000  }
0x3b: {  	[sflag:s15] =	ssyncset.done $0x0  }
0x3c: {  	[sflag:s15] =	ssyncadd.s32 $0xFFFFC000  }
0x3d: {  	_ =	swait.ge [sflag:s15], $0x4000  }
0x3e: {  	[sflag:s15] =	ssyncset.done $0x0  }
0x3f: {  	[sflag:s15] =	ssyncadd.s32 $0xFFFFC000  }
0x40: {  	_ =	swait.ge [sflag:s15], $0x4000  }
.Ltmp1:
0x41: {  	[sflag:s15] =	ssyncset.done $0x0;
	(pc) =	sbr.rel @p0 .LBB2_1-.Ltmp1, $4  }
0x42: {  	[sflag:s15] =	ssyncadd.s32 $0xFFFFC000  }
0x43: {  	[hbm4b:s16+s2] =	stream.linear.scatter [tilespmem:s7], [sflag:$0x2], $0x14000, $0x38;
	[tilespmem:$0x14400] =	vst v63  }
0x44: {  	_ =	swait.ge [sflag:s3], $0x14000  }
0x45: {  	[sflag:s3] =	ssyncset.done $0x0  }
.LBB2_2:
0x46: {  	[sflag:s3] =	ssyncadd.s32 $0xFFFEC000  }
0x47: {  	_ =	sfence.sel $0x180000  }
0x48: {  	[bflag:$0x0] =	sbarrier.arrive $0xFFFF  }
0x49: {  	p0 =	sne.s32 s0, $0x0;
	_ =	strace $0x9000004D  }
0x4a: {  	s0 =	sadd.s32 @!p0 $0x100000, s1;
	[bflag:$0x2] =	sbarrier.arrive $0xFFFF  }
0x4b: {  	[sflag:s0] =	ssyncadd.tile.s32 @!p0 $0x1;
	_ =	shalt  }
.Lfunc_end2:
_tile_overlayer_lowered:
.L_overlay_start_2:
0x4c: {  	(tag) =	ssettag $0x2  }
0x4d: {  	s0 =	rddreg [dreg:$0x0];
	s2 =	stileid.u32  }
0x4e: {  	s1 =	rddreg [dreg:$0x1];
	p0 =	sne.s32 s2, $0x0  }
0x4f: {  	s3 =	rddreg [dreg:$0x2];
	[bflag:$0x3] =	sbarrier.arrive $0xFFFF;
	s2 =	simm.s32 @!p0 $0x1C02  }
0x50: {  	[timem:s3], [sflag:s2] =	dma.local @!p0 [hbm:s0], s1  }
0x51: {  	s0 =	simm.s32 @!p0 $0x2  }
0x52: {  	_ =	swait.ge @!p0 [sflag:s0], s1  }
0x53: {  	s1 =	ssub.s32 @!p0 $0x0, s1;
	[sflag:s0] =	ssyncset.done @!p0 $0x0  }
0x54: {  	[sflag:s0] =	ssyncadd.s32 @!p0 s1  }
0x55: {  	[bflag:$0x3] =	sbarrier.arrive $0xFFFF  }
0x56: {  	_ =	shalt  }

// kernel: kernel.19.cloned.1.call-start
scs
__scs_entry_jumppad:
0x0: {  	(pc) =	sbr.rel $0x88, $3  }
0x1: {  	(tag) =	ssettag $0x0;
	lr =	simm.s32 $0x1  }
0x2: {  	[smem:$0x3F89] =	sst lr;
	_ =	strace $0xD0000000  }
0x3: {  	_ = 	snop  }
0x4: {  	_ = 	snop  }
0x5: {  	_ = 	snop  }
0x6: {  	_ = 	snop  }
0x7: {  	_ = 	snop  }
__scs_overlays_trampoline_lowered:
0x8: {  	[smem:$0x3F98] =	sst s0  }
0x9: {  	[smem:$0x3F99] =	sst s1  }
0xa: {  	[smem:$0x3F9A] =	sst s2  }
0xb: {  	[smem:$0x3F9B] =	sst s3  }
0xc: {  	[smem:$0x3F9C] =	sst s4  }
0xd: {  	[smem:$0x3F9D] =	sst s5  }
0xe: {  	[smem:$0x3F9E] =	sst s6  }
0xf: {  	[smem:$0x3F9F] =	sst s7  }
0x10: {  	[smem:$0x3FA0] =	sst s8  }
0x11: {  	[smem:$0x3FA1] =	sst s9;
	s0 =	simm.s32 @!p0 $0x0  }
0x12: {  	s1 =	sld [smem:$0x3F87];
	s0 =	simm.s32 @p0 $0x1  }
0x13: {  	[smem:$0x3FA2] =	sst s0;
	s0 =	simm.s32 @!p1 $0x0  }
0x14: {  	s2 =	sld [smem:$0x3F86];
	s0 =	simm.s32 @p1 $0x1  }
0x15: {  	[smem:$0x3FA3] =	sst s0;
	s0 =	simm.s32 @!p2 $0x0  }
0x16: {  	s3 =	sld [smem:$0x3FDB];
	s0 =	simm.s32 @p2 $0x1  }
0x17: {  	s4 =	simm.s32 $0x1BF5;
	[smem:$0x3FA5] =	sst s0  }
0x18: {  	s0 =	sld [smem:$0x3F88];
	_ =	swait.ge [sflag:s4], $0x0  }
0x19: {  	s7 =	sld [smem:$0x3F89]  }
0x1a: {  	s8 =	sadd.s32 $0xFFFFE003, lr  }
0x1b: {  	s9 =	sadd.s32 $0xFFFFFEF7, lr;
	s5 =	simm.s32 $0xFFFFFFFF;
	p2 =	slt.u32 s8, $0xFFFFF086  }
0x1c: {  	p1 =	slt.u32 s9, $0xF7A;
	s5 =	simm.s32 @!p2 $0x0  }
0x1d: {  	s5 =	simm.s32 @p1 $0x1;
	p0 =	seq.s32 s7, s2  }
0x1e: {  	s7 =	smul.u32 @!p0 $0xF7A, s2;
	p2 =	seq.s32 @!p0 s5, $0x0  }
0x1f: {  	s9 =	smul.u32 $0xF7A, s1;
	s8 =	simm.s32 @!p0 $0x1BF5;
	p2 =	por !p2, p0  }
0x20: {  	[sflag:s8] =	ssyncset.s32 @!p0 $0xFFFFF086;
	s6 =	sadd.s32 @!p0 s3, s7;
	s7 =	simm.s32 @!p0 $0x108  }
0x21: {  	s3 =	sadd.s32 s3, s9;
	s6 =	sadd.s32 @!p0 $0x88, s6;
	s7 =	simm.s32 @p2 $0x1082  }
0x22: {  	[simem:s7], [sflag:s8] =	dma.local @!p0 [hbm:s6], $0xF7A  }
0x23: {  	s9 =	sor.u32 $0xD0000000, s2;
	s6 =	simm.s32 $0x108;
	_ =	swait.ge @!p0 [sflag:s8], $0x0  }
0x24: {  	s3 =	sadd.s32 $0x88, s3;
	s6 =	simm.s32 @!p1 $0x1082;
	[sflag:s4] =	ssyncset.s32 $0xFFFFF086  }
0x25: {  	[simem:s6], [sflag:s4] =	dma.local [hbm:s3], $0xF7A  }
0x26: {  	[smem:$0x3F89] =	sst s1;
	(tag) =	ssettag s2;
	_ =	strace s9  }
0x27: {  	s1 =	sld [smem:$0x3F99]  }
0x28: {  	s2 =	sld [smem:$0x3F9A]  }
0x29: {  	s4 =	sld [smem:$0x3F9C]  }
0x2a: {  	p0 =	seq.s32 s5, $0x0;
	s5 =	sld [smem:$0x3F9D]  }
0x2b: {  	s6 =	sld [smem:$0x3F9E]  }
0x2c: {  	s7 =	sld [smem:$0x3F9F]  }
0x2d: {  	s3 =	simm.s32 $0x108;
	s8 =	sld [smem:$0x3FA0]  }
0x2e: {  	s3 =	simm.s32 @!p0 $0x1082;
	s9 =	sld [smem:$0x3FA1]  }
0x2f: {  	lr =	sadd.s32 s0, s3;
	s0 =	sld [smem:$0x3F98]  }
0x30: {  	s3 =	sld [smem:$0x3F9B]  }
0x31: {  	[smem:$0x3FA4] =	sst s10  }
0x32: {  	s10 =	sld [smem:$0x3FA2];
	_ =	sdelay $0x3  }
0x33: {  	p0 =	seq.s32 s10, $0x1;
	s10 =	sld [smem:$0x3FA4];
	_ =	sdelay $0x3  }
0x34: {  	[smem:$0x3FA4] =	sst s10  }
0x35: {  	s10 =	sld [smem:$0x3FA3];
	_ =	sdelay $0x3  }
0x36: {  	p1 =	seq.s32 s10, $0x1;
	s10 =	sld [smem:$0x3FA4];
	_ =	sdelay $0x3  }
0x37: {  	[smem:$0x3FA4] =	sst s10  }
0x38: {  	s10 =	sld [smem:$0x3FA5]  }
0x39: {  	_ = 	snop;
	(pc) =	sbr.ind lr, $3  }
0x3a: {  	_ = 	snop  }
0x3b: {  	_ = 	snop  }
0x3c: {  	p2 =	seq.s32 s10, $0x1;
	s10 =	sld [smem:$0x3FA4]  }
0x3d: {  	_ =	shalt  }
0x3e: {  	_ =	shalt  }
0x3f: {  	_ =	shalt  }
0x40: {  	_ =	shalt  }
0x41: {  	_ =	shalt  }
0x42: {  	_ =	shalt  }
0x43: {  	_ =	shalt  }
0x44: {  	_ =	shalt  }
0x45: {  	_ =	shalt  }
0x46: {  	_ =	shalt  }
0x47: {  	_ =	shalt  }
0x48: {  	_ =	shalt  }
0x49: {  	_ =	shalt  }
0x4a: {  	_ =	shalt  }
0x4b: {  	_ =	shalt  }
0x4c: {  	_ =	shalt  }
0x4d: {  	_ =	shalt  }
0x4e: {  	_ =	shalt  }
0x4f: {  	_ =	shalt  }
0x50: {  	_ =	shalt  }
0x51: {  	_ =	shalt  }
0x52: {  	_ =	shalt  }
0x53: {  	_ =	shalt  }
0x54: {  	_ =	shalt  }
0x55: {  	_ =	shalt  }
0x56: {  	_ =	shalt  }
0x57: {  	_ =	shalt  }
0x58: {  	_ =	shalt  }
0x59: {  	_ =	shalt  }
0x5a: {  	_ =	shalt  }
0x5b: {  	_ =	shalt  }
0x5c: {  	_ =	shalt  }
0x5d: {  	_ =	shalt  }
0x5e: {  	_ =	shalt  }
0x5f: {  	_ =	shalt  }
0x60: {  	_ =	shalt  }
0x61: {  	_ =	shalt  }
0x62: {  	_ =	shalt  }
0x63: {  	_ =	shalt  }
0x64: {  	_ =	shalt  }
0x65: {  	_ =	shalt  }
0x66: {  	_ =	shalt  }
0x67: {  	_ =	shalt  }
0x68: {  	_ =	shalt  }
0x69: {  	_ =	shalt  }
0x6a: {  	_ =	shalt  }
0x6b: {  	_ =	shalt  }
0x6c: {  	_ =	shalt  }
0x6d: {  	_ =	shalt  }
0x6e: {  	_ =	shalt  }
0x6f: {  	_ =	shalt  }
0x70: {  	_ =	shalt  }
0x71: {  	_ =	shalt  }
0x72: {  	_ =	shalt  }
0x73: {  	_ =	shalt  }
0x74: {  	_ =	shalt  }
0x75: {  	_ =	shalt  }
0x76: {  	_ =	shalt  }
0x77: {  	_ =	shalt  }
0x78: {  	_ =	shalt  }
0x79: {  	_ =	shalt  }
0x7a: {  	_ =	shalt  }
0x7b: {  	_ =	shalt  }
0x7c: {  	_ =	shalt  }
0x7d: {  	_ =	shalt  }
0x7e: {  	_ =	shalt  }
0x7f: {  	_ =	shalt  }
0x80: {  	_ =	shalt  }
0x81: {  	_ =	shalt  }
0x82: {  	_ =	shalt  }
0x83: {  	_ =	shalt  }
0x84: {  	_ =	shalt  }
0x85: {  	_ =	shalt  }
0x86: {  	_ =	shalt  }
0x87: {  	_ =	shalt  }
.Lfunc_end0:
.L_simem_size_0:
called_computation.3_lowered:
.L_overlay_start_0:
0x88: {  	s2 =	sld [smem:$0x3FD9]  }
0x89: {  	s3 =	sld [smem:$0x3FFE];
	_ =	sdelay $0x1  }
0x8a: {  	s1 =	srdreg.scid  }
0x8b: {  	s0 =	sand.u32 $0x1, s1  }
0x8c: {  	s16 =	sshll.u32 s0, $0xA;
	s2 =	sadd.s32 s3, s2  }
0x8d: {  	s2 =	sadd.s32 s2, s16  }
0x8e: {  	[smem:$0x3FB0] =	sst s2  }
0x8f: {  	_ = 	snop  }
0x90: {  	(tm) =	ssettm $0x1  }
0x91: {  	s17 =	sld [smem:$0x3FFB];
	_ =	sdelay $0x3  }
0x92: {  	_ =	strace s17  }
0x93: {  	s2 =	sld [smem:$0x3FFC];
	_ =	sdelay $0x3  }
0x94: {  	_ =	strace s2  }
0x95: {  	s2 =	sld [smem:$0x3FFD];
	_ =	sdelay $0x3  }
0x96: {  	_ =	strace s2  }
0x97: {  	_ =	strace $0x8FFFFFFF  }
0x98: {  	s18 =	sld [smem:$0x3FDB];
	_ =	sdelay $0x1  }
0x99: {  	s19 =	simm.s32 $_scs_section_size  }
0x9a: {  	s4 =	simm.s32 $_size__tile_overlayer_lowered;
	s5 =	simm.s32 $_tile_overlayer_lowered  }
0x9b: {  	s22 =	simm.s32 $0x1BFF;
	s21 =	sshll.u32 s5, $0x1;
	s2 =	sadd.s32 s19, s18  }
0x9c: {  	s6 =	simm.s32 $0x0;
	s20 =	sshll.u32 s4, $0x1;
	s4 =	sadd.s32 s21, s2  }
0x9d: {  	[timem:s6], [sflag:s22] =	dma.local [hbm:s4], s20  }
0x9e: {  	_ =	swait.ge [sflag:s22], s20  }
0x9f: {  	s3 =	ssub.s32 $0x0, s20;
	[sflag:s22] =	ssyncset.done $0x0  }
0xa0: {  	[sflag:s22] =	ssyncadd.s32 s3;
	_ =	sdelay $0x1  }
0xa1: {  	s23 =	simm.s32 $0x1B8B  }
0xa2: {  	_ =	swait.ge [sflag:s23], $0x1  }
0xa3: {  	[sflag:s23] =	ssyncset.done $0x0  }
0xa4: {  	s25 =	simm.s32 $0x1B8E;
	s24 =	sld [smem:$0x3FFE];
	[sflag:s23] =	ssyncadd.s32 $0xFFFFFFFF  }
0xa5: {  	s26 =	simm.s32 $execute0_lowered;
	[smem:$0x3FD2] =	sst s25  }
0xa6: {  	s4 =	sshll.u32 s26, $0x1;
	_ =	strace $0x8000004F;
	[dreg:$0x1] =	wrdreg $0xFFFFFFFF  }
0xa7: {  	s28 =	simm.s32 $_size_execute0_lowered;
	s2 =	sadd.s32 s2, s4;
	[dreg:$0x0] =	wrdreg $0x0  }
0xa8: {  	s4 =	sshll.u32 s28, $0x1;
	[dreg:$0x2] =	wrdreg s2  }
0xa9: {  	[dreg:$0x3] =	wrdreg s4  }
0xaa: {  	[dreg:$0x4] =	wrdreg $0xC0  }
0xab: {  	_ =	task [dreg:s6], $0x5FFFF  }
0xac: {  	[dreg:$0x1] =	wrdreg $0xFFFFFFFF  }
0xad: {  	[dreg:$0x0] =	wrdreg $0x60  }
0xae: {  	[dreg:$0x2] =	wrdreg s24  }
0xaf: {  	[dreg:$0x3] =	wrdreg $0x7C000  }
0xb0: {  	[dreg:$0x4] =	wrdreg $0x9  }
0xb1: {  	_ =	task.clear_ibuf [dreg:s6], $0x5FFFF;
	_ =	strace $0x9000004F  }
0xb2: {  	s29 =	simm.s32 $0x9;
	_ =	strace $0x80000051  }
0xb3: {  	_ =	swait.ge [sflag:s29], $0x1  }
0xb4: {  	[sflag:s29] =	ssyncadd.s32 $0xFFFFFFFF  }
0xb5: {  	_ =	strace $0x90000051  }
0xb6: {  	_ =	sfence  }
0xb7: {  	s30 =	sld [smem:$0x0];
	_ =	sdelay $0x2  }
0xb8: {  	s31 =	sshll.u32 s1, $0xD;
	s1 =	sshrl.u32 s1, $0x2  }
0xb9: {  	s3 =	sand.u32 $0x4000, s31;
	s1 =	sadd.s32 s1, s30  }
0xba: {  	s0 =	sor.u32 s3, s0;
	s1 =	sshll.u32 s1, $0x11  }
0xbb: {  	s0 =	sor.u32 s1, s0  }
0xbc: {  	s0 =	sadd.s32 $0x8F2B, s0  }
0xbd: {  	[sflag:s0] =	ssyncadd.remote.s32 $0x1  }
0xbe: {  	_ =	sfence.sel $0xFFFF  }
0xbf: {  	[dreg:$0x0] =	wrdreg $0xFFFFFFFF;
	(pc) =	sbr.abs _section_cstart, $3  }
0xc0: {  	[dreg:$0x1] =	wrdreg $0xFFFFFFFF  }
0xc1: {  	_ =	task.clear_ibuf [dreg:s6], $0x2FFFF;
	_ =	strace $0x9FFFFFFF  }
0xc2: {  	(tm) =	ssettm $0x7FFFFFFF  }
0xc3: {  	_ =	shalt  }
tec
execute0_lowered:
.L_overlay_start_1:
0x0: {  	(tag) =	ssettag $0x1  }
0x1: {  	s1 =	srdreg.scid;
	s0 =	stileid.u32  }
0x2: {  	s20 =	rddreg [dreg:$0x0];
	s18 =	sand.u32 $0x1, s1;
	s4 =	sshll.u32 s0, $0x1  }
0x3: {  	s2 =	rddreg [dreg:$0x1];
	s3 =	simm.s32 $0x0;
	s4 =	sor.u32 s18, s4  }
0x4: {  	s7 =	simm.s32 $0x30;
	[smem:$0x7FF] =	sst s3;
	s5 =	sshll.u32 s4, $0x7  }
0x5: {  	s1 =	rddreg [dreg:$0x2];
	_ =	strace $0x80000050;
	s28 =	sadd.s32 s5, s20  }
0x6: {  	s6 =	smul.u32 $0x2800, s4;
	s4 =	simm.s32 $0x1;
	s5 =	sadd.s32 $0xCB800, s28  }
0x7: {  	[tilespmem:s3], [sflag:$0x1] =	stream.linear.gather [hbm4b:s5+s3], $0x400, $0x38;
	[tilespmem:$0xF400] =	vst v63  }
0x8: {  	s8 =	simm.s32 $0x80;
	s9 =	simm.s32 $0x400;
	_ =	swait.ge [sflag:s4], $0x400  }
0x9: {  	s10 =	smul.u32 $0x7800, s0;
	s6 =	sadd.s32 s6, s20;
	[sflag:s4] =	ssyncset.done $0x0  }
0xa: {  	s29 =	sshll.u32 s0, $0x6;
	s6 =	sadd.s32 $0x64600, s6;
	[sflag:s4] =	ssyncadd.s32 $0xFFFFFC00  }
0xb: {  	[tilespmem:s9], [sflag:$0x1] =	stream.strided.gather [hbm4b:s6+s7], $0x7800, s8, s7, $0x38;
	[tilespmem:$0xF400] =	vst v63  }
0xc: {  	s11 =	sshrl.u32 s10, $0x3;
	s12 =	sadd.s32 s10, s2;
	_ =	swait.ge [sflag:s4], $0x7800  }
0xd: {  	s11 =	sadd.s32 s11, s20;
	s12 =	sshrl.u32 s12, $0x3;
	[sflag:s4] =	ssyncset.done $0x0  }
0xe: {  	s10 =	sadd.s32 $0x55600, s11;
	s11 =	sor.u32 $0x1C01, s29;
	[sflag:s4] =	ssyncadd.s32 $0xFFFF8800  }
0xf: {  	[spmem:s12], [sflag:s11] =	dma.local [hbm:s10], $0xF00  }
0x10: {  	_ =	swait.ge [sflag:s4], $0xF00  }
0x11: {  	[sflag:s4] =	ssyncset.done $0x0  }
0x12: {  	[sflag:s4] =	ssyncadd.s32 $0xFFFFF100  }
0x13: {  	[bflag:$0x0] =	sbarrier.arrive $0xFFFF  }
0x14: {  	[spmem:s2] =	stream.indirect.scatter.add.f32 [tilespmem:s9], [sflag:$0x1], $0x30, s3, s8, $0xb8;
	[tilespmem:$0xF400] =	vst v63  }
0x15: {  	_ =	swait.ge [sflag:s4], $0x1800  }
0x16: {  	[sflag:s4] =	ssyncset.done $0x0  }
0x17: {  	s13 =	simm.s32 $0x1C00;
	[sflag:s4] =	ssyncadd.s32 $0xFFFFE800  }
0x18: {  	[spmem:s2] =	stream.indirect.scatter.add.f32 [tilespmem:s13], [sflag:$0x1], $0x30, s8, s8, $0xb8;
	[tilespmem:$0xF400] =	vst v63  }
0x19: {  	_ =	swait.ge [sflag:s4], $0x1800  }
0x1a: {  	[sflag:s4] =	ssyncset.done $0x0  }
0x1b: {  	s14 =	simm.s32 $0x100;
	s15 =	simm.s32 $0x3400;
	[sflag:s4] =	ssyncadd.s32 $0xFFFFE800  }
0x1c: {  	[spmem:s2] =	stream.indirect.scatter.add.f32 [tilespmem:s15], [sflag:$0x1], $0x30, s14, s8, $0xb8;
	[tilespmem:$0xF400] =	vst v63  }
0x1d: {  	_ =	swait.ge [sflag:s4], $0x1800  }
0x1e: {  	s16 =	simm.s32 $0x180;
	[sflag:s4] =	ssyncset.done $0x0  }
0x1f: {  	s17 =	simm.s32 $0x4C00;
	s19 =	simm.s32 $0x6400;
	[sflag:s4] =	ssyncadd.s32 $0xFFFFE800  }
0x20: {  	[spmem:s2] =	stream.indirect.scatter.add.f32 [tilespmem:s17], [sflag:$0x1], $0x30, s16, s8, $0xb8;
	[tilespmem:$0xF400] =	vst v63  }
0x21: {  	s22 =	smul.u32 $0x2800, s0;
	s23 =	ssub.s32 $0x2, s18;
	_ =	swait.ge [sflag:s4], $0x1800  }
0x22: {  	s21 =	smul.u32 $0x28000, s18;
	s30 =	sshrl.u32 s23, $0x1;
	[sflag:s4] =	ssyncset.done $0x0  }
0x23: {  	s18 =	simm.s32 $0x200;
	s31 =	ssub.s32 s23, s30;
	[sflag:s4] =	ssyncadd.s32 $0xFFFFE800  }
0x24: {  	[spmem:s2] =	stream.indirect.scatter.add.f32 [tilespmem:s19], [sflag:$0x1], $0x30, s18, s8, $0xb8;
	[tilespmem:$0xF400] =	vst v63  }
0x25: {  	s21 =	sadd.s32 s22, s21;
	s23 =	smax.u32 s31, $0x1;
	_ =	swait.ge [sflag:s4], $0x1800  }
0x26: {  	s22 =	simm.s32 $0x6;
	p0 =	sne.s32 s23, $0x1;
	[sflag:s4] =	ssyncset.done $0x0  }
.Ltmp0:
0x27: {  	s20 =	sadd.s32 s21, s20;
	[sflag:s4] =	ssyncadd.s32 $0xFFFFE800;
	(pc) =	sbr.rel @!p0 .LBB2_2-.Ltmp0, $4  }
0x28: {  	s21 =	simm.s32 $0x10;
	s20 =	sadd.s32 $0xCC800, s20;
	[bflag:$0x0] =	sbarrier.arrive $0xFFFF  }
0x29: {  	[hbm:s20@s21], [sflag:s11] =	dma.strided [spmem:s12@s22], $0xF00, s4, $0x6   }
0x2a: {  	_ =	swait.ge [sflag:s4], $0xF00  }
0x2b: {  	s23 =	sadd.s32 $0xFFFFFFFF, s23;
	[sflag:s4] =	ssyncset.done $0x0  }
.LBB2_1:
0x2c: {  	p0 =	sne.s32 s23, $0x1;
	s23 =	sadd.s32 $0xFFFFFFFF, s23;
	[sflag:s4] =	ssyncadd.s32 $0xFFFFF100  }
0x2d: {  	[tilespmem:s3], [sflag:$0x1] =	stream.linear.gather [hbm4b:s5+s3], $0x400, $0x38;
	[tilespmem:$0xF400] =	vst v63  }
0x2e: {  	_ =	swait.ge [sflag:s4], $0x400  }
0x2f: {  	[sflag:s4] =	ssyncset.done $0x0  }
0x30: {  	[sflag:s4] =	ssyncadd.s32 $0xFFFFFC00  }
0x31: {  	[tilespmem:s9], [sflag:$0x1] =	stream.strided.gather [hbm4b:s6+s7], $0x7800, s8, s7, $0x38;
	[tilespmem:$0xF400] =	vst v63  }
0x32: {  	_ =	swait.ge [sflag:s4], $0x7800  }
0x33: {  	[sflag:s4] =	ssyncset.done $0x0  }
0x34: {  	[sflag:s4] =	ssyncadd.s32 $0xFFFF8800  }
0x35: {  	[spmem:s12], [sflag:s11] =	dma.local [hbm:s10], $0xF00  }
0x36: {  	_ =	swait.ge [sflag:s4], $0xF00  }
0x37: {  	[sflag:s4] =	ssyncset.done $0x0  }
0x38: {  	[sflag:s4] =	ssyncadd.s32 $0xFFFFF100  }
0x39: {  	[bflag:$0x0] =	sbarrier.arrive $0xFFFF  }
0x3a: {  	[spmem:s2] =	stream.indirect.scatter.add.f32 [tilespmem:s9], [sflag:$0x1], $0x30, s3, s8, $0xb8;
	[tilespmem:$0xF400] =	vst v63  }
0x3b: {  	_ =	swait.ge [sflag:s4], $0x1800  }
0x3c: {  	[sflag:s4] =	ssyncset.done $0x0  }
0x3d: {  	[sflag:s4] =	ssyncadd.s32 $0xFFFFE800  }
0x3e: {  	[spmem:s2] =	stream.indirect.scatter.add.f32 [tilespmem:s13], [sflag:$0x1], $0x30, s8, s8, $0xb8;
	[tilespmem:$0xF400] =	vst v63  }
0x3f: {  	_ =	swait.ge [sflag:s4], $0x1800  }
0x40: {  	[sflag:s4] =	ssyncset.done $0x0  }
0x41: {  	[sflag:s4] =	ssyncadd.s32 $0xFFFFE800  }
0x42: {  	[spmem:s2] =	stream.indirect.scatter.add.f32 [tilespmem:s15], [sflag:$0x1], $0x30, s14, s8, $0xb8;
	[tilespmem:$0xF400] =	vst v63  }
0x43: {  	_ =	swait.ge [sflag:s4], $0x1800  }
0x44: {  	[sflag:s4] =	ssyncset.done $0x0  }
0x45: {  	[sflag:s4] =	ssyncadd.s32 $0xFFFFE800  }
0x46: {  	[spmem:s2] =	stream.indirect.scatter.add.f32 [tilespmem:s17], [sflag:$0x1], $0x30, s16, s8, $0xb8;
	[tilespmem:$0xF400] =	vst v63  }
0x47: {  	_ =	swait.ge [sflag:s4], $0x1800  }
0x48: {  	[sflag:s4] =	ssyncset.done $0x0  }
0x49: {  	[sflag:s4] =	ssyncadd.s32 $0xFFFFE800  }
0x4a: {  	[spmem:s2] =	stream.indirect.scatter.add.f32 [tilespmem:s19], [sflag:$0x1], $0x30, s18, s8, $0xb8;
	[tilespmem:$0xF400] =	vst v63  }
0x4b: {  	_ =	swait.ge [sflag:s4], $0x1800  }
0x4c: {  	[sflag:s4] =	ssyncset.done $0x0  }
.Ltmp1:
0x4d: {  	[sflag:s4] =	ssyncadd.s32 $0xFFFFE800;
	(pc) =	sbr.rel @p0 .LBB2_1-.Ltmp1, $4  }
0x4e: {  	[bflag:$0x0] =	sbarrier.arrive $0xFFFF  }
0x4f: {  	[hbm:s20@s21], [sflag:s11] =	dma.strided [spmem:s12@s22], $0xF00, s4, $0x6   }
0x50: {  	_ =	swait.ge [sflag:s4], $0xF00  }
0x51: {  	[sflag:s4] =	ssyncset.done $0x0  }
.LBB2_2:
0x52: {  	[sflag:s4] =	ssyncadd.s32 $0xFFFFF100  }
0x53: {  	_ =	sfence.sel $0x180000  }
0x54: {  	[bflag:$0x0] =	sbarrier.arrive $0xFFFF  }
0x55: {  	p0 =	sne.s32 s0, $0x0;
	_ =	strace $0x90000050  }
0x56: {  	s0 =	sadd.s32 @!p0 $0x100000, s1;
	[bflag:$0x2] =	sbarrier.arrive $0xFFFF  }
0x57: {  	[sflag:s0] =	ssyncadd.tile.s32 @!p0 $0x1;
	_ =	shalt  }
.Lfunc_end2:
_tile_overlayer_lowered:
.L_overlay_start_2:
0x58: {  	(tag) =	ssettag $0x2  }
0x59: {  	s0 =	rddreg [dreg:$0x0];
	s2 =	stileid.u32  }
0x5a: {  	s1 =	rddreg [dreg:$0x1];
	p0 =	sne.s32 s2, $0x0  }
0x5b: {  	s3 =	rddreg [dreg:$0x2];
	[bflag:$0x3] =	sbarrier.arrive $0xFFFF;
	s2 =	simm.s32 @!p0 $0x1C01  }
0x5c: {  	[timem:s3], [sflag:s2] =	dma.local @!p0 [hbm:s0], s1  }
0x5d: {  	s0 =	simm.s32 @!p0 $0x1  }
0x5e: {  	_ =	swait.ge @!p0 [sflag:s0], s1  }
0x5f: {  	s1 =	ssub.s32 @!p0 $0x0, s1;
	[sflag:s0] =	ssyncset.done @!p0 $0x0  }
0x60: {  	[sflag:s0] =	ssyncadd.s32 @!p0 s1  }
0x61: {  	[bflag:$0x3] =	sbarrier.arrive $0xFFFF  }
0x62: {  	_ =	shalt  }

</sc_bundles>
